<compile_context>
chip_gen: v7x
topology: tpu7x:2x2x1
jax: 0.10.2.dev20260603
libtpu: 0.0.44.dev20260713+nightly
codegen_flags: <defaults>
</compile_context>

<pallas_src>
import jax
import jax.numpy as jnp
import numpy as np
from jax import lax
from jax.experimental import pallas as pl
from jax.experimental.pallas import tpu as pltpu
import jax.experimental.pallas.tpu_sc as plsc

_SPATIAL_SHAPES = np.array([[100, 100], [50, 50], [25, 25], [13, 13]], dtype=np.int64)
_D = 256
_K = 900
_T = 256
_S = int(_SPATIAL_SHAPES.prod(axis=1).sum())
_R = 1024
_S_PAD = ((_S + _R - 1) // _R) * _R
_NB = _S_PAD // _R
_KP = 1024
_CH = 128
_NV = _S_PAD // 16


def _proj_kernel(x_ref, w_ref, m_ref, y_ref):
    y = jnp.dot(x_ref[0], w_ref[...], preferred_element_type=jnp.float32)
    y_ref[0] = jnp.where(m_ref[0][:, 0:1] > 0.0, y, 0.0)


def _proj_y(x, w_enc, vmask):
    b = x.shape[0]
    return pl.pallas_call(
        _proj_kernel,
        grid=(b, _NB),
        in_specs=[
            pl.BlockSpec((1, _R, _D), lambda bb, ii: (bb, ii, 0)),
            pl.BlockSpec((_D, _D), lambda bb, ii: (0, 0)),
            pl.BlockSpec((1, _R, 2), lambda bb, ii: (bb * _NB + ii, 0, 0)),
        ],
        out_specs=pl.BlockSpec((1, _R, _D), lambda bb, ii: (bb, ii, 0)),
        out_shape=jax.ShapeDtypeStruct((b, _S_PAD, _D), jnp.float32),
    )(x, w_enc, vmask)


def _ln_scores_kernel(y_ref, p_ref, st_ref, t_ref, sc_ref):
    i = pl.program_id(1)
    y = y_ref[0] + p_ref[0:1, :]
    st = st_ref[0]
    oq = (y - st[:, 0:1]) / st[:, 1:2] * p_ref[1:2, :] + p_ref[2:3, :]
    logits = lax.dot_general(oq, t_ref[0], (((1,), (1,)), ((), ())),
                             preferred_element_type=jnp.float32)
    s = jnp.max(logits, axis=1)
    rid = lax.broadcasted_iota(jnp.int32, (_R,), 0) + i * _R
    s = jnp.where(rid < _S, s, -jnp.inf)
    sc_ref[0, 0] = s


def _ln_scores(y0, params, st_p, text):
    b = y0.shape[0]
    scores = pl.pallas_call(
        _ln_scores_kernel,
        grid=(b, _NB),
        in_specs=[
            pl.BlockSpec((1, _R, _D), lambda bb, ii: (bb, ii, 0)),
            pl.BlockSpec((3, _D), lambda bb, ii: (0, 0)),
            pl.BlockSpec((1, _R, 2), lambda bb, ii: (bb, ii, 0)),
            pl.BlockSpec((1, _T, _D), lambda bb, ii: (bb, 0, 0)),
        ],
        out_specs=pl.BlockSpec((1, 1, _R), lambda bb, ii: (bb * _NB + ii, 0, 0)),
        out_shape=jax.ShapeDtypeStruct((b * _NB, 1, _R), jnp.float32),
    )(y0, params, st_p, text)
    return scores.reshape(b, _S_PAD)


def _sc_topk_gather_body(scores_hbm, oqflat_hbm, opflat_hbm,
                         grows_hbm, gop_hbm,
                         scores_v, keys, bins16, ck, corig, bk,
                         sk, ssi, sbb, startv, cntv, curv, oidx,
                         gidx, grows_v, gop_v, sem, sem2):
    nb = scores_hbm.shape[0]
    wid = lax.axis_index("c") * 16 + lax.axis_index("s")

    @pl.when(wid < nb)
    def _():
        bbatch = wid
        base = bbatch * _S_PAD
        iota16 = lax.iota(jnp.int32, 16)
        ones16 = jnp.ones((16,), jnp.int32)

        pltpu.sync_copy(scores_hbm.at[bbatch], scores_v)

        def ld1(ref, pos):
            return ref[pl.ds(pos, 16)][0]

        def st1(ref, pos, val):
            plsc.store_scatter(ref, [jnp.zeros((16,), jnp.int32) + pos],
                               jnp.zeros((16,), jnp.int32) + val,
                               mask=iota16 == 0)

        def zero_bins():
            def zb(i, c):
                bins16[pl.ds(i * 16, 16)] = jnp.zeros((16,), jnp.int32)
                return c
            lax.fori_loop(0, 256, zb, 0)

        zero_bins()

        def conv_hist(j, c):
            bi = scores_v[pl.ds(j * 16, 16)]
            key = bi ^ (lax.shift_right_arithmetic(bi, 31) & jnp.int32(0x7FFFFFFF))
            keys[pl.ds(j * 16, 16)] = key
            byte = lax.shift_right_arithmetic(key, 24) + 128
            plsc.addupdate_scatter(bins16, [byte * 16 + iota16], ones16,
                                   mask=byte >= 0)
            return c

        lax.fori_loop(0, _NV, conv_hist, 0)

        def analyze(target):
            def f(bp, carry):
                acc, vb, accb = carry
                bidx = 255 - bp
                c = jnp.sum(bins16[pl.ds(bidx * 16, 16)])
                found = jnp.logical_and(vb < 0, acc + c >= target)
                vb = jnp.where(found, bidx, vb)
                accb = jnp.where(found, acc, accb)
                return (acc + c, vb, accb)
            _, vb, accb = lax.fori_loop(
                0, 256, f, (jnp.int32(0), jnp.int32(-1), jnp.int32(0)))
            return vb, accb

        vb, accb = analyze(jnp.int32(_K))
        a_cnt = accb
        pref = lax.shift_left(vb - 128, 24)

        for p in (1, 2, 3):
            sh_hi = 32 - 8 * p
            sh_by = 24 - 8 * p
            zero_bins()

            def hist(j, c, pref=pref, sh_hi=sh_hi, sh_by=sh_by):
                key = keys[pl.ds(j * 16, 16)]
                act = lax.shift_right_logical(key ^ pref, sh_hi) == 0
                byte = lax.shift_right_logical(key, sh_by) & 0xFF
                plsc.addupdate_scatter(bins16, [byte * 16 + iota16], ones16, mask=act)
                return c

            lax.fori_loop(0, _NV, hist, 0)
            vb, accb = analyze(_K - a_cnt)
            a_cnt = a_cnt + accb
            pref = pref | lax.shift_left(vb, sh_by)

        thr = pref
        c_gt = a_cnt

        def oi(v, c):
            oidx[pl.ds(v * 16, 16)] = jnp.full((16,), base, jnp.int32)
            return c
        lax.fori_loop(0, _KP // 16, oi, 0)

        def sel(j, carry):
            g, e, km = carry
            key = keys[pl.ds(j * 16, 16)]
            orig = base + j * 16 + iota16
            mgt = key > thr
            meq = key == thr
            gi = mgt.astype(jnp.int32)
            exc = plsc.cumsum(gi) - gi
            plsc.store_scatter(ck, [g + exc], key, mask=mgt)
            plsc.store_scatter(corig, [g + exc], orig, mask=mgt)
            ei = meq.astype(jnp.int32)
            eexc = plsc.cumsum(ei) - ei
            pos = jnp.minimum(c_gt + e + eexc, _KP - 1)
            take = jnp.logical_and(meq, c_gt + e + eexc < _K)
            plsc.store_scatter(oidx, [pos], orig, mask=take)
            km = jnp.maximum(km, jnp.max(jnp.where(mgt, key, thr)))
            return (g + jnp.sum(gi), e + jnp.sum(ei), km)

        _, _, kmax = lax.fori_loop(0, _NV, sel,
                                   (jnp.int32(0), jnp.int32(0), thr))

        th_h = lax.shift_right_arithmetic(thr, 1)
        dmax = lax.shift_right_arithmetic(kmax, 1) - th_h

        def shloop(carry):
            d, sh = carry
            return (lax.shift_right_logical(d, 1), sh + 1)

        _, shift = lax.while_loop(lambda c: c[0] > 255, shloop,
                                  (dmax, jnp.int32(0)))
        zero_bins()
        nvc = (c_gt + 15) // 16

        def hb(v, c):
            lane = v * 16 + iota16
            valid = lane < c_gt
            key = ck[pl.ds(v * 16, 16)]
            bkt = jnp.clip(lax.shift_right_logical(
                lax.shift_right_arithmetic(key, 1) - th_h, shift), 0, 255)
            bk[pl.ds(v * 16, 16)] = bkt
            plsc.addupdate_scatter(bins16, [bkt * 16 + iota16],
                                   jnp.where(valid, 1, 0).astype(jnp.int32))
            return c

        lax.fori_loop(0, nvc, hb, 0)

        def mkstart(bp, acc):
            bidx = 255 - bp
            c = jnp.sum(bins16[pl.ds(bidx * 16, 16)])
            startv[bidx] = acc
            cntv[bidx] = c
            curv[bidx] = jnp.int32(0)
            return acc + c


        lax.fori_loop(0, 256, mkstart, jnp.int32(0))

        def scat(p, c):
            bkt = ld1(bk, p)
            pos = startv[bkt] + curv[bkt]
            curv[bkt] = curv[bkt] + 1
            st1(sk, pos, ld1(ck, p))
            st1(ssi, pos, ld1(corig, p))
            st1(sbb, pos, bkt)
            return c

        lax.fori_loop(0, c_gt, scat, 0)

        def rank(p, c):
            bkt = ld1(sbb, p)
            s0 = startv[bkt]
            e0 = s0 + cntv[bkt]
            kp = ld1(sk, p)

            def cond(cr):
                q0, _ = cr
                return q0 < e0

            def bodyw(cr):
                q0, acc = cr
                kq = sk[pl.ds(q0, 16)]
                lane = q0 + iota16
                m = jnp.logical_and(lane >= s0, lane < e0)
                hit = jnp.logical_or(kq > kp,
                                     jnp.logical_and(kq == kp, lane < p))
                acc = acc + jnp.where(jnp.logical_and(m, hit), 1, 0)
                return (q0 + 16, acc)

            q0i = (s0 // 16) * 16
            _, accv = lax.while_loop(cond, bodyw,
                                     (q0i, jnp.zeros((16,), jnp.int32)))
            r = s0 + jnp.sum(accv)
            st1(oidx, r, ld1(ssi, p))
            return c

        lax.fori_loop(0, c_gt, rank, 0)

        for cchunk in range(_KP // _CH):
            for v in range(_CH // 16):
                gidx[pl.ds(v * 16, 16)] = oidx[pl.ds(cchunk * _CH + v * 16, 16)]
            pltpu.async_copy(oqflat_hbm.at[gidx], grows_v, sem).wait()
            pltpu.sync_copy(
                grows_v, grows_hbm.at[pl.ds(bbatch * _KP + cchunk * _CH, _CH)])
            pltpu.async_copy(opflat_hbm.at[gidx], gop_v, sem2).wait()
            pltpu.sync_copy(
                gop_v, gop_hbm.at[pl.ds(bbatch * _KP + cchunk * _CH, _CH)])


def _sc_topk_gather(scores, oqflat, opflat):
    scores = lax.bitcast_convert_type(scores, jnp.int32)
    b = scores.shape[0]
    mesh = plsc.VectorSubcoreMesh(core_axis_name="c", subcore_axis_name="s")
    fn = pl.kernel(
        _sc_topk_gather_body,
        out_type=[
            jax.ShapeDtypeStruct((b * _KP, _D), jnp.float32),
            jax.ShapeDtypeStruct((b * _KP, 128), jnp.float32),
        ],
        mesh=mesh,
        compiler_params=pltpu.CompilerParams(needs_layout_passes=False),
        scratch_types=[
            pltpu.VMEM((_S_PAD,), jnp.int32),
            pltpu.VMEM((_S_PAD,), jnp.int32),
            pltpu.VMEM((4096,), jnp.int32),
            pltpu.VMEM((960,), jnp.int32),
            pltpu.VMEM((960,), jnp.int32),
            pltpu.VMEM((960,), jnp.int32),
            pltpu.VMEM((960,), jnp.int32),
            pltpu.VMEM((960,), jnp.int32),
            pltpu.VMEM((960,), jnp.int32),
            pltpu.SMEM((256,), jnp.int32),
            pltpu.SMEM((256,), jnp.int32),
            pltpu.SMEM((256,), jnp.int32),
            pltpu.VMEM((_KP,), jnp.int32),
            pltpu.VMEM((_CH,), jnp.int32),
            pltpu.VMEM((_CH, _D), jnp.float32),
            pltpu.VMEM((_CH, 128), jnp.float32),
            pltpu.SemaphoreType.DMA,
            pltpu.SemaphoreType.DMA,
        ],
    )
    return fn(scores, oqflat, opflat)


def _mlp_kernel(g_ref, opg_ref, p_ref, w1_ref, w2_ref, w3_ref, bb_ref, b3_ref, o_ref):
    aux = opg_ref[0]
    y = g_ref[0] + p_ref[0:1, :]
    g = (y - aux[:, 4:5]) / aux[:, 5:6] * p_ref[1:2, :] + p_ref[2:3, :]
    h1 = jnp.maximum(jnp.dot(g, w1_ref[...], preferred_element_type=jnp.float32)
                     + bb_ref[0:1, :], 0.0)
    h2 = jnp.maximum(jnp.dot(h1, w2_ref[...], preferred_element_type=jnp.float32)
                     + bb_ref[1:2, :], 0.0)
    delta = (jnp.dot(h2, w3_ref[...], preferred_element_type=jnp.float32)
             + b3_ref[0:1, :])
    x = delta + opg_ref[0]
    o_ref[0] = 1.0 / (1.0 + jnp.exp(-x))


def _mlp_head(grows, opg, params, w1, w2, w3p, b12, b3p):
    b = grows.shape[0]
    return pl.pallas_call(
        _mlp_kernel,
        grid=(b,),
        in_specs=[
            pl.BlockSpec((1, _KP, _D), lambda bb: (bb, 0, 0)),
            pl.BlockSpec((1, _KP, 128), lambda bb: (bb, 0, 0)),
            pl.BlockSpec((3, _D), lambda bb: (0, 0)),
            pl.BlockSpec((_D, _D), lambda bb: (0, 0)),
            pl.BlockSpec((_D, _D), lambda bb: (0, 0)),
            pl.BlockSpec((_D, 128), lambda bb: (0, 0)),
            pl.BlockSpec((2, _D), lambda bb: (0, 0)),
            pl.BlockSpec((1, 128), lambda bb: (0, 0)),
        ],
        out_specs=pl.BlockSpec((1, _KP, 128), lambda bb: (bb, 0, 0)),
        out_shape=jax.ShapeDtypeStruct((b, _KP, 128), jnp.float32),
    )(grows, opg, params, w1, w2, w3p, b12, b3p)


@jax.jit
def kernel(enc_vision, enc_text, mask_flatten, text_token_mask, spatial_shapes,
           W_enc, b_enc, ln_g, ln_b, W1, b1, W2, b2, W3, b3, query_embeds):
    B = enc_vision.shape[0]
    ss_zero = (jnp.sum(spatial_shapes) * 0).astype(jnp.float32)

    params = jnp.stack([b_enc, ln_g, ln_b])

    padding_mask = ~mask_flatten
    props = []
    cur = 0
    for level in range(_SPATIAL_SHAPES.shape[0]):
        h = int(_SPATIAL_SHAPES[level, 0]); w = int(_SPATIAL_SHAPES[level, 1])
        m = padding_mask[:, cur:cur + h * w].reshape(B, h, w, 1)
        valid_h = jnp.sum(~m[:, :, 0, 0], axis=1).astype(jnp.float32)
        valid_w = jnp.sum(~m[:, 0, :, 0], axis=1).astype(jnp.float32)
        gy, gx = jnp.meshgrid(jnp.arange(h, dtype=jnp.float32),
                              jnp.arange(w, dtype=jnp.float32), indexing="ij")
        grid = jnp.concatenate([gx[..., None], gy[..., None]], axis=-1)
        sc = jnp.concatenate([valid_w[:, None], valid_h[:, None]],
                             axis=1).reshape(B, 1, 1, 2)
        grid = (jnp.broadcast_to(grid[None], (B, h, w, 2)) + 0.5) / sc
        wh = jnp.ones_like(grid) * 0.05 * (2.0 ** level)
        props.append(jnp.concatenate([grid, wh], axis=-1).reshape(B, -1, 4))
        cur += h * w
    opc = jnp.concatenate(props, axis=1)
    validc = jnp.all((opc > 0.01) & (opc < 0.99), axis=-1)
    opc = jnp.log(opc / (1 - opc))
    opc = jnp.where(padding_mask[..., None], jnp.inf, opc)
    opc = jnp.where(~validc[..., None], jnp.inf, opc) + ss_zero

    row_ok = (validc & ~padding_mask).astype(jnp.float32)
    vmask = jnp.pad(row_ok, ((0, 0), (0, _S_PAD - _S)))
    vmask = jnp.stack([vmask, vmask], axis=-1).reshape(B * _NB, _R, 2)

    y0 = _proj_y(enc_vision, W_enc, vmask)
    yb = y0[:, :_S, :] + b_enc
    mst = jnp.mean(yb, axis=-1)
    vst = jnp.mean((yb - mst[..., None]) ** 2, axis=-1)
    rst = jnp.sqrt(vst + 1e-5)
    st_p = jnp.pad(jnp.stack([mst, rst], axis=-1),
                   ((0, 0), (0, _S_PAD - _S), (0, 0)),
                   constant_values=1.0)

    scores = _ln_scores(y0, params, st_p, enc_text)

    aux = jnp.concatenate([opc, mst[..., None], rst[..., None]], axis=-1)
    auxp = jnp.pad(aux, ((0, 0), (0, _S_PAD - _S), (0, 122)),
                   constant_values=1.0)

    grows, gop = _sc_topk_gather(scores,
                                 y0.reshape(B * _S_PAD, _D),
                                 auxp.reshape(B * _S_PAD, 128))

    grows = grows.reshape(B, _KP, _D)
    opg = gop.reshape(B, _KP, 128)
    w3p = jnp.pad(W3, ((0, 0), (0, 124)))
    b3p = jnp.pad(b3, (0, 124))[None, :]
    b12 = jnp.stack([b1, b2])

    out = _mlp_head(grows, opg, params, W1, W2, w3p, b12, b3p)
    init_reference_points = out[:, :_K, :4]
    target = jnp.broadcast_to(query_embeds[None], (B, _K, _D))
    return (target, init_reference_points)

# --- scband reference (transcript-rebuilt; emitter-appended) ---
"""Pipeline reference for scband-hugging-face-query-selector-adapter-77163382440604 (READ-ONLY COPY).

The authoritative reference and input builder live on the scoring server;
editing this copy changes nothing except your own understanding.
"""

import jax, jax.numpy as jnp
import numpy as np

SPATIAL_SHAPES = np.array([[100, 100], [50, 50], [25, 25], [13, 13]], dtype=np.int64)
D = 256
NUM_QUERIES = 900


def setup_inputs(seed: int = 0) -> dict:
    key = jax.random.key(seed)
    ks = jax.random.split(key, 8)
    B = 4
    S = int(SPATIAL_SHAPES.prod(axis=1).sum())
    T = 256
    sc = 1.0 / np.sqrt(D)
    inp = {}
    inp["enc_vision"] = jax.random.normal(ks[0], (B, S, D), dtype=jnp.float32)
    inp["enc_text"] = jax.random.normal(ks[1], (B, T, D), dtype=jnp.float32)
    inp["mask_flatten"] = jnp.ones((B, S), dtype=bool)
    inp["text_token_mask"] = jnp.ones((B, T), dtype=bool)
    inp["spatial_shapes"] = jnp.asarray(SPATIAL_SHAPES)
    inp["W_enc"] = jax.random.normal(ks[2], (D, D), dtype=jnp.float32) * sc
    inp["b_enc"] = jnp.zeros((D,), dtype=jnp.float32)
    inp["ln_g"] = jnp.ones((D,), dtype=jnp.float32)
    inp["ln_b"] = jnp.zeros((D,), dtype=jnp.float32)
    inp["W1"] = jax.random.normal(ks[3], (D, D), dtype=jnp.float32) * sc
    inp["b1"] = jnp.zeros((D,), dtype=jnp.float32)
    inp["W2"] = jax.random.normal(ks[4], (D, D), dtype=jnp.float32) * sc
    inp["b2"] = jnp.zeros((D,), dtype=jnp.float32)
    inp["W3"] = jax.random.normal(ks[5], (D, 4), dtype=jnp.float32) * sc
    inp["b3"] = jnp.zeros((4,), dtype=jnp.float32)
    inp["query_embeds"] = jax.random.normal(ks[6], (NUM_QUERIES, D), dtype=jnp.float32)
    return inp


def _layernorm(x, g, b, eps=1e-5):
    m = x.mean(-1, keepdims=True)
    v = ((x - m) ** 2).mean(-1, keepdims=True)
    return (x - m) / jnp.sqrt(v + eps) * g + b


def _gen_proposals(enc_output, padding_mask, ss, W_enc, b_enc, ln_g, ln_b):
    B = enc_output.shape[0]
    props = []
    cur = 0
    for level in range(ss.shape[0]):
        h = int(ss[level, 0]); w = int(ss[level, 1])
        m = padding_mask[:, cur:cur + h * w].reshape(B, h, w, 1)
        valid_h = jnp.sum(~m[:, :, 0, 0], axis=1).astype(jnp.float32)
        valid_w = jnp.sum(~m[:, 0, :, 0], axis=1).astype(jnp.float32)
        gy, gx = jnp.meshgrid(jnp.arange(h, dtype=jnp.float32), jnp.arange(w, dtype=jnp.float32), indexing="ij")
        grid = jnp.concatenate([gx[..., None], gy[..., None]], axis=-1)
        scale = jnp.concatenate([valid_w[:, None], valid_h[:, None]], axis=1).reshape(B, 1, 1, 2)
        grid = (jnp.broadcast_to(grid[None], (B, h, w, 2)) + 0.5) / scale
        wh = jnp.ones_like(grid) * 0.05 * (2.0 ** level)
        props.append(jnp.concatenate([grid, wh], axis=-1).reshape(B, -1, 4))
        cur += h * w
    op = jnp.concatenate(props, axis=1)
    valid = jnp.all((op > 0.01) & (op < 0.99), axis=-1, keepdims=True)
    op = jnp.log(op / (1 - op))
    op = jnp.where(padding_mask[..., None], jnp.inf, op)
    op = jnp.where(~valid, jnp.inf, op)
    oq = jnp.where(padding_mask[..., None], 0.0, enc_output)
    oq = jnp.where(~valid, 0.0, oq)
    oq = _layernorm(oq @ W_enc + b_enc, ln_g, ln_b)
    return oq, op


def reference(enc_vision, enc_text, mask_flatten, text_token_mask, spatial_shapes, W_enc, b_enc, ln_g, ln_b, W1, b1, W2, b2, W3, b3, query_embeds):
    ss = SPATIAL_SHAPES
    ss_zero = (jnp.sum(spatial_shapes) * 0).astype(jnp.float32)
    padding_mask = ~mask_flatten
    oq, op = _gen_proposals(enc_vision, padding_mask, ss, W_enc, b_enc, ln_g, ln_b)
    # contrastive class embed: query-text dot product, masked on invalid text tokens
    logits = jnp.einsum("bqd,btd->bqt", oq, enc_text)
    logits = jnp.where(text_token_mask[:, None, :], logits, -jnp.inf)
    # bbox MLP head (3-layer)
    h1 = jax.nn.relu(oq @ W1 + b1)
    h2 = jax.nn.relu(h1 @ W2 + b2)
    delta = h2 @ W3 + b3
    coord_logits = delta + op + ss_zero
    topk_logits = jnp.max(logits, axis=-1)
    _, topk_idx = jax.lax.top_k(topk_logits, NUM_QUERIES)
    B = enc_vision.shape[0]
    tc = jnp.take_along_axis(coord_logits, jnp.broadcast_to(topk_idx[:, :, None], (B, NUM_QUERIES, 4)), axis=1)
    tc = jax.lax.stop_gradient(tc)  # .detach()
    init_reference_points = jax.nn.sigmoid(tc)
    target = jnp.broadcast_to(query_embeds[None], (B, NUM_QUERIES, D))
    return (target, init_reference_points)

if __name__ == "__main__":
    import jax
    _d = setup_inputs()
    print(jax.jit(kernel)(*tuple(_d.values())))

</pallas_src>

<mosaic_0001>
#map = affine_map<(d0, d1) -> (0, 0)>
module attributes {stable_mosaic.version = 14 : i64} {
  func.func @_sc_topk_gather_body(%arg0: i32, %arg1: i32, %arg2: memref<4x13312xi32, #tpu.memory_space<hbm>>, %arg3: memref<53248x256xf32, #tpu.memory_space<hbm>>, %arg4: memref<53248x128xf32, #tpu.memory_space<hbm>>, %arg5: memref<4096x256xf32, #tpu.memory_space<hbm>>, %arg6: memref<4096x128xf32, #tpu.memory_space<hbm>>, %arg7: memref<13312xi32, #tpu.memory_space<vmem>>, %arg8: memref<13312xi32, #tpu.memory_space<vmem>>, %arg9: memref<4096xi32, #tpu.memory_space<vmem>>, %arg10: memref<960xi32, #tpu.memory_space<vmem>>, %arg11: memref<960xi32, #tpu.memory_space<vmem>>, %arg12: memref<960xi32, #tpu.memory_space<vmem>>, %arg13: memref<960xi32, #tpu.memory_space<vmem>>, %arg14: memref<960xi32, #tpu.memory_space<vmem>>, %arg15: memref<960xi32, #tpu.memory_space<vmem>>, %arg16: memref<256xi32, #tpu.memory_space<smem>>, %arg17: memref<256xi32, #tpu.memory_space<smem>>, %arg18: memref<256xi32, #tpu.memory_space<smem>>, %arg19: memref<1024xi32, #tpu.memory_space<vmem>>, %arg20: memref<128xi32, #tpu.memory_space<vmem>>, %arg21: memref<128x256xf32, #tpu.memory_space<vmem>>, %arg22: memref<128x128xf32, #tpu.memory_space<vmem>>, %arg23: memref<!tpu.dma_semaphore, #tpu.memory_space<semaphore_mem>>, %arg24: memref<!tpu.dma_semaphore, #tpu.memory_space<semaphore_mem>>) attributes {dimension_semantics = [#tpu.dimension_semantics<core_parallel>, #tpu.dimension_semantics<subcore_parallel>], iteration_bounds = array<i64: 2, 16>, scalar_prefetch = 0 : i64, scratch_operands = 18 : i64, tpu.core_type = #tpu.core_type<sc_vector_subcore>, window_params = [{transform_indices = #map}, {transform_indices = #map}, {transform_indices = #map}, {transform_indices = #map}, {transform_indices = #map}]} {
    %mul3A = arith.constant 16 : i32
    %mul3A_0 = arith.muli %arg0, %mul3A : i32
    %add3A = arith.addi %mul3A_0, %arg1 : i32
    %lt3A = arith.constant 4 : i32
    %lt3A_1 = arith.cmpi slt, %add3A, %lt3A : i32
    %convert_element_type3A = arith.extui %lt3A_1 : i1 to i32
    %cond3A = arith.constant 0 : i32
    %cond3A_2 = arith.cmpi ne, %convert_element_type3A, %cond3A : i32
    scf.if %cond3A_2 {
      %mul3A_3 = arith.constant 13312 : i32
      %mul3A_4 = arith.muli %add3A, %mul3A_3 : i32
      %iota3A = tpu.iota {dimensions = array<i32: 0>} : vector<16xi32>
      %broadcast_in_dim3A = arith.constant 1 : i32
      %broadcast_in_dim3A_5 = vector.broadcast %broadcast_in_dim3A : i32 to vector<16xi32>
      "tpu.region"() ({
        %run_scoped3A = tpu.sem_alloc : memref<!tpu.dma_semaphore, #tpu.memory_space<semaphore_mem>>
        %dma_start3A_602 = arith.constant 0 : i32
        %dma_start3A_603 = tpu.memref_slice %arg2[%add3A, %dma_start3A_602] : memref<4x13312xi32, #tpu.memory_space<hbm>> -> memref<1x13312xi32, #tpu.memory_space<hbm>>
        %dma_start3A_604 = tpu.memref_squeeze %dma_start3A_603 : memref<1x13312xi32, #tpu.memory_space<hbm>> -> memref<13312xi32, #tpu.memory_space<hbm>>
        %dma_start3A_605 = arith.constant 0 : i32
        %dma_start3A_606 = tpu.memref_slice %arg2[%add3A, %dma_start3A_605] : memref<4x13312xi32, #tpu.memory_space<hbm>> -> memref<1x13312xi32, #tpu.memory_space<hbm>>
        %dma_start3A_607 = tpu.memref_squeeze %dma_start3A_606 : memref<1x13312xi32, #tpu.memory_space<hbm>> -> memref<13312xi32, #tpu.memory_space<hbm>>
        tpu.enqueue_dma source(%dma_start3A_607 : memref<13312xi32, #tpu.memory_space<hbm>>) target(%arg7 : memref<13312xi32, #tpu.memory_space<vmem>>) target_semaphore(%run_scoped3A : memref<!tpu.dma_semaphore, #tpu.memory_space<semaphore_mem>>)
        %dma_wait3A_608 = arith.constant 0 : i32
        %dma_wait3A_609 = tpu.memref_slice %arg2[%add3A, %dma_wait3A_608] : memref<4x13312xi32, #tpu.memory_space<hbm>> -> memref<1x13312xi32, #tpu.memory_space<hbm>>
        %dma_wait3A_610 = tpu.memref_squeeze %dma_wait3A_609 : memref<1x13312xi32, #tpu.memory_space<hbm>> -> memref<13312xi32, #tpu.memory_space<hbm>>
        %dma_wait3A_611 = arith.constant 0 : i32
        %dma_wait3A_612 = tpu.memref_slice %arg2[%add3A, %dma_wait3A_611] : memref<4x13312xi32, #tpu.memory_space<hbm>> -> memref<1x13312xi32, #tpu.memory_space<hbm>>
        %dma_wait3A_613 = tpu.memref_squeeze %dma_wait3A_612 : memref<1x13312xi32, #tpu.memory_space<hbm>> -> memref<13312xi32, #tpu.memory_space<hbm>>
        tpu.wait_dma2 semaphore(%run_scoped3A : memref<!tpu.dma_semaphore, #tpu.memory_space<semaphore_mem>>) src(%dma_wait3A_613 : memref<13312xi32, #tpu.memory_space<hbm>>) dst(%arg7 : memref<13312xi32, #tpu.memory_space<vmem>>)
        tpu.yield
      }) : () -> ()
      %scan3A = arith.constant 0 : i32
      %scan3A_6 = arith.constant 0 : i32
      %scan3A_7 = arith.constant 256 : i32
      %scan3A_8 = arith.addi %scan3A_6, %scan3A_7 : i32
      %scan3A_9 = arith.constant 1 : i32
      scf.for %scan3A_602 = %scan3A_6 to %scan3A_8 step %scan3A_9  : i32 {
        %broadcast_in_dim3A_603 = arith.constant 0 : i32
        %broadcast_in_dim3A_604 = vector.broadcast %broadcast_in_dim3A_603 : i32 to vector<16xi32>
        %mul3A_605 = arith.constant 16 : i32
        %mul3A_606 = arith.muli %scan3A_602, %mul3A_605 : i32
        %swap3A_607 = arith.index_cast %mul3A_606 : i32 to index
        %swap3A_608 = tpu.vector_load %arg9[%swap3A_607] {strides = array<i32>} : memref<4096xi32, #tpu.memory_space<vmem>>, vector<16xi32>,
        tpu.vector_store %arg9[%swap3A_607], %broadcast_in_dim3A_604 {strides = array<i32>} : memref<4096xi32, #tpu.memory_space<vmem>>, vector<16xi32>,
      }
      %scan3A_10 = arith.constant 256 : i32
      %scan3A_11 = arith.constant 0 : i32
      %scan3A_12 = arith.constant 0 : i32
      %scan3A_13 = arith.constant 832 : i32
      %scan3A_14 = arith.addi %scan3A_12, %scan3A_13 : i32
      %scan3A_15 = arith.constant 1 : i32
      scf.for %scan3A_602 = %scan3A_12 to %scan3A_14 step %scan3A_15  : i32 {
        %mul3A_603 = arith.constant 16 : i32
        %mul3A_604 = arith.muli %scan3A_602, %mul3A_603 : i32
        %get3A_605 = arith.index_cast %mul3A_604 : i32 to index
        %get3A_606 = tpu.vector_load %arg7[%get3A_605] {strides = array<i32>} : memref<13312xi32, #tpu.memory_space<vmem>>, vector<16xi32>,
        %shift_right_arithmetic3A_607 = arith.constant 31 : i32
        %shift_right_arithmetic3A_608 = vector.broadcast %shift_right_arithmetic3A_607 : i32 to vector<16xi32>
        %shift_right_arithmetic3A_609 = arith.shrsi %get3A_606, %shift_right_arithmetic3A_608 : vector<16xi32>
        %and3A_610 = arith.constant 2147483647 : i32
        %and3A_611 = vector.broadcast %and3A_610 : i32 to vector<16xi32>
        %and3A_612 = arith.andi %shift_right_arithmetic3A_609, %and3A_611 : vector<16xi32>
        %xor3A = arith.xori %get3A_606, %and3A_612 : vector<16xi32>
        %mul3A_613 = arith.constant 16 : i32
        %mul3A_614 = arith.muli %scan3A_602, %mul3A_613 : i32
        %swap3A_615 = arith.index_cast %mul3A_614 : i32 to index
        %swap3A_616 = tpu.vector_load %arg8[%swap3A_615] {strides = array<i32>} : memref<13312xi32, #tpu.memory_space<vmem>>, vector<16xi32>,
        tpu.vector_store %arg8[%swap3A_615], %xor3A {strides = array<i32>} : memref<13312xi32, #tpu.memory_space<vmem>>, vector<16xi32>,
        %shift_right_arithmetic3A_617 = arith.constant 24 : i32
        %shift_right_arithmetic3A_618 = vector.broadcast %shift_right_arithmetic3A_617 : i32 to vector<16xi32>
        %shift_right_arithmetic3A_619 = arith.shrsi %xor3A, %shift_right_arithmetic3A_618 : vector<16xi32>
        %add3A_620 = arith.constant 128 : i32
        %add3A_621 = vector.broadcast %add3A_620 : i32 to vector<16xi32>
        %add3A_622 = arith.addi %shift_right_arithmetic3A_619, %add3A_621 : vector<16xi32>
        %mul3A_623 = arith.constant 16 : i32
        %mul3A_624 = vector.broadcast %mul3A_623 : i32 to vector<16xi32>
        %mul3A_625 = arith.muli %add3A_622, %mul3A_624 : vector<16xi32>
        %add3A_626 = arith.addi %mul3A_625, %iota3A : vector<16xi32>
        %ge3A = arith.constant 0 : i32
        %ge3A_627 = vector.broadcast %ge3A : i32 to vector<16xi32>
        %ge3A_628 = arith.cmpi sge, %add3A_622, %ge3A_627 : vector<16xi32>
        tpu.vector_store_idx %arg9[%add3A_626], %broadcast_in_dim3A_5 masked %ge3A_628 {add = true} : memref<4096xi32, #tpu.memory_space<vmem>>[vector<16xi32>], vector<16xi32>, vector<16xi1>
      }
      %scan3A_16 = arith.constant 832 : i32
      %scan3A_17 = arith.constant 900 : i32
      %scan3A_18 = arith.constant 0 : i32
      %scan3A_19 = arith.constant -1 : i32
      %scan3A_20 = arith.constant 0 : i32
      %scan3A_21 = arith.constant 0 : i32
      %scan3A_22 = arith.constant 256 : i32
      %scan3A_23 = arith.addi %scan3A_21, %scan3A_22 : i32
      %scan3A_24 = arith.constant 1 : i32
      %scan3A_25:3 = scf.for %scan3A_602 = %scan3A_21 to %scan3A_23 step %scan3A_24 iter_args(%scan3A_603 = %scan3A_18, %scan3A_604 = %scan3A_19, %scan3A_605 = %scan3A_20) -> (i32, i32, i32)  : i32 {
        %sub3A_606 = arith.constant 255 : i32
        %sub3A_607 = arith.subi %sub3A_606, %scan3A_602 : i32
        %mul3A_608 = arith.constant 16 : i32
        %mul3A_609 = arith.muli %sub3A_607, %mul3A_608 : i32
        %get3A_610 = arith.index_cast %mul3A_609 : i32 to index
        %get3A_611 = tpu.vector_load %arg9[%get3A_610] {strides = array<i32>} : memref<4096xi32, #tpu.memory_space<vmem>>, vector<16xi32>,
        %reduce_sum3A = arith.constant true
        %reduce_sum3A_612 = vector.broadcast %reduce_sum3A : i1 to vector<16xi1>
        %reduce_sum3A_613 = tpu.scan <sum>, %get3A_611 masked %reduce_sum3A_612 : vector<16xi32>, vector<16xi1> -> vector<16xi32>
        %reduce_sum3A_614 = vector.extract %reduce_sum3A_613[15] : i32 from vector<16xi32>
        %lt3A_615 = arith.constant 0 : i32
        %lt3A_616 = arith.cmpi slt, %scan3A_604, %lt3A_615 : i32
        %add3A_617 = arith.addi %scan3A_603, %reduce_sum3A_614 : i32
        %ge3A = arith.cmpi sge, %add3A_617, %scan3A_17 : i32
        %and3A_618 = arith.andi %lt3A_616, %ge3A : i1
        %select_n3A_619 = arith.select %and3A_618, %sub3A_607, %scan3A_604 : i32
        %select_n3A_620 = arith.select %and3A_618, %scan3A_603, %scan3A_605 : i32
        %add3A_621 = arith.addi %scan3A_603, %reduce_sum3A_614 : i32
        scf.yield %add3A_621, %select_n3A_619, %select_n3A_620 : i32, i32, i32
      }
      %scan3A_26 = arith.constant 256 : i32
      %sub3A = arith.constant 128 : i32
      %sub3A_27 = arith.subi %scan3A_25#1, %sub3A : i32
      %shift_left3A = arith.constant 24 : i32
      %shift_left3A_28 = arith.shli %sub3A_27, %shift_left3A : i32
      %scan3A_29 = arith.constant 0 : i32
      %scan3A_30 = arith.constant 0 : i32
      %scan3A_31 = arith.constant 256 : i32
      %scan3A_32 = arith.addi %scan3A_30, %scan3A_31 : i32
      %scan3A_33 = arith.constant 1 : i32
      scf.for %scan3A_602 = %scan3A_30 to %scan3A_32 step %scan3A_33  : i32 {
        %broadcast_in_dim3A_603 = arith.constant 0 : i32
        %broadcast_in_dim3A_604 = vector.broadcast %broadcast_in_dim3A_603 : i32 to vector<16xi32>
        %mul3A_605 = arith.constant 16 : i32
        %mul3A_606 = arith.muli %scan3A_602, %mul3A_605 : i32
        %swap3A_607 = arith.index_cast %mul3A_606 : i32 to index
        %swap3A_608 = tpu.vector_load %arg9[%swap3A_607] {strides = array<i32>} : memref<4096xi32, #tpu.memory_space<vmem>>, vector<16xi32>,
        tpu.vector_store %arg9[%swap3A_607], %broadcast_in_dim3A_604 {strides = array<i32>} : memref<4096xi32, #tpu.memory_space<vmem>>, vector<16xi32>,
      }
      %scan3A_34 = arith.constant 256 : i32
      %scan3A_35 = arith.constant 0 : i32
      %scan3A_36 = arith.constant 0 : i32
      %scan3A_37 = arith.constant 832 : i32
      %scan3A_38 = arith.addi %scan3A_36, %scan3A_37 : i32
      %scan3A_39 = arith.constant 1 : i32
      scf.for %scan3A_602 = %scan3A_36 to %scan3A_38 step %scan3A_39  : i32 {
        %mul3A_603 = arith.constant 16 : i32
        %mul3A_604 = arith.muli %scan3A_602, %mul3A_603 : i32
        %get3A_605 = arith.index_cast %mul3A_604 : i32 to index
        %get3A_606 = tpu.vector_load %arg8[%get3A_605] {strides = array<i32>} : memref<13312xi32, #tpu.memory_space<vmem>>, vector<16xi32>,
        %xor3A = vector.broadcast %shift_left3A_28 : i32 to vector<16xi32>
        %xor3A_607 = arith.xori %get3A_606, %xor3A : vector<16xi32>
        %shift_right_logical3A = arith.constant 24 : i32
        %shift_right_logical3A_608 = vector.broadcast %shift_right_logical3A : i32 to vector<16xi32>
        %shift_right_logical3A_609 = arith.shrui %xor3A_607, %shift_right_logical3A_608 : vector<16xi32>
        %eq3A = arith.constant 0 : i32
        %eq3A_610 = vector.broadcast %eq3A : i32 to vector<16xi32>
        %eq3A_611 = arith.cmpi eq, %shift_right_logical3A_609, %eq3A_610 : vector<16xi32>
        %shift_right_logical3A_612 = arith.constant 16 : i32
        %shift_right_logical3A_613 = vector.broadcast %shift_right_logical3A_612 : i32 to vector<16xi32>
        %shift_right_logical3A_614 = arith.shrui %get3A_606, %shift_right_logical3A_613 : vector<16xi32>
        %and3A_615 = arith.constant 255 : i32
        %and3A_616 = vector.broadcast %and3A_615 : i32 to vector<16xi32>
        %and3A_617 = arith.andi %shift_right_logical3A_614, %and3A_616 : vector<16xi32>
        %mul3A_618 = arith.constant 16 : i32
        %mul3A_619 = vector.broadcast %mul3A_618 : i32 to vector<16xi32>
        %mul3A_620 = arith.muli %and3A_617, %mul3A_619 : vector<16xi32>
        %add3A_621 = arith.addi %mul3A_620, %iota3A : vector<16xi32>
        tpu.vector_store_idx %arg9[%add3A_621], %broadcast_in_dim3A_5 masked %eq3A_611 {add = true} : memref<4096xi32, #tpu.memory_space<vmem>>[vector<16xi32>], vector<16xi32>, vector<16xi1>
      }
      %scan3A_40 = arith.constant 832 : i32
      %sub3A_41 = arith.constant 900 : i32
      %sub3A_42 = arith.subi %sub3A_41, %scan3A_25#2 : i32
      %scan3A_43 = arith.constant 0 : i32
      %scan3A_44 = arith.constant -1 : i32
      %scan3A_45 = arith.constant 0 : i32
      %scan3A_46 = arith.constant 0 : i32
      %scan3A_47 = arith.constant 256 : i32
      %scan3A_48 = arith.addi %scan3A_46, %scan3A_47 : i32
      %scan3A_49 = arith.constant 1 : i32
      %scan3A_50:3 = scf.for %scan3A_602 = %scan3A_46 to %scan3A_48 step %scan3A_49 iter_args(%scan3A_603 = %scan3A_43, %scan3A_604 = %scan3A_44, %scan3A_605 = %scan3A_45) -> (i32, i32, i32)  : i32 {
        %sub3A_606 = arith.constant 255 : i32
        %sub3A_607 = arith.subi %sub3A_606, %scan3A_602 : i32
        %mul3A_608 = arith.constant 16 : i32
        %mul3A_609 = arith.muli %sub3A_607, %mul3A_608 : i32
        %get3A_610 = arith.index_cast %mul3A_609 : i32 to index
        %get3A_611 = tpu.vector_load %arg9[%get3A_610] {strides = array<i32>} : memref<4096xi32, #tpu.memory_space<vmem>>, vector<16xi32>,
        %reduce_sum3A = arith.constant true
        %reduce_sum3A_612 = vector.broadcast %reduce_sum3A : i1 to vector<16xi1>
        %reduce_sum3A_613 = tpu.scan <sum>, %get3A_611 masked %reduce_sum3A_612 : vector<16xi32>, vector<16xi1> -> vector<16xi32>
        %reduce_sum3A_614 = vector.extract %reduce_sum3A_613[15] : i32 from vector<16xi32>
        %lt3A_615 = arith.constant 0 : i32
        %lt3A_616 = arith.cmpi slt, %scan3A_604, %lt3A_615 : i32
        %add3A_617 = arith.addi %scan3A_603, %reduce_sum3A_614 : i32
        %ge3A = arith.cmpi sge, %add3A_617, %sub3A_42 : i32
        %and3A_618 = arith.andi %lt3A_616, %ge3A : i1
        %select_n3A_619 = arith.select %and3A_618, %sub3A_607, %scan3A_604 : i32
        %select_n3A_620 = arith.select %and3A_618, %scan3A_603, %scan3A_605 : i32
        %add3A_621 = arith.addi %scan3A_603, %reduce_sum3A_614 : i32
        scf.yield %add3A_621, %select_n3A_619, %select_n3A_620 : i32, i32, i32
      }
      %scan3A_51 = arith.constant 256 : i32
      %add3A_52 = arith.addi %scan3A_25#2, %scan3A_50#2 : i32
      %shift_left3A_53 = arith.constant 16 : i32
      %shift_left3A_54 = arith.shli %scan3A_50#1, %shift_left3A_53 : i32
      %or3A = arith.ori %shift_left3A_28, %shift_left3A_54 : i32
      %scan3A_55 = arith.constant 0 : i32
      %scan3A_56 = arith.constant 0 : i32
      %scan3A_57 = arith.constant 256 : i32
      %scan3A_58 = arith.addi %scan3A_56, %scan3A_57 : i32
      %scan3A_59 = arith.constant 1 : i32
      scf.for %scan3A_602 = %scan3A_56 to %scan3A_58 step %scan3A_59  : i32 {
        %broadcast_in_dim3A_603 = arith.constant 0 : i32
        %broadcast_in_dim3A_604 = vector.broadcast %broadcast_in_dim3A_603 : i32 to vector<16xi32>
        %mul3A_605 = arith.constant 16 : i32
        %mul3A_606 = arith.muli %scan3A_602, %mul3A_605 : i32
        %swap3A_607 = arith.index_cast %mul3A_606 : i32 to index
        %swap3A_608 = tpu.vector_load %arg9[%swap3A_607] {strides = array<i32>} : memref<4096xi32, #tpu.memory_space<vmem>>, vector<16xi32>,
        tpu.vector_store %arg9[%swap3A_607], %broadcast_in_dim3A_604 {strides = array<i32>} : memref<4096xi32, #tpu.memory_space<vmem>>, vector<16xi32>,
      }
      %scan3A_60 = arith.constant 256 : i32
      %scan3A_61 = arith.constant 0 : i32
      %scan3A_62 = arith.constant 0 : i32
      %scan3A_63 = arith.constant 832 : i32
      %scan3A_64 = arith.addi %scan3A_62, %scan3A_63 : i32
      %scan3A_65 = arith.constant 1 : i32
      scf.for %scan3A_602 = %scan3A_62 to %scan3A_64 step %scan3A_65  : i32 {
        %mul3A_603 = arith.constant 16 : i32
        %mul3A_604 = arith.muli %scan3A_602, %mul3A_603 : i32
        %get3A_605 = arith.index_cast %mul3A_604 : i32 to index
        %get3A_606 = tpu.vector_load %arg8[%get3A_605] {strides = array<i32>} : memref<13312xi32, #tpu.memory_space<vmem>>, vector<16xi32>,
        %xor3A = vector.broadcast %or3A : i32 to vector<16xi32>
        %xor3A_607 = arith.xori %get3A_606, %xor3A : vector<16xi32>
        %shift_right_logical3A = arith.constant 16 : i32
        %shift_right_logical3A_608 = vector.broadcast %shift_right_logical3A : i32 to vector<16xi32>
        %shift_right_logical3A_609 = arith.shrui %xor3A_607, %shift_right_logical3A_608 : vector<16xi32>
        %eq3A = arith.constant 0 : i32
        %eq3A_610 = vector.broadcast %eq3A : i32 to vector<16xi32>
        %eq3A_611 = arith.cmpi eq, %shift_right_logical3A_609, %eq3A_610 : vector<16xi32>
        %shift_right_logical3A_612 = arith.constant 8 : i32
        %shift_right_logical3A_613 = vector.broadcast %shift_right_logical3A_612 : i32 to vector<16xi32>
        %shift_right_logical3A_614 = arith.shrui %get3A_606, %shift_right_logical3A_613 : vector<16xi32>
        %and3A_615 = arith.constant 255 : i32
        %and3A_616 = vector.broadcast %and3A_615 : i32 to vector<16xi32>
        %and3A_617 = arith.andi %shift_right_logical3A_614, %and3A_616 : vector<16xi32>
        %mul3A_618 = arith.constant 16 : i32
        %mul3A_619 = vector.broadcast %mul3A_618 : i32 to vector<16xi32>
        %mul3A_620 = arith.muli %and3A_617, %mul3A_619 : vector<16xi32>
        %add3A_621 = arith.addi %mul3A_620, %iota3A : vector<16xi32>
        tpu.vector_store_idx %arg9[%add3A_621], %broadcast_in_dim3A_5 masked %eq3A_611 {add = true} : memref<4096xi32, #tpu.memory_space<vmem>>[vector<16xi32>], vector<16xi32>, vector<16xi1>
      }
      %scan3A_66 = arith.constant 832 : i32
      %sub3A_67 = arith.constant 900 : i32
      %sub3A_68 = arith.subi %sub3A_67, %add3A_52 : i32
      %scan3A_69 = arith.constant 0 : i32
      %scan3A_70 = arith.constant -1 : i32
      %scan3A_71 = arith.constant 0 : i32
      %scan3A_72 = arith.constant 0 : i32
      %scan3A_73 = arith.constant 256 : i32
      %scan3A_74 = arith.addi %scan3A_72, %scan3A_73 : i32
      %scan3A_75 = arith.constant 1 : i32
      %scan3A_76:3 = scf.for %scan3A_602 = %scan3A_72 to %scan3A_74 step %scan3A_75 iter_args(%scan3A_603 = %scan3A_69, %scan3A_604 = %scan3A_70, %scan3A_605 = %scan3A_71) -> (i32, i32, i32)  : i32 {
        %sub3A_606 = arith.constant 255 : i32
        %sub3A_607 = arith.subi %sub3A_606, %scan3A_602 : i32
        %mul3A_608 = arith.constant 16 : i32
        %mul3A_609 = arith.muli %sub3A_607, %mul3A_608 : i32
        %get3A_610 = arith.index_cast %mul3A_609 : i32 to index
        %get3A_611 = tpu.vector_load %arg9[%get3A_610] {strides = array<i32>} : memref<4096xi32, #tpu.memory_space<vmem>>, vector<16xi32>,
        %reduce_sum3A = arith.constant true
        %reduce_sum3A_612 = vector.broadcast %reduce_sum3A : i1 to vector<16xi1>
        %reduce_sum3A_613 = tpu.scan <sum>, %get3A_611 masked %reduce_sum3A_612 : vector<16xi32>, vector<16xi1> -> vector<16xi32>
        %reduce_sum3A_614 = vector.extract %reduce_sum3A_613[15] : i32 from vector<16xi32>
        %lt3A_615 = arith.constant 0 : i32
        %lt3A_616 = arith.cmpi slt, %scan3A_604, %lt3A_615 : i32
        %add3A_617 = arith.addi %scan3A_603, %reduce_sum3A_614 : i32
        %ge3A = arith.cmpi sge, %add3A_617, %sub3A_68 : i32
        %and3A_618 = arith.andi %lt3A_616, %ge3A : i1
        %select_n3A_619 = arith.select %and3A_618, %sub3A_607, %scan3A_604 : i32
        %select_n3A_620 = arith.select %and3A_618, %scan3A_603, %scan3A_605 : i32
        %add3A_621 = arith.addi %scan3A_603, %reduce_sum3A_614 : i32
        scf.yield %add3A_621, %select_n3A_619, %select_n3A_620 : i32, i32, i32
      }
      %scan3A_77 = arith.constant 256 : i32
      %add3A_78 = arith.addi %add3A_52, %scan3A_76#2 : i32
      %shift_left3A_79 = arith.constant 8 : i32
      %shift_left3A_80 = arith.shli %scan3A_76#1, %shift_left3A_79 : i32
      %or3A_81 = arith.ori %or3A, %shift_left3A_80 : i32
      %scan3A_82 = arith.constant 0 : i32
      %scan3A_83 = arith.constant 0 : i32
      %scan3A_84 = arith.constant 256 : i32
      %scan3A_85 = arith.addi %scan3A_83, %scan3A_84 : i32
      %scan3A_86 = arith.constant 1 : i32
      scf.for %scan3A_602 = %scan3A_83 to %scan3A_85 step %scan3A_86  : i32 {
        %broadcast_in_dim3A_603 = arith.constant 0 : i32
        %broadcast_in_dim3A_604 = vector.broadcast %broadcast_in_dim3A_603 : i32 to vector<16xi32>
        %mul3A_605 = arith.constant 16 : i32
        %mul3A_606 = arith.muli %scan3A_602, %mul3A_605 : i32
        %swap3A_607 = arith.index_cast %mul3A_606 : i32 to index
        %swap3A_608 = tpu.vector_load %arg9[%swap3A_607] {strides = array<i32>} : memref<4096xi32, #tpu.memory_space<vmem>>, vector<16xi32>,
        tpu.vector_store %arg9[%swap3A_607], %broadcast_in_dim3A_604 {strides = array<i32>} : memref<4096xi32, #tpu.memory_space<vmem>>, vector<16xi32>,
      }
      %scan3A_87 = arith.constant 256 : i32
      %scan3A_88 = arith.constant 0 : i32
      %scan3A_89 = arith.constant 0 : i32
      %scan3A_90 = arith.constant 832 : i32
      %scan3A_91 = arith.addi %scan3A_89, %scan3A_90 : i32
      %scan3A_92 = arith.constant 1 : i32
      scf.for %scan3A_602 = %scan3A_89 to %scan3A_91 step %scan3A_92  : i32 {
        %mul3A_603 = arith.constant 16 : i32
        %mul3A_604 = arith.muli %scan3A_602, %mul3A_603 : i32
        %get3A_605 = arith.index_cast %mul3A_604 : i32 to index
        %get3A_606 = tpu.vector_load %arg8[%get3A_605] {strides = array<i32>} : memref<13312xi32, #tpu.memory_space<vmem>>, vector<16xi32>,
        %xor3A = vector.broadcast %or3A_81 : i32 to vector<16xi32>
        %xor3A_607 = arith.xori %get3A_606, %xor3A : vector<16xi32>
        %shift_right_logical3A = arith.constant 8 : i32
        %shift_right_logical3A_608 = vector.broadcast %shift_right_logical3A : i32 to vector<16xi32>
        %shift_right_logical3A_609 = arith.shrui %xor3A_607, %shift_right_logical3A_608 : vector<16xi32>
        %eq3A = arith.constant 0 : i32
        %eq3A_610 = vector.broadcast %eq3A : i32 to vector<16xi32>
        %eq3A_611 = arith.cmpi eq, %shift_right_logical3A_609, %eq3A_610 : vector<16xi32>
        %shift_right_logical3A_612 = arith.constant 0 : i32
        %shift_right_logical3A_613 = vector.broadcast %shift_right_logical3A_612 : i32 to vector<16xi32>
        %shift_right_logical3A_614 = arith.shrui %get3A_606, %shift_right_logical3A_613 : vector<16xi32>
        %and3A_615 = arith.constant 255 : i32
        %and3A_616 = vector.broadcast %and3A_615 : i32 to vector<16xi32>
        %and3A_617 = arith.andi %shift_right_logical3A_614, %and3A_616 : vector<16xi32>
        %mul3A_618 = arith.constant 16 : i32
        %mul3A_619 = vector.broadcast %mul3A_618 : i32 to vector<16xi32>
        %mul3A_620 = arith.muli %and3A_617, %mul3A_619 : vector<16xi32>
        %add3A_621 = arith.addi %mul3A_620, %iota3A : vector<16xi32>
        tpu.vector_store_idx %arg9[%add3A_621], %broadcast_in_dim3A_5 masked %eq3A_611 {add = true} : memref<4096xi32, #tpu.memory_space<vmem>>[vector<16xi32>], vector<16xi32>, vector<16xi1>
      }
      %scan3A_93 = arith.constant 832 : i32
      %sub3A_94 = arith.constant 900 : i32
      %sub3A_95 = arith.subi %sub3A_94, %add3A_78 : i32
      %scan3A_96 = arith.constant 0 : i32
      %scan3A_97 = arith.constant -1 : i32
      %scan3A_98 = arith.constant 0 : i32
      %scan3A_99 = arith.constant 0 : i32
      %scan3A_100 = arith.constant 256 : i32
      %scan3A_101 = arith.addi %scan3A_99, %scan3A_100 : i32
      %scan3A_102 = arith.constant 1 : i32
      %scan3A_103:3 = scf.for %scan3A_602 = %scan3A_99 to %scan3A_101 step %scan3A_102 iter_args(%scan3A_603 = %scan3A_96, %scan3A_604 = %scan3A_97, %scan3A_605 = %scan3A_98) -> (i32, i32, i32)  : i32 {
        %sub3A_606 = arith.constant 255 : i32
        %sub3A_607 = arith.subi %sub3A_606, %scan3A_602 : i32
        %mul3A_608 = arith.constant 16 : i32
        %mul3A_609 = arith.muli %sub3A_607, %mul3A_608 : i32
        %get3A_610 = arith.index_cast %mul3A_609 : i32 to index
        %get3A_611 = tpu.vector_load %arg9[%get3A_610] {strides = array<i32>} : memref<4096xi32, #tpu.memory_space<vmem>>, vector<16xi32>,
        %reduce_sum3A = arith.constant true
        %reduce_sum3A_612 = vector.broadcast %reduce_sum3A : i1 to vector<16xi1>
        %reduce_sum3A_613 = tpu.scan <sum>, %get3A_611 masked %reduce_sum3A_612 : vector<16xi32>, vector<16xi1> -> vector<16xi32>
        %reduce_sum3A_614 = vector.extract %reduce_sum3A_613[15] : i32 from vector<16xi32>
        %lt3A_615 = arith.constant 0 : i32
        %lt3A_616 = arith.cmpi slt, %scan3A_604, %lt3A_615 : i32
        %add3A_617 = arith.addi %scan3A_603, %reduce_sum3A_614 : i32
        %ge3A = arith.cmpi sge, %add3A_617, %sub3A_95 : i32
        %and3A_618 = arith.andi %lt3A_616, %ge3A : i1
        %select_n3A_619 = arith.select %and3A_618, %sub3A_607, %scan3A_604 : i32
        %select_n3A_620 = arith.select %and3A_618, %scan3A_603, %scan3A_605 : i32
        %add3A_621 = arith.addi %scan3A_603, %reduce_sum3A_614 : i32
        scf.yield %add3A_621, %select_n3A_619, %select_n3A_620 : i32, i32, i32
      }
      %scan3A_104 = arith.constant 256 : i32
      %add3A_105 = arith.addi %add3A_78, %scan3A_103#2 : i32
      %shift_left3A_106 = arith.constant 0 : i32
      %shift_left3A_107 = arith.shli %scan3A_103#1, %shift_left3A_106 : i32
      %or3A_108 = arith.ori %or3A_81, %shift_left3A_107 : i32
      %scan3A_109 = arith.constant 0 : i32
      %scan3A_110 = arith.constant 0 : i32
      %scan3A_111 = arith.constant 64 : i32
      %scan3A_112 = arith.addi %scan3A_110, %scan3A_111 : i32
      %scan3A_113 = arith.constant 1 : i32
      scf.for %scan3A_602 = %scan3A_110 to %scan3A_112 step %scan3A_113  : i32 {
        %broadcast_in_dim3A_603 = vector.broadcast %mul3A_4 : i32 to vector<16xi32>
        %mul3A_604 = arith.constant 16 : i32
        %mul3A_605 = arith.muli %scan3A_602, %mul3A_604 : i32
        %swap3A_606 = arith.index_cast %mul3A_605 : i32 to index
        %swap3A_607 = tpu.vector_load %arg19[%swap3A_606] {strides = array<i32>} : memref<1024xi32, #tpu.memory_space<vmem>>, vector<16xi32>,
        tpu.vector_store %arg19[%swap3A_606], %broadcast_in_dim3A_603 {strides = array<i32>} : memref<1024xi32, #tpu.memory_space<vmem>>, vector<16xi32>,
      }
      %scan3A_114 = arith.constant 64 : i32
      %scan3A_115 = arith.constant 0 : i32
      %scan3A_116 = arith.constant 0 : i32
      %scan3A_117 = arith.constant 0 : i32
      %scan3A_118 = arith.constant 832 : i32
      %scan3A_119 = arith.addi %scan3A_117, %scan3A_118 : i32
      %scan3A_120 = arith.constant 1 : i32
      %scan3A_121:3 = scf.for %scan3A_602 = %scan3A_117 to %scan3A_119 step %scan3A_120 iter_args(%scan3A_603 = %scan3A_115, %scan3A_604 = %scan3A_116, %scan3A_605 = %or3A_108) -> (i32, i32, i32)  : i32 {
        %mul3A_606 = arith.constant 16 : i32
        %mul3A_607 = arith.muli %scan3A_602, %mul3A_606 : i32
        %get3A_608 = arith.index_cast %mul3A_607 : i32 to index
        %get3A_609 = tpu.vector_load %arg8[%get3A_608] {strides = array<i32>} : memref<13312xi32, #tpu.memory_space<vmem>>, vector<16xi32>,
        %mul3A_610 = arith.constant 16 : i32
        %mul3A_611 = arith.muli %scan3A_602, %mul3A_610 : i32
        %add3A_612 = arith.addi %mul3A_4, %mul3A_611 : i32
        %add3A_613 = vector.broadcast %add3A_612 : i32 to vector<16xi32>
        %add3A_614 = arith.addi %add3A_613, %iota3A : vector<16xi32>
        %gt3A = vector.broadcast %or3A_108 : i32 to vector<16xi32>
        %gt3A_615 = arith.cmpi sgt, %get3A_609, %gt3A : vector<16xi32>
        %eq3A = vector.broadcast %or3A_108 : i32 to vector<16xi32>
        %eq3A_616 = arith.cmpi eq, %get3A_609, %eq3A : vector<16xi32>
        %convert_element_type3A_617 = arith.extui %gt3A_615 : vector<16xi1> to vector<16xi32>
        %broadcast_in_dim3A_618 = arith.constant true
        %broadcast_in_dim3A_619 = vector.broadcast %broadcast_in_dim3A_618 : i1 to vector<16xi1>
        %masked_cumsum3A = tpu.scan <sum>, %convert_element_type3A_617 masked %broadcast_in_dim3A_619 : vector<16xi32>, vector<16xi1> -> vector<16xi32>
        %sub3A_620 = arith.subi %masked_cumsum3A, %convert_element_type3A_617 : vector<16xi32>
        %add3A_621 = vector.broadcast %scan3A_603 : i32 to vector<16xi32>
        %add3A_622 = arith.addi %add3A_621, %sub3A_620 : vector<16xi32>
        tpu.vector_store_idx %arg10[%add3A_622], %get3A_609 masked %gt3A_615 : memref<960xi32, #tpu.memory_space<vmem>>[vector<16xi32>], vector<16xi32>, vector<16xi1>
        %add3A_623 = vector.broadcast %scan3A_603 : i32 to vector<16xi32>
        %add3A_624 = arith.addi %add3A_623, %sub3A_620 : vector<16xi32>
        tpu.vector_store_idx %arg11[%add3A_624], %add3A_614 masked %gt3A_615 : memref<960xi32, #tpu.memory_space<vmem>>[vector<16xi32>], vector<16xi32>, vector<16xi1>
        %convert_element_type3A_625 = arith.extui %eq3A_616 : vector<16xi1> to vector<16xi32>
        %broadcast_in_dim3A_626 = arith.constant true
        %broadcast_in_dim3A_627 = vector.broadcast %broadcast_in_dim3A_626 : i1 to vector<16xi1>
        %masked_cumsum3A_628 = tpu.scan <sum>, %convert_element_type3A_625 masked %broadcast_in_dim3A_627 : vector<16xi32>, vector<16xi1> -> vector<16xi32>
        %sub3A_629 = arith.subi %masked_cumsum3A_628, %convert_element_type3A_625 : vector<16xi32>
        %add3A_630 = arith.addi %add3A_105, %scan3A_604 : i32
        %add3A_631 = vector.broadcast %add3A_630 : i32 to vector<16xi32>
        %add3A_632 = arith.addi %add3A_631, %sub3A_629 : vector<16xi32>
        %min3A = arith.constant 1023 : i32
        %min3A_633 = vector.broadcast %min3A : i32 to vector<16xi32>
        %min3A_634 = arith.minsi %add3A_632, %min3A_633 : vector<16xi32>
        %add3A_635 = arith.addi %add3A_105, %scan3A_604 : i32
        %add3A_636 = vector.broadcast %add3A_635 : i32 to vector<16xi32>
        %add3A_637 = arith.addi %add3A_636, %sub3A_629 : vector<16xi32>
        %lt3A_638 = arith.constant 900 : i32
        %lt3A_639 = vector.broadcast %lt3A_638 : i32 to vector<16xi32>
        %lt3A_640 = arith.cmpi slt, %add3A_637, %lt3A_639 : vector<16xi32>
        %and3A_641 = arith.andi %eq3A_616, %lt3A_640 : vector<16xi1>
        tpu.vector_store_idx %arg19[%min3A_634], %add3A_614 masked %and3A_641 : memref<1024xi32, #tpu.memory_space<vmem>>[vector<16xi32>], vector<16xi32>, vector<16xi1>
        %broadcast_in_dim3A_642 = vector.broadcast %or3A_108 : i32 to vector<16xi32>
        %select_n3A_643 = arith.select %gt3A_615, %get3A_609, %broadcast_in_dim3A_642 : vector<16xi1>, vector<16xi32>
        %reduce_max3A = arith.constant true
        %reduce_max3A_644 = vector.broadcast %reduce_max3A : i1 to vector<16xi1>
        %reduce_max3A_645 = arith.constant -2147483648 : i32
        %reduce_max3A_646 = vector.broadcast %reduce_max3A_645 : i32 to vector<16xi32>
        %reduce_max3A_647 = arith.xori %select_n3A_643, %reduce_max3A_646 : vector<16xi32>
        %reduce_max3A_648 = tpu.scan <max>, %reduce_max3A_647 masked %reduce_max3A_644 : vector<16xi32>, vector<16xi1> -> vector<16xi32>
        %reduce_max3A_649 = arith.xori %reduce_max3A_648, %reduce_max3A_646 : vector<16xi32>
        %reduce_max3A_650 = vector.extract %reduce_max3A_649[15] : i32 from vector<16xi32>
        %max3A = arith.maxsi %scan3A_605, %reduce_max3A_650 : i32
        %reduce_sum3A = arith.constant true
        %reduce_sum3A_651 = vector.broadcast %reduce_sum3A : i1 to vector<16xi1>
        %reduce_sum3A_652 = tpu.scan <sum>, %convert_element_type3A_617 masked %reduce_sum3A_651 : vector<16xi32>, vector<16xi1> -> vector<16xi32>
        %reduce_sum3A_653 = vector.extract %reduce_sum3A_652[15] : i32 from vector<16xi32>
        %add3A_654 = arith.addi %scan3A_603, %reduce_sum3A_653 : i32
        %reduce_sum3A_655 = arith.constant true
        %reduce_sum3A_656 = vector.broadcast %reduce_sum3A_655 : i1 to vector<16xi1>
        %reduce_sum3A_657 = tpu.scan <sum>, %convert_element_type3A_625 masked %reduce_sum3A_656 : vector<16xi32>, vector<16xi1> -> vector<16xi32>
        %reduce_sum3A_658 = vector.extract %reduce_sum3A_657[15] : i32 from vector<16xi32>
        %add3A_659 = arith.addi %scan3A_604, %reduce_sum3A_658 : i32
        scf.yield %add3A_654, %add3A_659, %max3A : i32, i32, i32
      }
      %scan3A_122 = arith.constant 832 : i32
      %shift_right_arithmetic3A = arith.constant 1 : i32
      %shift_right_arithmetic3A_123 = arith.shrsi %or3A_108, %shift_right_arithmetic3A : i32
      %shift_right_arithmetic3A_124 = arith.constant 1 : i32
      %shift_right_arithmetic3A_125 = arith.shrsi %scan3A_121#2, %shift_right_arithmetic3A_124 : i32
      %sub3A_126 = arith.subi %shift_right_arithmetic3A_125, %shift_right_arithmetic3A_123 : i32
      %while3A = arith.constant 0 : i32
      %while3A_127:2 = scf.while (%while3A_602 = %sub3A_126, %while3A_603 = %while3A) : (i32, i32) -> (i32, i32) {
        %gt3A = arith.constant 255 : i32
        %gt3A_604 = arith.cmpi sgt, %while3A_602, %gt3A : i32
        scf.condition(%gt3A_604) %while3A_602, %while3A_603 : i32, i32
      } do {
      ^bb0(%while3A_602: i32, %while3A_603: i32):
        %shift_right_logical3A = arith.constant 1 : i32
        %shift_right_logical3A_604 = arith.shrui %while3A_602, %shift_right_logical3A : i32
        %add3A_605 = arith.constant 1 : i32
        %add3A_606 = arith.addi %while3A_603, %add3A_605 : i32
        scf.yield %shift_right_logical3A_604, %add3A_606 : i32, i32
      }
      %scan3A_128 = arith.constant 0 : i32
      %scan3A_129 = arith.constant 0 : i32
      %scan3A_130 = arith.constant 256 : i32
      %scan3A_131 = arith.addi %scan3A_129, %scan3A_130 : i32
      %scan3A_132 = arith.constant 1 : i32
      scf.for %scan3A_602 = %scan3A_129 to %scan3A_131 step %scan3A_132  : i32 {
        %broadcast_in_dim3A_603 = arith.constant 0 : i32
        %broadcast_in_dim3A_604 = vector.broadcast %broadcast_in_dim3A_603 : i32 to vector<16xi32>
        %mul3A_605 = arith.constant 16 : i32
        %mul3A_606 = arith.muli %scan3A_602, %mul3A_605 : i32
        %swap3A_607 = arith.index_cast %mul3A_606 : i32 to index
        %swap3A_608 = tpu.vector_load %arg9[%swap3A_607] {strides = array<i32>} : memref<4096xi32, #tpu.memory_space<vmem>>, vector<16xi32>,
        tpu.vector_store %arg9[%swap3A_607], %broadcast_in_dim3A_604 {strides = array<i32>} : memref<4096xi32, #tpu.memory_space<vmem>>, vector<16xi32>,
      }
      %scan3A_133 = arith.constant 256 : i32
      %add3A_134 = arith.constant 15 : i32
      %add3A_135 = arith.addi %add3A_105, %add3A_134 : i32
      %jit3A = arith.constant 16 : i32
      %div3A = arith.divsi %add3A_135, %jit3A : i32
      %sign3A = arith.constant 0 : i32
      %sign3A_136 = arith.cmpi sgt, %add3A_135, %sign3A : i32
      %sign3A_137 = arith.extui %sign3A_136 : i1 to i32
      %sign3A_138 = arith.constant 0 : i32
      %sign3A_139 = arith.cmpi slt, %add3A_135, %sign3A_138 : i32
      %sign3A_140 = arith.extui %sign3A_139 : i1 to i32
      %sign3A_141 = arith.subi %sign3A_137, %sign3A_140 : i32
      %sign3A_142 = arith.constant 0 : i32
      %sign3A_143 = arith.cmpi sgt, %jit3A, %sign3A_142 : i32
      %sign3A_144 = arith.extui %sign3A_143 : i1 to i32
      %sign3A_145 = arith.constant 0 : i32
      %sign3A_146 = arith.cmpi slt, %jit3A, %sign3A_145 : i32
      %sign3A_147 = arith.extui %sign3A_146 : i1 to i32
      %sign3A_148 = arith.subi %sign3A_144, %sign3A_147 : i32
      %ne3A = arith.cmpi ne, %sign3A_141, %sign3A_148 : i32
      %rem3A = arith.remsi %add3A_135, %jit3A : i32
      %ne3A_149 = arith.constant 0 : i32
      %ne3A_150 = arith.cmpi ne, %rem3A, %ne3A_149 : i32
      %and3A = arith.andi %ne3A, %ne3A_150 : i1
      %sub3A_151 = arith.constant 1 : i32
      %sub3A_152 = arith.subi %div3A, %sub3A_151 : i32
      %select_n3A = arith.select %and3A, %sub3A_152, %div3A : i32
      %while3A_153 = arith.constant 0 : i32
      %while3A_154 = arith.constant 0 : i32
      %while3A_155 = arith.subi %select_n3A, %while3A_154 : i32
      %while3A_156 = arith.addi %while3A_154, %while3A_155 : i32
      %while3A_157 = arith.constant 1 : i32
      %while3A_158 = arith.divsi %while3A_155, %while3A_157 : i32
      %while3A_159 = arith.muli %while3A_158, %while3A_157 : i32
      %while3A_160 = arith.addi %while3A_154, %while3A_159 : i32
      %while3A_161 = arith.constant 1 : i32
      scf.for %while3A_602 = %while3A_154 to %while3A_160 step %while3A_161  : i32 {
        %mul3A_603 = arith.constant 16 : i32
        %mul3A_604 = arith.muli %while3A_602, %mul3A_603 : i32
        %add3A_605 = vector.broadcast %mul3A_604 : i32 to vector<16xi32>
        %add3A_606 = arith.addi %add3A_605, %iota3A : vector<16xi32>
        %lt3A_607 = vector.broadcast %add3A_105 : i32 to vector<16xi32>
        %lt3A_608 = arith.cmpi slt, %add3A_606, %lt3A_607 : vector<16xi32>
        %mul3A_609 = arith.constant 16 : i32
        %mul3A_610 = arith.muli %while3A_602, %mul3A_609 : i32
        %get3A_611 = arith.index_cast %mul3A_610 : i32 to index
        %get3A_612 = tpu.vector_load %arg10[%get3A_611] {strides = array<i32>} : memref<960xi32, #tpu.memory_space<vmem>>, vector<16xi32>,
        %shift_right_arithmetic3A_613 = arith.constant 1 : i32
        %shift_right_arithmetic3A_614 = vector.broadcast %shift_right_arithmetic3A_613 : i32 to vector<16xi32>
        %shift_right_arithmetic3A_615 = arith.shrsi %get3A_612, %shift_right_arithmetic3A_614 : vector<16xi32>
        %sub3A_616 = vector.broadcast %shift_right_arithmetic3A_123 : i32 to vector<16xi32>
        %sub3A_617 = arith.subi %shift_right_arithmetic3A_615, %sub3A_616 : vector<16xi32>
        %shift_right_logical3A = vector.broadcast %while3A_127#1 : i32 to vector<16xi32>
        %shift_right_logical3A_618 = arith.shrui %sub3A_617, %shift_right_logical3A : vector<16xi32>
        %jit3A_619 = arith.constant 0 : i32
        %jit3A_620 = arith.constant 255 : i32
        %max3A = vector.broadcast %jit3A_619 : i32 to vector<16xi32>
        %max3A_621 = arith.maxsi %max3A, %shift_right_logical3A_618 : vector<16xi32>
        %min3A = vector.broadcast %jit3A_620 : i32 to vector<16xi32>
        %min3A_622 = arith.minsi %min3A, %max3A_621 : vector<16xi32>
        %mul3A_623 = arith.constant 16 : i32
        %mul3A_624 = arith.muli %while3A_602, %mul3A_623 : i32
        %swap3A_625 = arith.index_cast %mul3A_624 : i32 to index
        %swap3A_626 = tpu.vector_load %arg12[%swap3A_625] {strides = array<i32>} : memref<960xi32, #tpu.memory_space<vmem>>, vector<16xi32>,
        tpu.vector_store %arg12[%swap3A_625], %min3A_622 {strides = array<i32>} : memref<960xi32, #tpu.memory_space<vmem>>, vector<16xi32>,
        %mul3A_627 = arith.constant 16 : i32
        %mul3A_628 = vector.broadcast %mul3A_627 : i32 to vector<16xi32>
        %mul3A_629 = arith.muli %min3A_622, %mul3A_628 : vector<16xi32>
        %add3A_630 = arith.addi %mul3A_629, %iota3A : vector<16xi32>
        %jit3A_631 = arith.constant 1 : i32
        %jit3A_632 = arith.constant 0 : i32
        %broadcast_in_dim3A_633 = vector.broadcast %jit3A_631 : i32 to vector<16xi32>
        %broadcast_in_dim3A_634 = vector.broadcast %jit3A_632 : i32 to vector<16xi32>
        %select_n3A_635 = arith.select %lt3A_608, %broadcast_in_dim3A_633, %broadcast_in_dim3A_634 : vector<16xi1>, vector<16xi32>
        tpu.vector_store_idx %arg9[%add3A_630], %select_n3A_635 {add = true} : memref<4096xi32, #tpu.memory_space<vmem>>[vector<16xi32>], vector<16xi32>,
      }
      %while3A_162 = arith.constant 1 : i32
      scf.for %while3A_602 = %while3A_160 to %while3A_156 step %while3A_162  : i32 {
        %mul3A_603 = arith.constant 16 : i32
        %mul3A_604 = arith.muli %while3A_602, %mul3A_603 : i32
        %add3A_605 = vector.broadcast %mul3A_604 : i32 to vector<16xi32>
        %add3A_606 = arith.addi %add3A_605, %iota3A : vector<16xi32>
        %lt3A_607 = vector.broadcast %add3A_105 : i32 to vector<16xi32>
        %lt3A_608 = arith.cmpi slt, %add3A_606, %lt3A_607 : vector<16xi32>
        %mul3A_609 = arith.constant 16 : i32
        %mul3A_610 = arith.muli %while3A_602, %mul3A_609 : i32
        %get3A_611 = arith.index_cast %mul3A_610 : i32 to index
        %get3A_612 = tpu.vector_load %arg10[%get3A_611] {strides = array<i32>} : memref<960xi32, #tpu.memory_space<vmem>>, vector<16xi32>,
        %shift_right_arithmetic3A_613 = arith.constant 1 : i32
        %shift_right_arithmetic3A_614 = vector.broadcast %shift_right_arithmetic3A_613 : i32 to vector<16xi32>
        %shift_right_arithmetic3A_615 = arith.shrsi %get3A_612, %shift_right_arithmetic3A_614 : vector<16xi32>
        %sub3A_616 = vector.broadcast %shift_right_arithmetic3A_123 : i32 to vector<16xi32>
        %sub3A_617 = arith.subi %shift_right_arithmetic3A_615, %sub3A_616 : vector<16xi32>
        %shift_right_logical3A = vector.broadcast %while3A_127#1 : i32 to vector<16xi32>
        %shift_right_logical3A_618 = arith.shrui %sub3A_617, %shift_right_logical3A : vector<16xi32>
        %jit3A_619 = arith.constant 0 : i32
        %jit3A_620 = arith.constant 255 : i32
        %max3A = vector.broadcast %jit3A_619 : i32 to vector<16xi32>
        %max3A_621 = arith.maxsi %max3A, %shift_right_logical3A_618 : vector<16xi32>
        %min3A = vector.broadcast %jit3A_620 : i32 to vector<16xi32>
        %min3A_622 = arith.minsi %min3A, %max3A_621 : vector<16xi32>
        %mul3A_623 = arith.constant 16 : i32
        %mul3A_624 = arith.muli %while3A_602, %mul3A_623 : i32
        %swap3A_625 = arith.index_cast %mul3A_624 : i32 to index
        %swap3A_626 = tpu.vector_load %arg12[%swap3A_625] {strides = array<i32>} : memref<960xi32, #tpu.memory_space<vmem>>, vector<16xi32>,
        tpu.vector_store %arg12[%swap3A_625], %min3A_622 {strides = array<i32>} : memref<960xi32, #tpu.memory_space<vmem>>, vector<16xi32>,
        %mul3A_627 = arith.constant 16 : i32
        %mul3A_628 = vector.broadcast %mul3A_627 : i32 to vector<16xi32>
        %mul3A_629 = arith.muli %min3A_622, %mul3A_628 : vector<16xi32>
        %add3A_630 = arith.addi %mul3A_629, %iota3A : vector<16xi32>
        %jit3A_631 = arith.constant 1 : i32
        %jit3A_632 = arith.constant 0 : i32
        %broadcast_in_dim3A_633 = vector.broadcast %jit3A_631 : i32 to vector<16xi32>
        %broadcast_in_dim3A_634 = vector.broadcast %jit3A_632 : i32 to vector<16xi32>
        %select_n3A_635 = arith.select %lt3A_608, %broadcast_in_dim3A_633, %broadcast_in_dim3A_634 : vector<16xi1>, vector<16xi32>
        tpu.vector_store_idx %arg9[%add3A_630], %select_n3A_635 {add = true} : memref<4096xi32, #tpu.memory_space<vmem>>[vector<16xi32>], vector<16xi32>,
      }
      %scan3A_163 = arith.constant 0 : i32
      %scan3A_164 = arith.constant 0 : i32
      %scan3A_165 = arith.constant 256 : i32
      %scan3A_166 = arith.addi %scan3A_164, %scan3A_165 : i32
      %scan3A_167 = arith.constant 1 : i32
      %scan3A_168 = scf.for %scan3A_602 = %scan3A_164 to %scan3A_166 step %scan3A_167 iter_args(%scan3A_603 = %scan3A_163) -> (i32)  : i32 {
        %sub3A_604 = arith.constant 255 : i32
        %sub3A_605 = arith.subi %sub3A_604, %scan3A_602 : i32
        %mul3A_606 = arith.constant 16 : i32
        %mul3A_607 = arith.muli %sub3A_605, %mul3A_606 : i32
        %get3A_608 = arith.index_cast %mul3A_607 : i32 to index
        %get3A_609 = tpu.vector_load %arg9[%get3A_608] {strides = array<i32>} : memref<4096xi32, #tpu.memory_space<vmem>>, vector<16xi32>,
        %reduce_sum3A = arith.constant true
        %reduce_sum3A_610 = vector.broadcast %reduce_sum3A : i1 to vector<16xi1>
        %reduce_sum3A_611 = tpu.scan <sum>, %get3A_609 masked %reduce_sum3A_610 : vector<16xi32>, vector<16xi1> -> vector<16xi32>
        %reduce_sum3A_612 = vector.extract %reduce_sum3A_611[15] : i32 from vector<16xi32>
        %swap3A_613 = arith.index_cast %sub3A_605 : i32 to index
        %swap3A_614 = memref.load %arg16[%swap3A_613] : memref<256xi32, #tpu.memory_space<smem>>
        memref.store %scan3A_603, %arg16[%swap3A_613] : memref<256xi32, #tpu.memory_space<smem>>
        %swap3A_615 = arith.index_cast %sub3A_605 : i32 to index
        %swap3A_616 = memref.load %arg17[%swap3A_615] : memref<256xi32, #tpu.memory_space<smem>>
        memref.store %reduce_sum3A_612, %arg17[%swap3A_615] : memref<256xi32, #tpu.memory_space<smem>>
        %swap3A_617 = arith.constant 0 : i32
        %swap3A_618 = arith.index_cast %sub3A_605 : i32 to index
        %swap3A_619 = memref.load %arg18[%swap3A_618] : memref<256xi32, #tpu.memory_space<smem>>
        memref.store %swap3A_617, %arg18[%swap3A_618] : memref<256xi32, #tpu.memory_space<smem>>
        %add3A_620 = arith.addi %scan3A_603, %reduce_sum3A_612 : i32
        scf.yield %add3A_620 : i32
      }
      %scan3A_169 = arith.constant 256 : i32
      %while3A_170 = arith.constant 0 : i32
      %while3A_171 = arith.constant 0 : i32
      %while3A_172 = arith.subi %add3A_105, %while3A_171 : i32
      %while3A_173 = arith.addi %while3A_171, %while3A_172 : i32
      %while3A_174 = arith.constant 1 : i32
      %while3A_175 = arith.divsi %while3A_172, %while3A_174 : i32
      %while3A_176 = arith.muli %while3A_175, %while3A_174 : i32
      %while3A_177 = arith.addi %while3A_171, %while3A_176 : i32
      %while3A_178 = arith.constant 1 : i32
      scf.for %while3A_602 = %while3A_171 to %while3A_177 step %while3A_178  : i32 {
        %get3A_603 = arith.index_cast %while3A_602 : i32 to index
        %get3A_604 = tpu.vector_load %arg12[%get3A_603] {strides = array<i32>} : memref<960xi32, #tpu.memory_space<vmem>>, vector<16xi32>,
        %slice3A = vector.extract_strided_slice %get3A_604 {offsets = [0], sizes = [1], strides = [1]} : vector<16xi32> to vector<1xi32>
        %squeeze3A = vector.extract %slice3A[0] : i32 from vector<1xi32>
        %get3A_605 = arith.index_cast %squeeze3A : i32 to index
        %get3A_606 = memref.load %arg16[%get3A_605] : memref<256xi32, #tpu.memory_space<smem>>
        %get3A_607 = arith.index_cast %squeeze3A : i32 to index
        %get3A_608 = memref.load %arg18[%get3A_607] : memref<256xi32, #tpu.memory_space<smem>>
        %add3A_609 = arith.addi %get3A_606, %get3A_608 : i32
        %get3A_610 = arith.index_cast %squeeze3A : i32 to index
        %get3A_611 = memref.load %arg18[%get3A_610] : memref<256xi32, #tpu.memory_space<smem>>
        %add3A_612 = arith.constant 1 : i32
        %add3A_613 = arith.addi %get3A_611, %add3A_612 : i32
        %swap3A_614 = arith.index_cast %squeeze3A : i32 to index
        %swap3A_615 = memref.load %arg18[%swap3A_614] : memref<256xi32, #tpu.memory_space<smem>>
        memref.store %add3A_613, %arg18[%swap3A_614] : memref<256xi32, #tpu.memory_space<smem>>
        %get3A_616 = arith.index_cast %while3A_602 : i32 to index
        %get3A_617 = tpu.vector_load %arg10[%get3A_616] {strides = array<i32>} : memref<960xi32, #tpu.memory_space<vmem>>, vector<16xi32>,
        %slice3A_618 = vector.extract_strided_slice %get3A_617 {offsets = [0], sizes = [1], strides = [1]} : vector<16xi32> to vector<1xi32>
        %squeeze3A_619 = vector.extract %slice3A_618[0] : i32 from vector<1xi32>
        %broadcast_in_dim3A_620 = arith.constant 0 : i32
        %broadcast_in_dim3A_621 = vector.broadcast %broadcast_in_dim3A_620 : i32 to vector<16xi32>
        %add3A_622 = vector.broadcast %add3A_609 : i32 to vector<16xi32>
        %add3A_623 = arith.addi %broadcast_in_dim3A_621, %add3A_622 : vector<16xi32>
        %broadcast_in_dim3A_624 = arith.constant 0 : i32
        %broadcast_in_dim3A_625 = vector.broadcast %broadcast_in_dim3A_624 : i32 to vector<16xi32>
        %add3A_626 = vector.broadcast %squeeze3A_619 : i32 to vector<16xi32>
        %add3A_627 = arith.addi %broadcast_in_dim3A_625, %add3A_626 : vector<16xi32>
        %eq3A = arith.constant 0 : i32
        %eq3A_628 = vector.broadcast %eq3A : i32 to vector<16xi32>
        %eq3A_629 = arith.cmpi eq, %iota3A, %eq3A_628 : vector<16xi32>
        tpu.vector_store_idx %arg13[%add3A_623], %add3A_627 masked %eq3A_629 : memref<960xi32, #tpu.memory_space<vmem>>[vector<16xi32>], vector<16xi32>, vector<16xi1>
        %get3A_630 = arith.index_cast %while3A_602 : i32 to index
        %get3A_631 = tpu.vector_load %arg11[%get3A_630] {strides = array<i32>} : memref<960xi32, #tpu.memory_space<vmem>>, vector<16xi32>,
        %slice3A_632 = vector.extract_strided_slice %get3A_631 {offsets = [0], sizes = [1], strides = [1]} : vector<16xi32> to vector<1xi32>
        %squeeze3A_633 = vector.extract %slice3A_632[0] : i32 from vector<1xi32>
        %broadcast_in_dim3A_634 = arith.constant 0 : i32
        %broadcast_in_dim3A_635 = vector.broadcast %broadcast_in_dim3A_634 : i32 to vector<16xi32>
        %add3A_636 = vector.broadcast %add3A_609 : i32 to vector<16xi32>
        %add3A_637 = arith.addi %broadcast_in_dim3A_635, %add3A_636 : vector<16xi32>
        %broadcast_in_dim3A_638 = arith.constant 0 : i32
        %broadcast_in_dim3A_639 = vector.broadcast %broadcast_in_dim3A_638 : i32 to vector<16xi32>
        %add3A_640 = vector.broadcast %squeeze3A_633 : i32 to vector<16xi32>
        %add3A_641 = arith.addi %broadcast_in_dim3A_639, %add3A_640 : vector<16xi32>
        %eq3A_642 = arith.constant 0 : i32
        %eq3A_643 = vector.broadcast %eq3A_642 : i32 to vector<16xi32>
        %eq3A_644 = arith.cmpi eq, %iota3A, %eq3A_643 : vector<16xi32>
        tpu.vector_store_idx %arg14[%add3A_637], %add3A_641 masked %eq3A_644 : memref<960xi32, #tpu.memory_space<vmem>>[vector<16xi32>], vector<16xi32>, vector<16xi1>
        %broadcast_in_dim3A_645 = arith.constant 0 : i32
        %broadcast_in_dim3A_646 = vector.broadcast %broadcast_in_dim3A_645 : i32 to vector<16xi32>
        %add3A_647 = vector.broadcast %add3A_609 : i32 to vector<16xi32>
        %add3A_648 = arith.addi %broadcast_in_dim3A_646, %add3A_647 : vector<16xi32>
        %broadcast_in_dim3A_649 = arith.constant 0 : i32
        %broadcast_in_dim3A_650 = vector.broadcast %broadcast_in_dim3A_649 : i32 to vector<16xi32>
        %add3A_651 = vector.broadcast %squeeze3A : i32 to vector<16xi32>
        %add3A_652 = arith.addi %broadcast_in_dim3A_650, %add3A_651 : vector<16xi32>
        %eq3A_653 = arith.constant 0 : i32
        %eq3A_654 = vector.broadcast %eq3A_653 : i32 to vector<16xi32>
        %eq3A_655 = arith.cmpi eq, %iota3A, %eq3A_654 : vector<16xi32>
        tpu.vector_store_idx %arg15[%add3A_648], %add3A_652 masked %eq3A_655 : memref<960xi32, #tpu.memory_space<vmem>>[vector<16xi32>], vector<16xi32>, vector<16xi1>
      }
      %while3A_179 = arith.constant 1 : i32
      scf.for %while3A_602 = %while3A_177 to %while3A_173 step %while3A_179  : i32 {
        %get3A_603 = arith.index_cast %while3A_602 : i32 to index
        %get3A_604 = tpu.vector_load %arg12[%get3A_603] {strides = array<i32>} : memref<960xi32, #tpu.memory_space<vmem>>, vector<16xi32>,
        %slice3A = vector.extract_strided_slice %get3A_604 {offsets = [0], sizes = [1], strides = [1]} : vector<16xi32> to vector<1xi32>
        %squeeze3A = vector.extract %slice3A[0] : i32 from vector<1xi32>
        %get3A_605 = arith.index_cast %squeeze3A : i32 to index
        %get3A_606 = memref.load %arg16[%get3A_605] : memref<256xi32, #tpu.memory_space<smem>>
        %get3A_607 = arith.index_cast %squeeze3A : i32 to index
        %get3A_608 = memref.load %arg18[%get3A_607] : memref<256xi32, #tpu.memory_space<smem>>
        %add3A_609 = arith.addi %get3A_606, %get3A_608 : i32
        %get3A_610 = arith.index_cast %squeeze3A : i32 to index
        %get3A_611 = memref.load %arg18[%get3A_610] : memref<256xi32, #tpu.memory_space<smem>>
        %add3A_612 = arith.constant 1 : i32
        %add3A_613 = arith.addi %get3A_611, %add3A_612 : i32
        %swap3A_614 = arith.index_cast %squeeze3A : i32 to index
        %swap3A_615 = memref.load %arg18[%swap3A_614] : memref<256xi32, #tpu.memory_space<smem>>
        memref.store %add3A_613, %arg18[%swap3A_614] : memref<256xi32, #tpu.memory_space<smem>>
        %get3A_616 = arith.index_cast %while3A_602 : i32 to index
        %get3A_617 = tpu.vector_load %arg10[%get3A_616] {strides = array<i32>} : memref<960xi32, #tpu.memory_space<vmem>>, vector<16xi32>,
        %slice3A_618 = vector.extract_strided_slice %get3A_617 {offsets = [0], sizes = [1], strides = [1]} : vector<16xi32> to vector<1xi32>
        %squeeze3A_619 = vector.extract %slice3A_618[0] : i32 from vector<1xi32>
        %broadcast_in_dim3A_620 = arith.constant 0 : i32
        %broadcast_in_dim3A_621 = vector.broadcast %broadcast_in_dim3A_620 : i32 to vector<16xi32>
        %add3A_622 = vector.broadcast %add3A_609 : i32 to vector<16xi32>
        %add3A_623 = arith.addi %broadcast_in_dim3A_621, %add3A_622 : vector<16xi32>
        %broadcast_in_dim3A_624 = arith.constant 0 : i32
        %broadcast_in_dim3A_625 = vector.broadcast %broadcast_in_dim3A_624 : i32 to vector<16xi32>
        %add3A_626 = vector.broadcast %squeeze3A_619 : i32 to vector<16xi32>
        %add3A_627 = arith.addi %broadcast_in_dim3A_625, %add3A_626 : vector<16xi32>
        %eq3A = arith.constant 0 : i32
        %eq3A_628 = vector.broadcast %eq3A : i32 to vector<16xi32>
        %eq3A_629 = arith.cmpi eq, %iota3A, %eq3A_628 : vector<16xi32>
        tpu.vector_store_idx %arg13[%add3A_623], %add3A_627 masked %eq3A_629 : memref<960xi32, #tpu.memory_space<vmem>>[vector<16xi32>], vector<16xi32>, vector<16xi1>
        %get3A_630 = arith.index_cast %while3A_602 : i32 to index
        %get3A_631 = tpu.vector_load %arg11[%get3A_630] {strides = array<i32>} : memref<960xi32, #tpu.memory_space<vmem>>, vector<16xi32>,
        %slice3A_632 = vector.extract_strided_slice %get3A_631 {offsets = [0], sizes = [1], strides = [1]} : vector<16xi32> to vector<1xi32>
        %squeeze3A_633 = vector.extract %slice3A_632[0] : i32 from vector<1xi32>
        %broadcast_in_dim3A_634 = arith.constant 0 : i32
        %broadcast_in_dim3A_635 = vector.broadcast %broadcast_in_dim3A_634 : i32 to vector<16xi32>
        %add3A_636 = vector.broadcast %add3A_609 : i32 to vector<16xi32>
        %add3A_637 = arith.addi %broadcast_in_dim3A_635, %add3A_636 : vector<16xi32>
        %broadcast_in_dim3A_638 = arith.constant 0 : i32
        %broadcast_in_dim3A_639 = vector.broadcast %broadcast_in_dim3A_638 : i32 to vector<16xi32>
        %add3A_640 = vector.broadcast %squeeze3A_633 : i32 to vector<16xi32>
        %add3A_641 = arith.addi %broadcast_in_dim3A_639, %add3A_640 : vector<16xi32>
        %eq3A_642 = arith.constant 0 : i32
        %eq3A_643 = vector.broadcast %eq3A_642 : i32 to vector<16xi32>
        %eq3A_644 = arith.cmpi eq, %iota3A, %eq3A_643 : vector<16xi32>
        tpu.vector_store_idx %arg14[%add3A_637], %add3A_641 masked %eq3A_644 : memref<960xi32, #tpu.memory_space<vmem>>[vector<16xi32>], vector<16xi32>, vector<16xi1>
        %broadcast_in_dim3A_645 = arith.constant 0 : i32
        %broadcast_in_dim3A_646 = vector.broadcast %broadcast_in_dim3A_645 : i32 to vector<16xi32>
        %add3A_647 = vector.broadcast %add3A_609 : i32 to vector<16xi32>
        %add3A_648 = arith.addi %broadcast_in_dim3A_646, %add3A_647 : vector<16xi32>
        %broadcast_in_dim3A_649 = arith.constant 0 : i32
        %broadcast_in_dim3A_650 = vector.broadcast %broadcast_in_dim3A_649 : i32 to vector<16xi32>
        %add3A_651 = vector.broadcast %squeeze3A : i32 to vector<16xi32>
        %add3A_652 = arith.addi %broadcast_in_dim3A_650, %add3A_651 : vector<16xi32>
        %eq3A_653 = arith.constant 0 : i32
        %eq3A_654 = vector.broadcast %eq3A_653 : i32 to vector<16xi32>
        %eq3A_655 = arith.cmpi eq, %iota3A, %eq3A_654 : vector<16xi32>
        tpu.vector_store_idx %arg15[%add3A_648], %add3A_652 masked %eq3A_655 : memref<960xi32, #tpu.memory_space<vmem>>[vector<16xi32>], vector<16xi32>, vector<16xi1>
      }
      %while3A_180 = arith.constant 0 : i32
      %while3A_181 = arith.constant 0 : i32
      %while3A_182 = arith.subi %add3A_105, %while3A_181 : i32
      %while3A_183 = arith.addi %while3A_181, %while3A_182 : i32
      %while3A_184 = arith.constant 1 : i32
      %while3A_185 = arith.divsi %while3A_182, %while3A_184 : i32
      %while3A_186 = arith.muli %while3A_185, %while3A_184 : i32
      %while3A_187 = arith.addi %while3A_181, %while3A_186 : i32
      %while3A_188 = arith.constant 1 : i32
      scf.for %while3A_602 = %while3A_181 to %while3A_187 step %while3A_188  : i32 {
        %get3A_603 = arith.index_cast %while3A_602 : i32 to index
        %get3A_604 = tpu.vector_load %arg15[%get3A_603] {strides = array<i32>} : memref<960xi32, #tpu.memory_space<vmem>>, vector<16xi32>,
        %slice3A = vector.extract_strided_slice %get3A_604 {offsets = [0], sizes = [1], strides = [1]} : vector<16xi32> to vector<1xi32>
        %squeeze3A = vector.extract %slice3A[0] : i32 from vector<1xi32>
        %get3A_605 = arith.index_cast %squeeze3A : i32 to index
        %get3A_606 = memref.load %arg16[%get3A_605] : memref<256xi32, #tpu.memory_space<smem>>
        %get3A_607 = arith.index_cast %squeeze3A : i32 to index
        %get3A_608 = memref.load %arg17[%get3A_607] : memref<256xi32, #tpu.memory_space<smem>>
        %add3A_609 = arith.addi %get3A_606, %get3A_608 : i32
        %get3A_610 = arith.index_cast %while3A_602 : i32 to index
        %get3A_611 = tpu.vector_load %arg13[%get3A_610] {strides = array<i32>} : memref<960xi32, #tpu.memory_space<vmem>>, vector<16xi32>,
        %slice3A_612 = vector.extract_strided_slice %get3A_611 {offsets = [0], sizes = [1], strides = [1]} : vector<16xi32> to vector<1xi32>
        %squeeze3A_613 = vector.extract %slice3A_612[0] : i32 from vector<1xi32>
        %jit3A_614 = arith.constant 16 : i32
        %div3A_615 = arith.divsi %get3A_606, %jit3A_614 : i32
        %sign3A_616 = arith.constant 0 : i32
        %sign3A_617 = arith.cmpi sgt, %get3A_606, %sign3A_616 : i32
        %sign3A_618 = arith.extui %sign3A_617 : i1 to i32
        %sign3A_619 = arith.constant 0 : i32
        %sign3A_620 = arith.cmpi slt, %get3A_606, %sign3A_619 : i32
        %sign3A_621 = arith.extui %sign3A_620 : i1 to i32
        %sign3A_622 = arith.subi %sign3A_618, %sign3A_621 : i32
        %sign3A_623 = arith.constant 0 : i32
        %sign3A_624 = arith.cmpi sgt, %jit3A_614, %sign3A_623 : i32
        %sign3A_625 = arith.extui %sign3A_624 : i1 to i32
        %sign3A_626 = arith.constant 0 : i32
        %sign3A_627 = arith.cmpi slt, %jit3A_614, %sign3A_626 : i32
        %sign3A_628 = arith.extui %sign3A_627 : i1 to i32
        %sign3A_629 = arith.subi %sign3A_625, %sign3A_628 : i32
        %ne3A_630 = arith.cmpi ne, %sign3A_622, %sign3A_629 : i32
        %rem3A_631 = arith.remsi %get3A_606, %jit3A_614 : i32
        %ne3A_632 = arith.constant 0 : i32
        %ne3A_633 = arith.cmpi ne, %rem3A_631, %ne3A_632 : i32
        %and3A_634 = arith.andi %ne3A_630, %ne3A_633 : i1
        %sub3A_635 = arith.constant 1 : i32
        %sub3A_636 = arith.subi %div3A_615, %sub3A_635 : i32
        %select_n3A_637 = arith.select %and3A_634, %sub3A_636, %div3A_615 : i32
        %mul3A_638 = arith.constant 16 : i32
        %mul3A_639 = arith.muli %select_n3A_637, %mul3A_638 : i32
        %broadcast_in_dim3A_640 = arith.constant 0 : i32
        %broadcast_in_dim3A_641 = vector.broadcast %broadcast_in_dim3A_640 : i32 to vector<16xi32>
        %while3A_642:2 = scf.while (%while3A_661 = %mul3A_639, %while3A_662 = %broadcast_in_dim3A_641) : (i32, vector<16xi32>) -> (i32, vector<16xi32>) {
          %lt3A_663 = arith.cmpi slt, %while3A_661, %add3A_609 : i32
          scf.condition(%lt3A_663) %while3A_661, %while3A_662 : i32, vector<16xi32>
        } do {
        ^bb0(%while3A_661: i32, %while3A_662: vector<16xi32>):
          %get3A_663 = arith.index_cast %while3A_661 : i32 to index
          %get3A_664 = tpu.vector_load %arg13[%get3A_663] {strides = array<i32>} : memref<960xi32, #tpu.memory_space<vmem>>, vector<16xi32>,
          %add3A_665 = vector.broadcast %while3A_661 : i32 to vector<16xi32>
          %add3A_666 = arith.addi %add3A_665, %iota3A : vector<16xi32>
          %ge3A = vector.broadcast %get3A_606 : i32 to vector<16xi32>
          %ge3A_667 = arith.cmpi sge, %add3A_666, %ge3A : vector<16xi32>
          %lt3A_668 = vector.broadcast %add3A_609 : i32 to vector<16xi32>
          %lt3A_669 = arith.cmpi slt, %add3A_666, %lt3A_668 : vector<16xi32>
          %and3A_670 = arith.andi %ge3A_667, %lt3A_669 : vector<16xi1>
          %gt3A = vector.broadcast %squeeze3A_613 : i32 to vector<16xi32>
          %gt3A_671 = arith.cmpi sgt, %get3A_664, %gt3A : vector<16xi32>
          %eq3A_672 = vector.broadcast %squeeze3A_613 : i32 to vector<16xi32>
          %eq3A_673 = arith.cmpi eq, %get3A_664, %eq3A_672 : vector<16xi32>
          %lt3A_674 = vector.broadcast %while3A_602 : i32 to vector<16xi32>
          %lt3A_675 = arith.cmpi slt, %add3A_666, %lt3A_674 : vector<16xi32>
          %and3A_676 = arith.andi %eq3A_673, %lt3A_675 : vector<16xi1>
          %or3A_677 = arith.ori %gt3A_671, %and3A_676 : vector<16xi1>
          %and3A_678 = arith.andi %and3A_670, %or3A_677 : vector<16xi1>
          %jit3A_679 = arith.constant 1 : i32
          %jit3A_680 = arith.constant 0 : i32
          %broadcast_in_dim3A_681 = vector.broadcast %jit3A_679 : i32 to vector<16xi32>
          %broadcast_in_dim3A_682 = vector.broadcast %jit3A_680 : i32 to vector<16xi32>
          %select_n3A_683 = arith.select %and3A_678, %broadcast_in_dim3A_681, %broadcast_in_dim3A_682 : vector<16xi1>, vector<16xi32>
          %add3A_684 = arith.addi %while3A_662, %select_n3A_683 : vector<16xi32>
          %add3A_685 = arith.constant 16 : i32
          %add3A_686 = arith.addi %while3A_661, %add3A_685 : i32
          scf.yield %add3A_686, %add3A_684 : i32, vector<16xi32>
        }
        %reduce_sum3A = arith.constant true
        %reduce_sum3A_643 = vector.broadcast %reduce_sum3A : i1 to vector<16xi1>
        %reduce_sum3A_644 = tpu.scan <sum>, %while3A_642#1 masked %reduce_sum3A_643 : vector<16xi32>, vector<16xi1> -> vector<16xi32>
        %reduce_sum3A_645 = vector.extract %reduce_sum3A_644[15] : i32 from vector<16xi32>
        %add3A_646 = arith.addi %get3A_606, %reduce_sum3A_645 : i32
        %get3A_647 = arith.index_cast %while3A_602 : i32 to index
        %get3A_648 = tpu.vector_load %arg14[%get3A_647] {strides = array<i32>} : memref<960xi32, #tpu.memory_space<vmem>>, vector<16xi32>,
        %slice3A_649 = vector.extract_strided_slice %get3A_648 {offsets = [0], sizes = [1], strides = [1]} : vector<16xi32> to vector<1xi32>
        %squeeze3A_650 = vector.extract %slice3A_649[0] : i32 from vector<1xi32>
        %broadcast_in_dim3A_651 = arith.constant 0 : i32
        %broadcast_in_dim3A_652 = vector.broadcast %broadcast_in_dim3A_651 : i32 to vector<16xi32>
        %add3A_653 = vector.broadcast %add3A_646 : i32 to vector<16xi32>
        %add3A_654 = arith.addi %broadcast_in_dim3A_652, %add3A_653 : vector<16xi32>
        %broadcast_in_dim3A_655 = arith.constant 0 : i32
        %broadcast_in_dim3A_656 = vector.broadcast %broadcast_in_dim3A_655 : i32 to vector<16xi32>
        %add3A_657 = vector.broadcast %squeeze3A_650 : i32 to vector<16xi32>
        %add3A_658 = arith.addi %broadcast_in_dim3A_656, %add3A_657 : vector<16xi32>
        %eq3A = arith.constant 0 : i32
        %eq3A_659 = vector.broadcast %eq3A : i32 to vector<16xi32>
        %eq3A_660 = arith.cmpi eq, %iota3A, %eq3A_659 : vector<16xi32>
        tpu.vector_store_idx %arg19[%add3A_654], %add3A_658 masked %eq3A_660 : memref<1024xi32, #tpu.memory_space<vmem>>[vector<16xi32>], vector<16xi32>, vector<16xi1>
      }
      %while3A_189 = arith.constant 1 : i32
      scf.for %while3A_602 = %while3A_187 to %while3A_183 step %while3A_189  : i32 {
        %get3A_603 = arith.index_cast %while3A_602 : i32 to index
        %get3A_604 = tpu.vector_load %arg15[%get3A_603] {strides = array<i32>} : memref<960xi32, #tpu.memory_space<vmem>>, vector<16xi32>,
        %slice3A = vector.extract_strided_slice %get3A_604 {offsets = [0], sizes = [1], strides = [1]} : vector<16xi32> to vector<1xi32>
        %squeeze3A = vector.extract %slice3A[0] : i32 from vector<1xi32>
        %get3A_605 = arith.index_cast %squeeze3A : i32 to index
        %get3A_606 = memref.load %arg16[%get3A_605] : memref<256xi32, #tpu.memory_space<smem>>
        %get3A_607 = arith.index_cast %squeeze3A : i32 to index
        %get3A_608 = memref.load %arg17[%get3A_607] : memref<256xi32, #tpu.memory_space<smem>>
        %add3A_609 = arith.addi %get3A_606, %get3A_608 : i32
        %get3A_610 = arith.index_cast %while3A_602 : i32 to index
        %get3A_611 = tpu.vector_load %arg13[%get3A_610] {strides = array<i32>} : memref<960xi32, #tpu.memory_space<vmem>>, vector<16xi32>,
        %slice3A_612 = vector.extract_strided_slice %get3A_611 {offsets = [0], sizes = [1], strides = [1]} : vector<16xi32> to vector<1xi32>
        %squeeze3A_613 = vector.extract %slice3A_612[0] : i32 from vector<1xi32>
        %jit3A_614 = arith.constant 16 : i32
        %div3A_615 = arith.divsi %get3A_606, %jit3A_614 : i32
        %sign3A_616 = arith.constant 0 : i32
        %sign3A_617 = arith.cmpi sgt, %get3A_606, %sign3A_616 : i32
        %sign3A_618 = arith.extui %sign3A_617 : i1 to i32
        %sign3A_619 = arith.constant 0 : i32
        %sign3A_620 = arith.cmpi slt, %get3A_606, %sign3A_619 : i32
        %sign3A_621 = arith.extui %sign3A_620 : i1 to i32
        %sign3A_622 = arith.subi %sign3A_618, %sign3A_621 : i32
        %sign3A_623 = arith.constant 0 : i32
        %sign3A_624 = arith.cmpi sgt, %jit3A_614, %sign3A_623 : i32
        %sign3A_625 = arith.extui %sign3A_624 : i1 to i32
        %sign3A_626 = arith.constant 0 : i32
        %sign3A_627 = arith.cmpi slt, %jit3A_614, %sign3A_626 : i32
        %sign3A_628 = arith.extui %sign3A_627 : i1 to i32
        %sign3A_629 = arith.subi %sign3A_625, %sign3A_628 : i32
        %ne3A_630 = arith.cmpi ne, %sign3A_622, %sign3A_629 : i32
        %rem3A_631 = arith.remsi %get3A_606, %jit3A_614 : i32
        %ne3A_632 = arith.constant 0 : i32
        %ne3A_633 = arith.cmpi ne, %rem3A_631, %ne3A_632 : i32
        %and3A_634 = arith.andi %ne3A_630, %ne3A_633 : i1
        %sub3A_635 = arith.constant 1 : i32
        %sub3A_636 = arith.subi %div3A_615, %sub3A_635 : i32
        %select_n3A_637 = arith.select %and3A_634, %sub3A_636, %div3A_615 : i32
        %mul3A_638 = arith.constant 16 : i32
        %mul3A_639 = arith.muli %select_n3A_637, %mul3A_638 : i32
        %broadcast_in_dim3A_640 = arith.constant 0 : i32
        %broadcast_in_dim3A_641 = vector.broadcast %broadcast_in_dim3A_640 : i32 to vector<16xi32>
        %while3A_642:2 = scf.while (%while3A_661 = %mul3A_639, %while3A_662 = %broadcast_in_dim3A_641) : (i32, vector<16xi32>) -> (i32, vector<16xi32>) {
          %lt3A_663 = arith.cmpi slt, %while3A_661, %add3A_609 : i32
          scf.condition(%lt3A_663) %while3A_661, %while3A_662 : i32, vector<16xi32>
        } do {
        ^bb0(%while3A_661: i32, %while3A_662: vector<16xi32>):
          %get3A_663 = arith.index_cast %while3A_661 : i32 to index
          %get3A_664 = tpu.vector_load %arg13[%get3A_663] {strides = array<i32>} : memref<960xi32, #tpu.memory_space<vmem>>, vector<16xi32>,
          %add3A_665 = vector.broadcast %while3A_661 : i32 to vector<16xi32>
          %add3A_666 = arith.addi %add3A_665, %iota3A : vector<16xi32>
          %ge3A = vector.broadcast %get3A_606 : i32 to vector<16xi32>
          %ge3A_667 = arith.cmpi sge, %add3A_666, %ge3A : vector<16xi32>
          %lt3A_668 = vector.broadcast %add3A_609 : i32 to vector<16xi32>
          %lt3A_669 = arith.cmpi slt, %add3A_666, %lt3A_668 : vector<16xi32>
          %and3A_670 = arith.andi %ge3A_667, %lt3A_669 : vector<16xi1>
          %gt3A = vector.broadcast %squeeze3A_613 : i32 to vector<16xi32>
          %gt3A_671 = arith.cmpi sgt, %get3A_664, %gt3A : vector<16xi32>
          %eq3A_672 = vector.broadcast %squeeze3A_613 : i32 to vector<16xi32>
          %eq3A_673 = arith.cmpi eq, %get3A_664, %eq3A_672 : vector<16xi32>
          %lt3A_674 = vector.broadcast %while3A_602 : i32 to vector<16xi32>
          %lt3A_675 = arith.cmpi slt, %add3A_666, %lt3A_674 : vector<16xi32>
          %and3A_676 = arith.andi %eq3A_673, %lt3A_675 : vector<16xi1>
          %or3A_677 = arith.ori %gt3A_671, %and3A_676 : vector<16xi1>
          %and3A_678 = arith.andi %and3A_670, %or3A_677 : vector<16xi1>
          %jit3A_679 = arith.constant 1 : i32
          %jit3A_680 = arith.constant 0 : i32
          %broadcast_in_dim3A_681 = vector.broadcast %jit3A_679 : i32 to vector<16xi32>
          %broadcast_in_dim3A_682 = vector.broadcast %jit3A_680 : i32 to vector<16xi32>
          %select_n3A_683 = arith.select %and3A_678, %broadcast_in_dim3A_681, %broadcast_in_dim3A_682 : vector<16xi1>, vector<16xi32>
          %add3A_684 = arith.addi %while3A_662, %select_n3A_683 : vector<16xi32>
          %add3A_685 = arith.constant 16 : i32
          %add3A_686 = arith.addi %while3A_661, %add3A_685 : i32
          scf.yield %add3A_686, %add3A_684 : i32, vector<16xi32>
        }
        %reduce_sum3A = arith.constant true
        %reduce_sum3A_643 = vector.broadcast %reduce_sum3A : i1 to vector<16xi1>
        %reduce_sum3A_644 = tpu.scan <sum>, %while3A_642#1 masked %reduce_sum3A_643 : vector<16xi32>, vector<16xi1> -> vector<16xi32>
        %reduce_sum3A_645 = vector.extract %reduce_sum3A_644[15] : i32 from vector<16xi32>
        %add3A_646 = arith.addi %get3A_606, %reduce_sum3A_645 : i32
        %get3A_647 = arith.index_cast %while3A_602 : i32 to index
        %get3A_648 = tpu.vector_load %arg14[%get3A_647] {strides = array<i32>} : memref<960xi32, #tpu.memory_space<vmem>>, vector<16xi32>,
        %slice3A_649 = vector.extract_strided_slice %get3A_648 {offsets = [0], sizes = [1], strides = [1]} : vector<16xi32> to vector<1xi32>
        %squeeze3A_650 = vector.extract %slice3A_649[0] : i32 from vector<1xi32>
        %broadcast_in_dim3A_651 = arith.constant 0 : i32
        %broadcast_in_dim3A_652 = vector.broadcast %broadcast_in_dim3A_651 : i32 to vector<16xi32>
        %add3A_653 = vector.broadcast %add3A_646 : i32 to vector<16xi32>
        %add3A_654 = arith.addi %broadcast_in_dim3A_652, %add3A_653 : vector<16xi32>
        %broadcast_in_dim3A_655 = arith.constant 0 : i32
        %broadcast_in_dim3A_656 = vector.broadcast %broadcast_in_dim3A_655 : i32 to vector<16xi32>
        %add3A_657 = vector.broadcast %squeeze3A_650 : i32 to vector<16xi32>
        %add3A_658 = arith.addi %broadcast_in_dim3A_656, %add3A_657 : vector<16xi32>
        %eq3A = arith.constant 0 : i32
        %eq3A_659 = vector.broadcast %eq3A : i32 to vector<16xi32>
        %eq3A_660 = arith.cmpi eq, %iota3A, %eq3A_659 : vector<16xi32>
        tpu.vector_store_idx %arg19[%add3A_654], %add3A_658 masked %eq3A_660 : memref<1024xi32, #tpu.memory_space<vmem>>[vector<16xi32>], vector<16xi32>, vector<16xi1>
      }
      %get3A = arith.constant 0 : index
      %get3A_190 = tpu.vector_load %arg19[%get3A] {strides = array<i32>} : memref<1024xi32, #tpu.memory_space<vmem>>, vector<16xi32>,
      %swap3A = arith.constant 0 : index
      %swap3A_191 = tpu.vector_load %arg20[%swap3A] {strides = array<i32>} : memref<128xi32, #tpu.memory_space<vmem>>, vector<16xi32>,
      tpu.vector_store %arg20[%swap3A], %get3A_190 {strides = array<i32>} : memref<128xi32, #tpu.memory_space<vmem>>, vector<16xi32>,
      %get3A_192 = arith.constant 16 : index
      %get3A_193 = tpu.vector_load %arg19[%get3A_192] {strides = array<i32>} : memref<1024xi32, #tpu.memory_space<vmem>>, vector<16xi32>,
      %swap3A_194 = arith.constant 16 : index
      %swap3A_195 = tpu.vector_load %arg20[%swap3A_194] {strides = array<i32>} : memref<128xi32, #tpu.memory_space<vmem>>, vector<16xi32>,
      tpu.vector_store %arg20[%swap3A_194], %get3A_193 {strides = array<i32>} : memref<128xi32, #tpu.memory_space<vmem>>, vector<16xi32>,
      %get3A_196 = arith.constant 32 : index
      %get3A_197 = tpu.vector_load %arg19[%get3A_196] {strides = array<i32>} : memref<1024xi32, #tpu.memory_space<vmem>>, vector<16xi32>,
      %swap3A_198 = arith.constant 32 : index
      %swap3A_199 = tpu.vector_load %arg20[%swap3A_198] {strides = array<i32>} : memref<128xi32, #tpu.memory_space<vmem>>, vector<16xi32>,
      tpu.vector_store %arg20[%swap3A_198], %get3A_197 {strides = array<i32>} : memref<128xi32, #tpu.memory_space<vmem>>, vector<16xi32>,
      %get3A_200 = arith.constant 48 : index
      %get3A_201 = tpu.vector_load %arg19[%get3A_200] {strides = array<i32>} : memref<1024xi32, #tpu.memory_space<vmem>>, vector<16xi32>,
      %swap3A_202 = arith.constant 48 : index
      %swap3A_203 = tpu.vector_load %arg20[%swap3A_202] {strides = array<i32>} : memref<128xi32, #tpu.memory_space<vmem>>, vector<16xi32>,
      tpu.vector_store %arg20[%swap3A_202], %get3A_201 {strides = array<i32>} : memref<128xi32, #tpu.memory_space<vmem>>, vector<16xi32>,
      %get3A_204 = arith.constant 64 : index
      %get3A_205 = tpu.vector_load %arg19[%get3A_204] {strides = array<i32>} : memref<1024xi32, #tpu.memory_space<vmem>>, vector<16xi32>,
      %swap3A_206 = arith.constant 64 : index
      %swap3A_207 = tpu.vector_load %arg20[%swap3A_206] {strides = array<i32>} : memref<128xi32, #tpu.memory_space<vmem>>, vector<16xi32>,
      tpu.vector_store %arg20[%swap3A_206], %get3A_205 {strides = array<i32>} : memref<128xi32, #tpu.memory_space<vmem>>, vector<16xi32>,
      %get3A_208 = arith.constant 80 : index
      %get3A_209 = tpu.vector_load %arg19[%get3A_208] {strides = array<i32>} : memref<1024xi32, #tpu.memory_space<vmem>>, vector<16xi32>,
      %swap3A_210 = arith.constant 80 : index
      %swap3A_211 = tpu.vector_load %arg20[%swap3A_210] {strides = array<i32>} : memref<128xi32, #tpu.memory_space<vmem>>, vector<16xi32>,
      tpu.vector_store %arg20[%swap3A_210], %get3A_209 {strides = array<i32>} : memref<128xi32, #tpu.memory_space<vmem>>, vector<16xi32>,
      %get3A_212 = arith.constant 96 : index
      %get3A_213 = tpu.vector_load %arg19[%get3A_212] {strides = array<i32>} : memref<1024xi32, #tpu.memory_space<vmem>>, vector<16xi32>,
      %swap3A_214 = arith.constant 96 : index
      %swap3A_215 = tpu.vector_load %arg20[%swap3A_214] {strides = array<i32>} : memref<128xi32, #tpu.memory_space<vmem>>, vector<16xi32>,
      tpu.vector_store %arg20[%swap3A_214], %get3A_213 {strides = array<i32>} : memref<128xi32, #tpu.memory_space<vmem>>, vector<16xi32>,
      %get3A_216 = arith.constant 112 : index
      %get3A_217 = tpu.vector_load %arg19[%get3A_216] {strides = array<i32>} : memref<1024xi32, #tpu.memory_space<vmem>>, vector<16xi32>,
      %swap3A_218 = arith.constant 112 : index
      %swap3A_219 = tpu.vector_load %arg20[%swap3A_218] {strides = array<i32>} : memref<128xi32, #tpu.memory_space<vmem>>, vector<16xi32>,
      tpu.vector_store %arg20[%swap3A_218], %get3A_217 {strides = array<i32>} : memref<128xi32, #tpu.memory_space<vmem>>, vector<16xi32>,
      %dma_start3A = arith.constant 0 : i32
      %dma_start3A_220 = arith.constant 0 : i32
      %dma_start3A_221 = tpu.memref_slice %arg3[%dma_start3A, %dma_start3A_220] : memref<53248x256xf32, #tpu.memory_space<hbm>> -> memref<53248x256xf32, #tpu.memory_space<hbm>>
      tpu.enqueue_indirect_dma source(%dma_start3A_221 : memref<53248x256xf32, #tpu.memory_space<hbm>>) target(%arg21 : memref<128x256xf32, #tpu.memory_space<vmem>>) offsets(%arg20 : memref<128xi32, #tpu.memory_space<vmem>>) semaphore(%arg23 : memref<!tpu.dma_semaphore, #tpu.memory_space<semaphore_mem>>)
      %dma_wait3A = arith.constant 0 : i32
      %dma_wait3A_222 = arith.constant 0 : i32
      %dma_wait3A_223 = tpu.memref_slice %arg3[%dma_wait3A, %dma_wait3A_222] : memref<53248x256xf32, #tpu.memory_space<hbm>> -> memref<53248x256xf32, #tpu.memory_space<hbm>>
      tpu.wait_indirect_dma semaphore(%arg23 : memref<!tpu.dma_semaphore, #tpu.memory_space<semaphore_mem>>) src(%dma_wait3A_223 : memref<53248x256xf32, #tpu.memory_space<hbm>>) dst(%arg21 : memref<128x256xf32, #tpu.memory_space<vmem>>)
      %mul3A_224 = arith.constant 1024 : i32
      %mul3A_225 = arith.muli %add3A, %mul3A_224 : i32
      %add3A_226 = arith.constant 0 : i32
      %add3A_227 = arith.addi %mul3A_225, %add3A_226 : i32
      "tpu.region"() ({
        %run_scoped3A = tpu.sem_alloc : memref<!tpu.dma_semaphore, #tpu.memory_space<semaphore_mem>>
        %dma_start3A_602 = arith.constant 0 : i32
        %dma_start3A_603 = tpu.memref_slice %arg5[%add3A_227, %dma_start3A_602] : memref<4096x256xf32, #tpu.memory_space<hbm>> -> memref<128x256xf32, #tpu.memory_space<hbm>>
        %dma_start3A_604 = arith.constant 0 : i32
        %dma_start3A_605 = tpu.memref_slice %arg5[%add3A_227, %dma_start3A_604] : memref<4096x256xf32, #tpu.memory_space<hbm>> -> memref<128x256xf32, #tpu.memory_space<hbm>>
        tpu.enqueue_dma source(%arg21 : memref<128x256xf32, #tpu.memory_space<vmem>>) target(%dma_start3A_605 : memref<128x256xf32, #tpu.memory_space<hbm>>) target_semaphore(%run_scoped3A : memref<!tpu.dma_semaphore, #tpu.memory_space<semaphore_mem>>)
        %dma_wait3A_606 = arith.constant 0 : i32
        %dma_wait3A_607 = tpu.memref_slice %arg5[%add3A_227, %dma_wait3A_606] : memref<4096x256xf32, #tpu.memory_space<hbm>> -> memref<128x256xf32, #tpu.memory_space<hbm>>
        %dma_wait3A_608 = arith.constant 0 : i32
        %dma_wait3A_609 = tpu.memref_slice %arg5[%add3A_227, %dma_wait3A_608] : memref<4096x256xf32, #tpu.memory_space<hbm>> -> memref<128x256xf32, #tpu.memory_space<hbm>>
        tpu.wait_dma2 semaphore(%run_scoped3A : memref<!tpu.dma_semaphore, #tpu.memory_space<semaphore_mem>>) src(%arg21 : memref<128x256xf32, #tpu.memory_space<vmem>>) dst(%dma_wait3A_609 : memref<128x256xf32, #tpu.memory_space<hbm>>)
        tpu.yield
      }) : () -> ()
      %dma_start3A_228 = arith.constant 0 : i32
      %dma_start3A_229 = arith.constant 0 : i32
      %dma_start3A_230 = tpu.memref_slice %arg4[%dma_start3A_228, %dma_start3A_229] : memref<53248x128xf32, #tpu.memory_space<hbm>> -> memref<53248x128xf32, #tpu.memory_space<hbm>>
      tpu.enqueue_indirect_dma source(%dma_start3A_230 : memref<53248x128xf32, #tpu.memory_space<hbm>>) target(%arg22 : memref<128x128xf32, #tpu.memory_space<vmem>>) offsets(%arg20 : memref<128xi32, #tpu.memory_space<vmem>>) semaphore(%arg24 : memref<!tpu.dma_semaphore, #tpu.memory_space<semaphore_mem>>)
      %dma_wait3A_231 = arith.constant 0 : i32
      %dma_wait3A_232 = arith.constant 0 : i32
      %dma_wait3A_233 = tpu.memref_slice %arg4[%dma_wait3A_231, %dma_wait3A_232] : memref<53248x128xf32, #tpu.memory_space<hbm>> -> memref<53248x128xf32, #tpu.memory_space<hbm>>
      tpu.wait_indirect_dma semaphore(%arg24 : memref<!tpu.dma_semaphore, #tpu.memory_space<semaphore_mem>>) src(%dma_wait3A_233 : memref<53248x128xf32, #tpu.memory_space<hbm>>) dst(%arg22 : memref<128x128xf32, #tpu.memory_space<vmem>>)
      %mul3A_234 = arith.constant 1024 : i32
      %mul3A_235 = arith.muli %add3A, %mul3A_234 : i32
      %add3A_236 = arith.constant 0 : i32
      %add3A_237 = arith.addi %mul3A_235, %add3A_236 : i32
      "tpu.region"() ({
        %run_scoped3A = tpu.sem_alloc : memref<!tpu.dma_semaphore, #tpu.memory_space<semaphore_mem>>
        %dma_start3A_602 = arith.constant 0 : i32
        %dma_start3A_603 = tpu.memref_slice %arg6[%add3A_237, %dma_start3A_602] : memref<4096x128xf32, #tpu.memory_space<hbm>> -> memref<128x128xf32, #tpu.memory_space<hbm>>
        %dma_start3A_604 = arith.constant 0 : i32
        %dma_start3A_605 = tpu.memref_slice %arg6[%add3A_237, %dma_start3A_604] : memref<4096x128xf32, #tpu.memory_space<hbm>> -> memref<128x128xf32, #tpu.memory_space<hbm>>
        tpu.enqueue_dma source(%arg22 : memref<128x128xf32, #tpu.memory_space<vmem>>) target(%dma_start3A_605 : memref<128x128xf32, #tpu.memory_space<hbm>>) target_semaphore(%run_scoped3A : memref<!tpu.dma_semaphore, #tpu.memory_space<semaphore_mem>>)
        %dma_wait3A_606 = arith.constant 0 : i32
        %dma_wait3A_607 = tpu.memref_slice %arg6[%add3A_237, %dma_wait3A_606] : memref<4096x128xf32, #tpu.memory_space<hbm>> -> memref<128x128xf32, #tpu.memory_space<hbm>>
        %dma_wait3A_608 = arith.constant 0 : i32
        %dma_wait3A_609 = tpu.memref_slice %arg6[%add3A_237, %dma_wait3A_608] : memref<4096x128xf32, #tpu.memory_space<hbm>> -> memref<128x128xf32, #tpu.memory_space<hbm>>
        tpu.wait_dma2 semaphore(%run_scoped3A : memref<!tpu.dma_semaphore, #tpu.memory_space<semaphore_mem>>) src(%arg22 : memref<128x128xf32, #tpu.memory_space<vmem>>) dst(%dma_wait3A_609 : memref<128x128xf32, #tpu.memory_space<hbm>>)
        tpu.yield
      }) : () -> ()
      %get3A_238 = arith.constant 128 : index
      %get3A_239 = tpu.vector_load %arg19[%get3A_238] {strides = array<i32>} : memref<1024xi32, #tpu.memory_space<vmem>>, vector<16xi32>,
      %swap3A_240 = arith.constant 0 : index
      %swap3A_241 = tpu.vector_load %arg20[%swap3A_240] {strides = array<i32>} : memref<128xi32, #tpu.memory_space<vmem>>, vector<16xi32>,
      tpu.vector_store %arg20[%swap3A_240], %get3A_239 {strides = array<i32>} : memref<128xi32, #tpu.memory_space<vmem>>, vector<16xi32>,
      %get3A_242 = arith.constant 144 : index
      %get3A_243 = tpu.vector_load %arg19[%get3A_242] {strides = array<i32>} : memref<1024xi32, #tpu.memory_space<vmem>>, vector<16xi32>,
      %swap3A_244 = arith.constant 16 : index
      %swap3A_245 = tpu.vector_load %arg20[%swap3A_244] {strides = array<i32>} : memref<128xi32, #tpu.memory_space<vmem>>, vector<16xi32>,
      tpu.vector_store %arg20[%swap3A_244], %get3A_243 {strides = array<i32>} : memref<128xi32, #tpu.memory_space<vmem>>, vector<16xi32>,
      %get3A_246 = arith.constant 160 : index
      %get3A_247 = tpu.vector_load %arg19[%get3A_246] {strides = array<i32>} : memref<1024xi32, #tpu.memory_space<vmem>>, vector<16xi32>,
      %swap3A_248 = arith.constant 32 : index
      %swap3A_249 = tpu.vector_load %arg20[%swap3A_248] {strides = array<i32>} : memref<128xi32, #tpu.memory_space<vmem>>, vector<16xi32>,
      tpu.vector_store %arg20[%swap3A_248], %get3A_247 {strides = array<i32>} : memref<128xi32, #tpu.memory_space<vmem>>, vector<16xi32>,
      %get3A_250 = arith.constant 176 : index
      %get3A_251 = tpu.vector_load %arg19[%get3A_250] {strides = array<i32>} : memref<1024xi32, #tpu.memory_space<vmem>>, vector<16xi32>,
      %swap3A_252 = arith.constant 48 : index
      %swap3A_253 = tpu.vector_load %arg20[%swap3A_252] {strides = array<i32>} : memref<128xi32, #tpu.memory_space<vmem>>, vector<16xi32>,
      tpu.vector_store %arg20[%swap3A_252], %get3A_251 {strides = array<i32>} : memref<128xi32, #tpu.memory_space<vmem>>, vector<16xi32>,
      %get3A_254 = arith.constant 192 : index
      %get3A_255 = tpu.vector_load %arg19[%get3A_254] {strides = array<i32>} : memref<1024xi32, #tpu.memory_space<vmem>>, vector<16xi32>,
      %swap3A_256 = arith.constant 64 : index
      %swap3A_257 = tpu.vector_load %arg20[%swap3A_256] {strides = array<i32>} : memref<128xi32, #tpu.memory_space<vmem>>, vector<16xi32>,
      tpu.vector_store %arg20[%swap3A_256], %get3A_255 {strides = array<i32>} : memref<128xi32, #tpu.memory_space<vmem>>, vector<16xi32>,
      %get3A_258 = arith.constant 208 : index
      %get3A_259 = tpu.vector_load %arg19[%get3A_258] {strides = array<i32>} : memref<1024xi32, #tpu.memory_space<vmem>>, vector<16xi32>,
      %swap3A_260 = arith.constant 80 : index
      %swap3A_261 = tpu.vector_load %arg20[%swap3A_260] {strides = array<i32>} : memref<128xi32, #tpu.memory_space<vmem>>, vector<16xi32>,
      tpu.vector_store %arg20[%swap3A_260], %get3A_259 {strides = array<i32>} : memref<128xi32, #tpu.memory_space<vmem>>, vector<16xi32>,
      %get3A_262 = arith.constant 224 : index
      %get3A_263 = tpu.vector_load %arg19[%get3A_262] {strides = array<i32>} : memref<1024xi32, #tpu.memory_space<vmem>>, vector<16xi32>,
      %swap3A_264 = arith.constant 96 : index
      %swap3A_265 = tpu.vector_load %arg20[%swap3A_264] {strides = array<i32>} : memref<128xi32, #tpu.memory_space<vmem>>, vector<16xi32>,
      tpu.vector_store %arg20[%swap3A_264], %get3A_263 {strides = array<i32>} : memref<128xi32, #tpu.memory_space<vmem>>, vector<16xi32>,
      %get3A_266 = arith.constant 240 : index
      %get3A_267 = tpu.vector_load %arg19[%get3A_266] {strides = array<i32>} : memref<1024xi32, #tpu.memory_space<vmem>>, vector<16xi32>,
      %swap3A_268 = arith.constant 112 : index
      %swap3A_269 = tpu.vector_load %arg20[%swap3A_268] {strides = array<i32>} : memref<128xi32, #tpu.memory_space<vmem>>, vector<16xi32>,
      tpu.vector_store %arg20[%swap3A_268], %get3A_267 {strides = array<i32>} : memref<128xi32, #tpu.memory_space<vmem>>, vector<16xi32>,
      %dma_start3A_270 = arith.constant 0 : i32
      %dma_start3A_271 = arith.constant 0 : i32
      %dma_start3A_272 = tpu.memref_slice %arg3[%dma_start3A_270, %dma_start3A_271] : memref<53248x256xf32, #tpu.memory_space<hbm>> -> memref<53248x256xf32, #tpu.memory_space<hbm>>
      tpu.enqueue_indirect_dma source(%dma_start3A_272 : memref<53248x256xf32, #tpu.memory_space<hbm>>) target(%arg21 : memref<128x256xf32, #tpu.memory_space<vmem>>) offsets(%arg20 : memref<128xi32, #tpu.memory_space<vmem>>) semaphore(%arg23 : memref<!tpu.dma_semaphore, #tpu.memory_space<semaphore_mem>>)
      %dma_wait3A_273 = arith.constant 0 : i32
      %dma_wait3A_274 = arith.constant 0 : i32
      %dma_wait3A_275 = tpu.memref_slice %arg3[%dma_wait3A_273, %dma_wait3A_274] : memref<53248x256xf32, #tpu.memory_space<hbm>> -> memref<53248x256xf32, #tpu.memory_space<hbm>>
      tpu.wait_indirect_dma semaphore(%arg23 : memref<!tpu.dma_semaphore, #tpu.memory_space<semaphore_mem>>) src(%dma_wait3A_275 : memref<53248x256xf32, #tpu.memory_space<hbm>>) dst(%arg21 : memref<128x256xf32, #tpu.memory_space<vmem>>)
      %mul3A_276 = arith.constant 1024 : i32
      %mul3A_277 = arith.muli %add3A, %mul3A_276 : i32
      %add3A_278 = arith.constant 128 : i32
      %add3A_279 = arith.addi %mul3A_277, %add3A_278 : i32
      "tpu.region"() ({
        %run_scoped3A = tpu.sem_alloc : memref<!tpu.dma_semaphore, #tpu.memory_space<semaphore_mem>>
        %dma_start3A_602 = arith.constant 0 : i32
        %dma_start3A_603 = tpu.memref_slice %arg5[%add3A_279, %dma_start3A_602] : memref<4096x256xf32, #tpu.memory_space<hbm>> -> memref<128x256xf32, #tpu.memory_space<hbm>>
        %dma_start3A_604 = arith.constant 0 : i32
        %dma_start3A_605 = tpu.memref_slice %arg5[%add3A_279, %dma_start3A_604] : memref<4096x256xf32, #tpu.memory_space<hbm>> -> memref<128x256xf32, #tpu.memory_space<hbm>>
        tpu.enqueue_dma source(%arg21 : memref<128x256xf32, #tpu.memory_space<vmem>>) target(%dma_start3A_605 : memref<128x256xf32, #tpu.memory_space<hbm>>) target_semaphore(%run_scoped3A : memref<!tpu.dma_semaphore, #tpu.memory_space<semaphore_mem>>)
        %dma_wait3A_606 = arith.constant 0 : i32
        %dma_wait3A_607 = tpu.memref_slice %arg5[%add3A_279, %dma_wait3A_606] : memref<4096x256xf32, #tpu.memory_space<hbm>> -> memref<128x256xf32, #tpu.memory_space<hbm>>
        %dma_wait3A_608 = arith.constant 0 : i32
        %dma_wait3A_609 = tpu.memref_slice %arg5[%add3A_279, %dma_wait3A_608] : memref<4096x256xf32, #tpu.memory_space<hbm>> -> memref<128x256xf32, #tpu.memory_space<hbm>>
        tpu.wait_dma2 semaphore(%run_scoped3A : memref<!tpu.dma_semaphore, #tpu.memory_space<semaphore_mem>>) src(%arg21 : memref<128x256xf32, #tpu.memory_space<vmem>>) dst(%dma_wait3A_609 : memref<128x256xf32, #tpu.memory_space<hbm>>)
        tpu.yield
      }) : () -> ()
      %dma_start3A_280 = arith.constant 0 : i32
      %dma_start3A_281 = arith.constant 0 : i32
      %dma_start3A_282 = tpu.memref_slice %arg4[%dma_start3A_280, %dma_start3A_281] : memref<53248x128xf32, #tpu.memory_space<hbm>> -> memref<53248x128xf32, #tpu.memory_space<hbm>>
      tpu.enqueue_indirect_dma source(%dma_start3A_282 : memref<53248x128xf32, #tpu.memory_space<hbm>>) target(%arg22 : memref<128x128xf32, #tpu.memory_space<vmem>>) offsets(%arg20 : memref<128xi32, #tpu.memory_space<vmem>>) semaphore(%arg24 : memref<!tpu.dma_semaphore, #tpu.memory_space<semaphore_mem>>)
      %dma_wait3A_283 = arith.constant 0 : i32
      %dma_wait3A_284 = arith.constant 0 : i32
      %dma_wait3A_285 = tpu.memref_slice %arg4[%dma_wait3A_283, %dma_wait3A_284] : memref<53248x128xf32, #tpu.memory_space<hbm>> -> memref<53248x128xf32, #tpu.memory_space<hbm>>
      tpu.wait_indirect_dma semaphore(%arg24 : memref<!tpu.dma_semaphore, #tpu.memory_space<semaphore_mem>>) src(%dma_wait3A_285 : memref<53248x128xf32, #tpu.memory_space<hbm>>) dst(%arg22 : memref<128x128xf32, #tpu.memory_space<vmem>>)
      %mul3A_286 = arith.constant 1024 : i32
      %mul3A_287 = arith.muli %add3A, %mul3A_286 : i32
      %add3A_288 = arith.constant 128 : i32
      %add3A_289 = arith.addi %mul3A_287, %add3A_288 : i32
      "tpu.region"() ({
        %run_scoped3A = tpu.sem_alloc : memref<!tpu.dma_semaphore, #tpu.memory_space<semaphore_mem>>
        %dma_start3A_602 = arith.constant 0 : i32
        %dma_start3A_603 = tpu.memref_slice %arg6[%add3A_289, %dma_start3A_602] : memref<4096x128xf32, #tpu.memory_space<hbm>> -> memref<128x128xf32, #tpu.memory_space<hbm>>
        %dma_start3A_604 = arith.constant 0 : i32
        %dma_start3A_605 = tpu.memref_slice %arg6[%add3A_289, %dma_start3A_604] : memref<4096x128xf32, #tpu.memory_space<hbm>> -> memref<128x128xf32, #tpu.memory_space<hbm>>
        tpu.enqueue_dma source(%arg22 : memref<128x128xf32, #tpu.memory_space<vmem>>) target(%dma_start3A_605 : memref<128x128xf32, #tpu.memory_space<hbm>>) target_semaphore(%run_scoped3A : memref<!tpu.dma_semaphore, #tpu.memory_space<semaphore_mem>>)
        %dma_wait3A_606 = arith.constant 0 : i32
        %dma_wait3A_607 = tpu.memref_slice %arg6[%add3A_289, %dma_wait3A_606] : memref<4096x128xf32, #tpu.memory_space<hbm>> -> memref<128x128xf32, #tpu.memory_space<hbm>>
        %dma_wait3A_608 = arith.constant 0 : i32
        %dma_wait3A_609 = tpu.memref_slice %arg6[%add3A_289, %dma_wait3A_608] : memref<4096x128xf32, #tpu.memory_space<hbm>> -> memref<128x128xf32, #tpu.memory_space<hbm>>
        tpu.wait_dma2 semaphore(%run_scoped3A : memref<!tpu.dma_semaphore, #tpu.memory_space<semaphore_mem>>) src(%arg22 : memref<128x128xf32, #tpu.memory_space<vmem>>) dst(%dma_wait3A_609 : memref<128x128xf32, #tpu.memory_space<hbm>>)
        tpu.yield
      }) : () -> ()
      %get3A_290 = arith.constant 256 : index
      %get3A_291 = tpu.vector_load %arg19[%get3A_290] {strides = array<i32>} : memref<1024xi32, #tpu.memory_space<vmem>>, vector<16xi32>,
      %swap3A_292 = arith.constant 0 : index
      %swap3A_293 = tpu.vector_load %arg20[%swap3A_292] {strides = array<i32>} : memref<128xi32, #tpu.memory_space<vmem>>, vector<16xi32>,
      tpu.vector_store %arg20[%swap3A_292], %get3A_291 {strides = array<i32>} : memref<128xi32, #tpu.memory_space<vmem>>, vector<16xi32>,
      %get3A_294 = arith.constant 272 : index
      %get3A_295 = tpu.vector_load %arg19[%get3A_294] {strides = array<i32>} : memref<1024xi32, #tpu.memory_space<vmem>>, vector<16xi32>,
      %swap3A_296 = arith.constant 16 : index
      %swap3A_297 = tpu.vector_load %arg20[%swap3A_296] {strides = array<i32>} : memref<128xi32, #tpu.memory_space<vmem>>, vector<16xi32>,
      tpu.vector_store %arg20[%swap3A_296], %get3A_295 {strides = array<i32>} : memref<128xi32, #tpu.memory_space<vmem>>, vector<16xi32>,
      %get3A_298 = arith.constant 288 : index
      %get3A_299 = tpu.vector_load %arg19[%get3A_298] {strides = array<i32>} : memref<1024xi32, #tpu.memory_space<vmem>>, vector<16xi32>,
      %swap3A_300 = arith.constant 32 : index
      %swap3A_301 = tpu.vector_load %arg20[%swap3A_300] {strides = array<i32>} : memref<128xi32, #tpu.memory_space<vmem>>, vector<16xi32>,
      tpu.vector_store %arg20[%swap3A_300], %get3A_299 {strides = array<i32>} : memref<128xi32, #tpu.memory_space<vmem>>, vector<16xi32>,
      %get3A_302 = arith.constant 304 : index
      %get3A_303 = tpu.vector_load %arg19[%get3A_302] {strides = array<i32>} : memref<1024xi32, #tpu.memory_space<vmem>>, vector<16xi32>,
      %swap3A_304 = arith.constant 48 : index
      %swap3A_305 = tpu.vector_load %arg20[%swap3A_304] {strides = array<i32>} : memref<128xi32, #tpu.memory_space<vmem>>, vector<16xi32>,
      tpu.vector_store %arg20[%swap3A_304], %get3A_303 {strides = array<i32>} : memref<128xi32, #tpu.memory_space<vmem>>, vector<16xi32>,
      %get3A_306 = arith.constant 320 : index
      %get3A_307 = tpu.vector_load %arg19[%get3A_306] {strides = array<i32>} : memref<1024xi32, #tpu.memory_space<vmem>>, vector<16xi32>,
      %swap3A_308 = arith.constant 64 : index
      %swap3A_309 = tpu.vector_load %arg20[%swap3A_308] {strides = array<i32>} : memref<128xi32, #tpu.memory_space<vmem>>, vector<16xi32>,
      tpu.vector_store %arg20[%swap3A_308], %get3A_307 {strides = array<i32>} : memref<128xi32, #tpu.memory_space<vmem>>, vector<16xi32>,
      %get3A_310 = arith.constant 336 : index
      %get3A_311 = tpu.vector_load %arg19[%get3A_310] {strides = array<i32>} : memref<1024xi32, #tpu.memory_space<vmem>>, vector<16xi32>,
      %swap3A_312 = arith.constant 80 : index
      %swap3A_313 = tpu.vector_load %arg20[%swap3A_312] {strides = array<i32>} : memref<128xi32, #tpu.memory_space<vmem>>, vector<16xi32>,
      tpu.vector_store %arg20[%swap3A_312], %get3A_311 {strides = array<i32>} : memref<128xi32, #tpu.memory_space<vmem>>, vector<16xi32>,
      %get3A_314 = arith.constant 352 : index
      %get3A_315 = tpu.vector_load %arg19[%get3A_314] {strides = array<i32>} : memref<1024xi32, #tpu.memory_space<vmem>>, vector<16xi32>,
      %swap3A_316 = arith.constant 96 : index
      %swap3A_317 = tpu.vector_load %arg20[%swap3A_316] {strides = array<i32>} : memref<128xi32, #tpu.memory_space<vmem>>, vector<16xi32>,
      tpu.vector_store %arg20[%swap3A_316], %get3A_315 {strides = array<i32>} : memref<128xi32, #tpu.memory_space<vmem>>, vector<16xi32>,
      %get3A_318 = arith.constant 368 : index
      %get3A_319 = tpu.vector_load %arg19[%get3A_318] {strides = array<i32>} : memref<1024xi32, #tpu.memory_space<vmem>>, vector<16xi32>,
      %swap3A_320 = arith.constant 112 : index
      %swap3A_321 = tpu.vector_load %arg20[%swap3A_320] {strides = array<i32>} : memref<128xi32, #tpu.memory_space<vmem>>, vector<16xi32>,
      tpu.vector_store %arg20[%swap3A_320], %get3A_319 {strides = array<i32>} : memref<128xi32, #tpu.memory_space<vmem>>, vector<16xi32>,
      %dma_start3A_322 = arith.constant 0 : i32
      %dma_start3A_323 = arith.constant 0 : i32
      %dma_start3A_324 = tpu.memref_slice %arg3[%dma_start3A_322, %dma_start3A_323] : memref<53248x256xf32, #tpu.memory_space<hbm>> -> memref<53248x256xf32, #tpu.memory_space<hbm>>
      tpu.enqueue_indirect_dma source(%dma_start3A_324 : memref<53248x256xf32, #tpu.memory_space<hbm>>) target(%arg21 : memref<128x256xf32, #tpu.memory_space<vmem>>) offsets(%arg20 : memref<128xi32, #tpu.memory_space<vmem>>) semaphore(%arg23 : memref<!tpu.dma_semaphore, #tpu.memory_space<semaphore_mem>>)
      %dma_wait3A_325 = arith.constant 0 : i32
      %dma_wait3A_326 = arith.constant 0 : i32
      %dma_wait3A_327 = tpu.memref_slice %arg3[%dma_wait3A_325, %dma_wait3A_326] : memref<53248x256xf32, #tpu.memory_space<hbm>> -> memref<53248x256xf32, #tpu.memory_space<hbm>>
      tpu.wait_indirect_dma semaphore(%arg23 : memref<!tpu.dma_semaphore, #tpu.memory_space<semaphore_mem>>) src(%dma_wait3A_327 : memref<53248x256xf32, #tpu.memory_space<hbm>>) dst(%arg21 : memref<128x256xf32, #tpu.memory_space<vmem>>)
      %mul3A_328 = arith.constant 1024 : i32
      %mul3A_329 = arith.muli %add3A, %mul3A_328 : i32
      %add3A_330 = arith.constant 256 : i32
      %add3A_331 = arith.addi %mul3A_329, %add3A_330 : i32
      "tpu.region"() ({
        %run_scoped3A = tpu.sem_alloc : memref<!tpu.dma_semaphore, #tpu.memory_space<semaphore_mem>>
        %dma_start3A_602 = arith.constant 0 : i32
        %dma_start3A_603 = tpu.memref_slice %arg5[%add3A_331, %dma_start3A_602] : memref<4096x256xf32, #tpu.memory_space<hbm>> -> memref<128x256xf32, #tpu.memory_space<hbm>>
        %dma_start3A_604 = arith.constant 0 : i32
        %dma_start3A_605 = tpu.memref_slice %arg5[%add3A_331, %dma_start3A_604] : memref<4096x256xf32, #tpu.memory_space<hbm>> -> memref<128x256xf32, #tpu.memory_space<hbm>>
        tpu.enqueue_dma source(%arg21 : memref<128x256xf32, #tpu.memory_space<vmem>>) target(%dma_start3A_605 : memref<128x256xf32, #tpu.memory_space<hbm>>) target_semaphore(%run_scoped3A : memref<!tpu.dma_semaphore, #tpu.memory_space<semaphore_mem>>)
        %dma_wait3A_606 = arith.constant 0 : i32
        %dma_wait3A_607 = tpu.memref_slice %arg5[%add3A_331, %dma_wait3A_606] : memref<4096x256xf32, #tpu.memory_space<hbm>> -> memref<128x256xf32, #tpu.memory_space<hbm>>
        %dma_wait3A_608 = arith.constant 0 : i32
        %dma_wait3A_609 = tpu.memref_slice %arg5[%add3A_331, %dma_wait3A_608] : memref<4096x256xf32, #tpu.memory_space<hbm>> -> memref<128x256xf32, #tpu.memory_space<hbm>>
        tpu.wait_dma2 semaphore(%run_scoped3A : memref<!tpu.dma_semaphore, #tpu.memory_space<semaphore_mem>>) src(%arg21 : memref<128x256xf32, #tpu.memory_space<vmem>>) dst(%dma_wait3A_609 : memref<128x256xf32, #tpu.memory_space<hbm>>)
        tpu.yield
      }) : () -> ()
      %dma_start3A_332 = arith.constant 0 : i32
      %dma_start3A_333 = arith.constant 0 : i32
      %dma_start3A_334 = tpu.memref_slice %arg4[%dma_start3A_332, %dma_start3A_333] : memref<53248x128xf32, #tpu.memory_space<hbm>> -> memref<53248x128xf32, #tpu.memory_space<hbm>>
      tpu.enqueue_indirect_dma source(%dma_start3A_334 : memref<53248x128xf32, #tpu.memory_space<hbm>>) target(%arg22 : memref<128x128xf32, #tpu.memory_space<vmem>>) offsets(%arg20 : memref<128xi32, #tpu.memory_space<vmem>>) semaphore(%arg24 : memref<!tpu.dma_semaphore, #tpu.memory_space<semaphore_mem>>)
      %dma_wait3A_335 = arith.constant 0 : i32
      %dma_wait3A_336 = arith.constant 0 : i32
      %dma_wait3A_337 = tpu.memref_slice %arg4[%dma_wait3A_335, %dma_wait3A_336] : memref<53248x128xf32, #tpu.memory_space<hbm>> -> memref<53248x128xf32, #tpu.memory_space<hbm>>
      tpu.wait_indirect_dma semaphore(%arg24 : memref<!tpu.dma_semaphore, #tpu.memory_space<semaphore_mem>>) src(%dma_wait3A_337 : memref<53248x128xf32, #tpu.memory_space<hbm>>) dst(%arg22 : memref<128x128xf32, #tpu.memory_space<vmem>>)
      %mul3A_338 = arith.constant 1024 : i32
      %mul3A_339 = arith.muli %add3A, %mul3A_338 : i32
      %add3A_340 = arith.constant 256 : i32
      %add3A_341 = arith.addi %mul3A_339, %add3A_340 : i32
      "tpu.region"() ({
        %run_scoped3A = tpu.sem_alloc : memref<!tpu.dma_semaphore, #tpu.memory_space<semaphore_mem>>
        %dma_start3A_602 = arith.constant 0 : i32
        %dma_start3A_603 = tpu.memref_slice %arg6[%add3A_341, %dma_start3A_602] : memref<4096x128xf32, #tpu.memory_space<hbm>> -> memref<128x128xf32, #tpu.memory_space<hbm>>
        %dma_start3A_604 = arith.constant 0 : i32
        %dma_start3A_605 = tpu.memref_slice %arg6[%add3A_341, %dma_start3A_604] : memref<4096x128xf32, #tpu.memory_space<hbm>> -> memref<128x128xf32, #tpu.memory_space<hbm>>
        tpu.enqueue_dma source(%arg22 : memref<128x128xf32, #tpu.memory_space<vmem>>) target(%dma_start3A_605 : memref<128x128xf32, #tpu.memory_space<hbm>>) target_semaphore(%run_scoped3A : memref<!tpu.dma_semaphore, #tpu.memory_space<semaphore_mem>>)
        %dma_wait3A_606 = arith.constant 0 : i32
        %dma_wait3A_607 = tpu.memref_slice %arg6[%add3A_341, %dma_wait3A_606] : memref<4096x128xf32, #tpu.memory_space<hbm>> -> memref<128x128xf32, #tpu.memory_space<hbm>>
        %dma_wait3A_608 = arith.constant 0 : i32
        %dma_wait3A_609 = tpu.memref_slice %arg6[%add3A_341, %dma_wait3A_608] : memref<4096x128xf32, #tpu.memory_space<hbm>> -> memref<128x128xf32, #tpu.memory_space<hbm>>
        tpu.wait_dma2 semaphore(%run_scoped3A : memref<!tpu.dma_semaphore, #tpu.memory_space<semaphore_mem>>) src(%arg22 : memref<128x128xf32, #tpu.memory_space<vmem>>) dst(%dma_wait3A_609 : memref<128x128xf32, #tpu.memory_space<hbm>>)
        tpu.yield
      }) : () -> ()
      %get3A_342 = arith.constant 384 : index
      %get3A_343 = tpu.vector_load %arg19[%get3A_342] {strides = array<i32>} : memref<1024xi32, #tpu.memory_space<vmem>>, vector<16xi32>,
      %swap3A_344 = arith.constant 0 : index
      %swap3A_345 = tpu.vector_load %arg20[%swap3A_344] {strides = array<i32>} : memref<128xi32, #tpu.memory_space<vmem>>, vector<16xi32>,
      tpu.vector_store %arg20[%swap3A_344], %get3A_343 {strides = array<i32>} : memref<128xi32, #tpu.memory_space<vmem>>, vector<16xi32>,
      %get3A_346 = arith.constant 400 : index
      %get3A_347 = tpu.vector_load %arg19[%get3A_346] {strides = array<i32>} : memref<1024xi32, #tpu.memory_space<vmem>>, vector<16xi32>,
      %swap3A_348 = arith.constant 16 : index
      %swap3A_349 = tpu.vector_load %arg20[%swap3A_348] {strides = array<i32>} : memref<128xi32, #tpu.memory_space<vmem>>, vector<16xi32>,
      tpu.vector_store %arg20[%swap3A_348], %get3A_347 {strides = array<i32>} : memref<128xi32, #tpu.memory_space<vmem>>, vector<16xi32>,
      %get3A_350 = arith.constant 416 : index
      %get3A_351 = tpu.vector_load %arg19[%get3A_350] {strides = array<i32>} : memref<1024xi32, #tpu.memory_space<vmem>>, vector<16xi32>,
      %swap3A_352 = arith.constant 32 : index
      %swap3A_353 = tpu.vector_load %arg20[%swap3A_352] {strides = array<i32>} : memref<128xi32, #tpu.memory_space<vmem>>, vector<16xi32>,
      tpu.vector_store %arg20[%swap3A_352], %get3A_351 {strides = array<i32>} : memref<128xi32, #tpu.memory_space<vmem>>, vector<16xi32>,
      %get3A_354 = arith.constant 432 : index
      %get3A_355 = tpu.vector_load %arg19[%get3A_354] {strides = array<i32>} : memref<1024xi32, #tpu.memory_space<vmem>>, vector<16xi32>,
      %swap3A_356 = arith.constant 48 : index
      %swap3A_357 = tpu.vector_load %arg20[%swap3A_356] {strides = array<i32>} : memref<128xi32, #tpu.memory_space<vmem>>, vector<16xi32>,
      tpu.vector_store %arg20[%swap3A_356], %get3A_355 {strides = array<i32>} : memref<128xi32, #tpu.memory_space<vmem>>, vector<16xi32>,
      %get3A_358 = arith.constant 448 : index
      %get3A_359 = tpu.vector_load %arg19[%get3A_358] {strides = array<i32>} : memref<1024xi32, #tpu.memory_space<vmem>>, vector<16xi32>,
      %swap3A_360 = arith.constant 64 : index
      %swap3A_361 = tpu.vector_load %arg20[%swap3A_360] {strides = array<i32>} : memref<128xi32, #tpu.memory_space<vmem>>, vector<16xi32>,
      tpu.vector_store %arg20[%swap3A_360], %get3A_359 {strides = array<i32>} : memref<128xi32, #tpu.memory_space<vmem>>, vector<16xi32>,
      %get3A_362 = arith.constant 464 : index
      %get3A_363 = tpu.vector_load %arg19[%get3A_362] {strides = array<i32>} : memref<1024xi32, #tpu.memory_space<vmem>>, vector<16xi32>,
      %swap3A_364 = arith.constant 80 : index
      %swap3A_365 = tpu.vector_load %arg20[%swap3A_364] {strides = array<i32>} : memref<128xi32, #tpu.memory_space<vmem>>, vector<16xi32>,
      tpu.vector_store %arg20[%swap3A_364], %get3A_363 {strides = array<i32>} : memref<128xi32, #tpu.memory_space<vmem>>, vector<16xi32>,
      %get3A_366 = arith.constant 480 : index
      %get3A_367 = tpu.vector_load %arg19[%get3A_366] {strides = array<i32>} : memref<1024xi32, #tpu.memory_space<vmem>>, vector<16xi32>,
      %swap3A_368 = arith.constant 96 : index
      %swap3A_369 = tpu.vector_load %arg20[%swap3A_368] {strides = array<i32>} : memref<128xi32, #tpu.memory_space<vmem>>, vector<16xi32>,
      tpu.vector_store %arg20[%swap3A_368], %get3A_367 {strides = array<i32>} : memref<128xi32, #tpu.memory_space<vmem>>, vector<16xi32>,
      %get3A_370 = arith.constant 496 : index
      %get3A_371 = tpu.vector_load %arg19[%get3A_370] {strides = array<i32>} : memref<1024xi32, #tpu.memory_space<vmem>>, vector<16xi32>,
      %swap3A_372 = arith.constant 112 : index
      %swap3A_373 = tpu.vector_load %arg20[%swap3A_372] {strides = array<i32>} : memref<128xi32, #tpu.memory_space<vmem>>, vector<16xi32>,
      tpu.vector_store %arg20[%swap3A_372], %get3A_371 {strides = array<i32>} : memref<128xi32, #tpu.memory_space<vmem>>, vector<16xi32>,
      %dma_start3A_374 = arith.constant 0 : i32
      %dma_start3A_375 = arith.constant 0 : i32
      %dma_start3A_376 = tpu.memref_slice %arg3[%dma_start3A_374, %dma_start3A_375] : memref<53248x256xf32, #tpu.memory_space<hbm>> -> memref<53248x256xf32, #tpu.memory_space<hbm>>
      tpu.enqueue_indirect_dma source(%dma_start3A_376 : memref<53248x256xf32, #tpu.memory_space<hbm>>) target(%arg21 : memref<128x256xf32, #tpu.memory_space<vmem>>) offsets(%arg20 : memref<128xi32, #tpu.memory_space<vmem>>) semaphore(%arg23 : memref<!tpu.dma_semaphore, #tpu.memory_space<semaphore_mem>>)
      %dma_wait3A_377 = arith.constant 0 : i32
      %dma_wait3A_378 = arith.constant 0 : i32
      %dma_wait3A_379 = tpu.memref_slice %arg3[%dma_wait3A_377, %dma_wait3A_378] : memref<53248x256xf32, #tpu.memory_space<hbm>> -> memref<53248x256xf32, #tpu.memory_space<hbm>>
      tpu.wait_indirect_dma semaphore(%arg23 : memref<!tpu.dma_semaphore, #tpu.memory_space<semaphore_mem>>) src(%dma_wait3A_379 : memref<53248x256xf32, #tpu.memory_space<hbm>>) dst(%arg21 : memref<128x256xf32, #tpu.memory_space<vmem>>)
      %mul3A_380 = arith.constant 1024 : i32
      %mul3A_381 = arith.muli %add3A, %mul3A_380 : i32
      %add3A_382 = arith.constant 384 : i32
      %add3A_383 = arith.addi %mul3A_381, %add3A_382 : i32
      "tpu.region"() ({
        %run_scoped3A = tpu.sem_alloc : memref<!tpu.dma_semaphore, #tpu.memory_space<semaphore_mem>>
        %dma_start3A_602 = arith.constant 0 : i32
        %dma_start3A_603 = tpu.memref_slice %arg5[%add3A_383, %dma_start3A_602] : memref<4096x256xf32, #tpu.memory_space<hbm>> -> memref<128x256xf32, #tpu.memory_space<hbm>>
        %dma_start3A_604 = arith.constant 0 : i32
        %dma_start3A_605 = tpu.memref_slice %arg5[%add3A_383, %dma_start3A_604] : memref<4096x256xf32, #tpu.memory_space<hbm>> -> memref<128x256xf32, #tpu.memory_space<hbm>>
        tpu.enqueue_dma source(%arg21 : memref<128x256xf32, #tpu.memory_space<vmem>>) target(%dma_start3A_605 : memref<128x256xf32, #tpu.memory_space<hbm>>) target_semaphore(%run_scoped3A : memref<!tpu.dma_semaphore, #tpu.memory_space<semaphore_mem>>)
        %dma_wait3A_606 = arith.constant 0 : i32
        %dma_wait3A_607 = tpu.memref_slice %arg5[%add3A_383, %dma_wait3A_606] : memref<4096x256xf32, #tpu.memory_space<hbm>> -> memref<128x256xf32, #tpu.memory_space<hbm>>
        %dma_wait3A_608 = arith.constant 0 : i32
        %dma_wait3A_609 = tpu.memref_slice %arg5[%add3A_383, %dma_wait3A_608] : memref<4096x256xf32, #tpu.memory_space<hbm>> -> memref<128x256xf32, #tpu.memory_space<hbm>>
        tpu.wait_dma2 semaphore(%run_scoped3A : memref<!tpu.dma_semaphore, #tpu.memory_space<semaphore_mem>>) src(%arg21 : memref<128x256xf32, #tpu.memory_space<vmem>>) dst(%dma_wait3A_609 : memref<128x256xf32, #tpu.memory_space<hbm>>)
        tpu.yield
      }) : () -> ()
      %dma_start3A_384 = arith.constant 0 : i32
      %dma_start3A_385 = arith.constant 0 : i32
      %dma_start3A_386 = tpu.memref_slice %arg4[%dma_start3A_384, %dma_start3A_385] : memref<53248x128xf32, #tpu.memory_space<hbm>> -> memref<53248x128xf32, #tpu.memory_space<hbm>>
      tpu.enqueue_indirect_dma source(%dma_start3A_386 : memref<53248x128xf32, #tpu.memory_space<hbm>>) target(%arg22 : memref<128x128xf32, #tpu.memory_space<vmem>>) offsets(%arg20 : memref<128xi32, #tpu.memory_space<vmem>>) semaphore(%arg24 : memref<!tpu.dma_semaphore, #tpu.memory_space<semaphore_mem>>)
      %dma_wait3A_387 = arith.constant 0 : i32
      %dma_wait3A_388 = arith.constant 0 : i32
      %dma_wait3A_389 = tpu.memref_slice %arg4[%dma_wait3A_387, %dma_wait3A_388] : memref<53248x128xf32, #tpu.memory_space<hbm>> -> memref<53248x128xf32, #tpu.memory_space<hbm>>
      tpu.wait_indirect_dma semaphore(%arg24 : memref<!tpu.dma_semaphore, #tpu.memory_space<semaphore_mem>>) src(%dma_wait3A_389 : memref<53248x128xf32, #tpu.memory_space<hbm>>) dst(%arg22 : memref<128x128xf32, #tpu.memory_space<vmem>>)
      %mul3A_390 = arith.constant 1024 : i32
      %mul3A_391 = arith.muli %add3A, %mul3A_390 : i32
      %add3A_392 = arith.constant 384 : i32
      %add3A_393 = arith.addi %mul3A_391, %add3A_392 : i32
      "tpu.region"() ({
        %run_scoped3A = tpu.sem_alloc : memref<!tpu.dma_semaphore, #tpu.memory_space<semaphore_mem>>
        %dma_start3A_602 = arith.constant 0 : i32
        %dma_start3A_603 = tpu.memref_slice %arg6[%add3A_393, %dma_start3A_602] : memref<4096x128xf32, #tpu.memory_space<hbm>> -> memref<128x128xf32, #tpu.memory_space<hbm>>
        %dma_start3A_604 = arith.constant 0 : i32
        %dma_start3A_605 = tpu.memref_slice %arg6[%add3A_393, %dma_start3A_604] : memref<4096x128xf32, #tpu.memory_space<hbm>> -> memref<128x128xf32, #tpu.memory_space<hbm>>
        tpu.enqueue_dma source(%arg22 : memref<128x128xf32, #tpu.memory_space<vmem>>) target(%dma_start3A_605 : memref<128x128xf32, #tpu.memory_space<hbm>>) target_semaphore(%run_scoped3A : memref<!tpu.dma_semaphore, #tpu.memory_space<semaphore_mem>>)
        %dma_wait3A_606 = arith.constant 0 : i32
        %dma_wait3A_607 = tpu.memref_slice %arg6[%add3A_393, %dma_wait3A_606] : memref<4096x128xf32, #tpu.memory_space<hbm>> -> memref<128x128xf32, #tpu.memory_space<hbm>>
        %dma_wait3A_608 = arith.constant 0 : i32
        %dma_wait3A_609 = tpu.memref_slice %arg6[%add3A_393, %dma_wait3A_608] : memref<4096x128xf32, #tpu.memory_space<hbm>> -> memref<128x128xf32, #tpu.memory_space<hbm>>
        tpu.wait_dma2 semaphore(%run_scoped3A : memref<!tpu.dma_semaphore, #tpu.memory_space<semaphore_mem>>) src(%arg22 : memref<128x128xf32, #tpu.memory_space<vmem>>) dst(%dma_wait3A_609 : memref<128x128xf32, #tpu.memory_space<hbm>>)
        tpu.yield
      }) : () -> ()
      %get3A_394 = arith.constant 512 : index
      %get3A_395 = tpu.vector_load %arg19[%get3A_394] {strides = array<i32>} : memref<1024xi32, #tpu.memory_space<vmem>>, vector<16xi32>,
      %swap3A_396 = arith.constant 0 : index
      %swap3A_397 = tpu.vector_load %arg20[%swap3A_396] {strides = array<i32>} : memref<128xi32, #tpu.memory_space<vmem>>, vector<16xi32>,
      tpu.vector_store %arg20[%swap3A_396], %get3A_395 {strides = array<i32>} : memref<128xi32, #tpu.memory_space<vmem>>, vector<16xi32>,
      %get3A_398 = arith.constant 528 : index
      %get3A_399 = tpu.vector_load %arg19[%get3A_398] {strides = array<i32>} : memref<1024xi32, #tpu.memory_space<vmem>>, vector<16xi32>,
      %swap3A_400 = arith.constant 16 : index
      %swap3A_401 = tpu.vector_load %arg20[%swap3A_400] {strides = array<i32>} : memref<128xi32, #tpu.memory_space<vmem>>, vector<16xi32>,
      tpu.vector_store %arg20[%swap3A_400], %get3A_399 {strides = array<i32>} : memref<128xi32, #tpu.memory_space<vmem>>, vector<16xi32>,
      %get3A_402 = arith.constant 544 : index
      %get3A_403 = tpu.vector_load %arg19[%get3A_402] {strides = array<i32>} : memref<1024xi32, #tpu.memory_space<vmem>>, vector<16xi32>,
      %swap3A_404 = arith.constant 32 : index
      %swap3A_405 = tpu.vector_load %arg20[%swap3A_404] {strides = array<i32>} : memref<128xi32, #tpu.memory_space<vmem>>, vector<16xi32>,
      tpu.vector_store %arg20[%swap3A_404], %get3A_403 {strides = array<i32>} : memref<128xi32, #tpu.memory_space<vmem>>, vector<16xi32>,
      %get3A_406 = arith.constant 560 : index
      %get3A_407 = tpu.vector_load %arg19[%get3A_406] {strides = array<i32>} : memref<1024xi32, #tpu.memory_space<vmem>>, vector<16xi32>,
      %swap3A_408 = arith.constant 48 : index
      %swap3A_409 = tpu.vector_load %arg20[%swap3A_408] {strides = array<i32>} : memref<128xi32, #tpu.memory_space<vmem>>, vector<16xi32>,
      tpu.vector_store %arg20[%swap3A_408], %get3A_407 {strides = array<i32>} : memref<128xi32, #tpu.memory_space<vmem>>, vector<16xi32>,
      %get3A_410 = arith.constant 576 : index
      %get3A_411 = tpu.vector_load %arg19[%get3A_410] {strides = array<i32>} : memref<1024xi32, #tpu.memory_space<vmem>>, vector<16xi32>,
      %swap3A_412 = arith.constant 64 : index
      %swap3A_413 = tpu.vector_load %arg20[%swap3A_412] {strides = array<i32>} : memref<128xi32, #tpu.memory_space<vmem>>, vector<16xi32>,
      tpu.vector_store %arg20[%swap3A_412], %get3A_411 {strides = array<i32>} : memref<128xi32, #tpu.memory_space<vmem>>, vector<16xi32>,
      %get3A_414 = arith.constant 592 : index
      %get3A_415 = tpu.vector_load %arg19[%get3A_414] {strides = array<i32>} : memref<1024xi32, #tpu.memory_space<vmem>>, vector<16xi32>,
      %swap3A_416 = arith.constant 80 : index
      %swap3A_417 = tpu.vector_load %arg20[%swap3A_416] {strides = array<i32>} : memref<128xi32, #tpu.memory_space<vmem>>, vector<16xi32>,
      tpu.vector_store %arg20[%swap3A_416], %get3A_415 {strides = array<i32>} : memref<128xi32, #tpu.memory_space<vmem>>, vector<16xi32>,
      %get3A_418 = arith.constant 608 : index
      %get3A_419 = tpu.vector_load %arg19[%get3A_418] {strides = array<i32>} : memref<1024xi32, #tpu.memory_space<vmem>>, vector<16xi32>,
      %swap3A_420 = arith.constant 96 : index
      %swap3A_421 = tpu.vector_load %arg20[%swap3A_420] {strides = array<i32>} : memref<128xi32, #tpu.memory_space<vmem>>, vector<16xi32>,
      tpu.vector_store %arg20[%swap3A_420], %get3A_419 {strides = array<i32>} : memref<128xi32, #tpu.memory_space<vmem>>, vector<16xi32>,
      %get3A_422 = arith.constant 624 : index
      %get3A_423 = tpu.vector_load %arg19[%get3A_422] {strides = array<i32>} : memref<1024xi32, #tpu.memory_space<vmem>>, vector<16xi32>,
      %swap3A_424 = arith.constant 112 : index
      %swap3A_425 = tpu.vector_load %arg20[%swap3A_424] {strides = array<i32>} : memref<128xi32, #tpu.memory_space<vmem>>, vector<16xi32>,
      tpu.vector_store %arg20[%swap3A_424], %get3A_423 {strides = array<i32>} : memref<128xi32, #tpu.memory_space<vmem>>, vector<16xi32>,
      %dma_start3A_426 = arith.constant 0 : i32
      %dma_start3A_427 = arith.constant 0 : i32
      %dma_start3A_428 = tpu.memref_slice %arg3[%dma_start3A_426, %dma_start3A_427] : memref<53248x256xf32, #tpu.memory_space<hbm>> -> memref<53248x256xf32, #tpu.memory_space<hbm>>
      tpu.enqueue_indirect_dma source(%dma_start3A_428 : memref<53248x256xf32, #tpu.memory_space<hbm>>) target(%arg21 : memref<128x256xf32, #tpu.memory_space<vmem>>) offsets(%arg20 : memref<128xi32, #tpu.memory_space<vmem>>) semaphore(%arg23 : memref<!tpu.dma_semaphore, #tpu.memory_space<semaphore_mem>>)
      %dma_wait3A_429 = arith.constant 0 : i32
      %dma_wait3A_430 = arith.constant 0 : i32
      %dma_wait3A_431 = tpu.memref_slice %arg3[%dma_wait3A_429, %dma_wait3A_430] : memref<53248x256xf32, #tpu.memory_space<hbm>> -> memref<53248x256xf32, #tpu.memory_space<hbm>>
      tpu.wait_indirect_dma semaphore(%arg23 : memref<!tpu.dma_semaphore, #tpu.memory_space<semaphore_mem>>) src(%dma_wait3A_431 : memref<53248x256xf32, #tpu.memory_space<hbm>>) dst(%arg21 : memref<128x256xf32, #tpu.memory_space<vmem>>)
      %mul3A_432 = arith.constant 1024 : i32
      %mul3A_433 = arith.muli %add3A, %mul3A_432 : i32
      %add3A_434 = arith.constant 512 : i32
      %add3A_435 = arith.addi %mul3A_433, %add3A_434 : i32
      "tpu.region"() ({
        %run_scoped3A = tpu.sem_alloc : memref<!tpu.dma_semaphore, #tpu.memory_space<semaphore_mem>>
        %dma_start3A_602 = arith.constant 0 : i32
        %dma_start3A_603 = tpu.memref_slice %arg5[%add3A_435, %dma_start3A_602] : memref<4096x256xf32, #tpu.memory_space<hbm>> -> memref<128x256xf32, #tpu.memory_space<hbm>>
        %dma_start3A_604 = arith.constant 0 : i32
        %dma_start3A_605 = tpu.memref_slice %arg5[%add3A_435, %dma_start3A_604] : memref<4096x256xf32, #tpu.memory_space<hbm>> -> memref<128x256xf32, #tpu.memory_space<hbm>>
        tpu.enqueue_dma source(%arg21 : memref<128x256xf32, #tpu.memory_space<vmem>>) target(%dma_start3A_605 : memref<128x256xf32, #tpu.memory_space<hbm>>) target_semaphore(%run_scoped3A : memref<!tpu.dma_semaphore, #tpu.memory_space<semaphore_mem>>)
        %dma_wait3A_606 = arith.constant 0 : i32
        %dma_wait3A_607 = tpu.memref_slice %arg5[%add3A_435, %dma_wait3A_606] : memref<4096x256xf32, #tpu.memory_space<hbm>> -> memref<128x256xf32, #tpu.memory_space<hbm>>
        %dma_wait3A_608 = arith.constant 0 : i32
        %dma_wait3A_609 = tpu.memref_slice %arg5[%add3A_435, %dma_wait3A_608] : memref<4096x256xf32, #tpu.memory_space<hbm>> -> memref<128x256xf32, #tpu.memory_space<hbm>>
        tpu.wait_dma2 semaphore(%run_scoped3A : memref<!tpu.dma_semaphore, #tpu.memory_space<semaphore_mem>>) src(%arg21 : memref<128x256xf32, #tpu.memory_space<vmem>>) dst(%dma_wait3A_609 : memref<128x256xf32, #tpu.memory_space<hbm>>)
        tpu.yield
      }) : () -> ()
      %dma_start3A_436 = arith.constant 0 : i32
      %dma_start3A_437 = arith.constant 0 : i32
      %dma_start3A_438 = tpu.memref_slice %arg4[%dma_start3A_436, %dma_start3A_437] : memref<53248x128xf32, #tpu.memory_space<hbm>> -> memref<53248x128xf32, #tpu.memory_space<hbm>>
      tpu.enqueue_indirect_dma source(%dma_start3A_438 : memref<53248x128xf32, #tpu.memory_space<hbm>>) target(%arg22 : memref<128x128xf32, #tpu.memory_space<vmem>>) offsets(%arg20 : memref<128xi32, #tpu.memory_space<vmem>>) semaphore(%arg24 : memref<!tpu.dma_semaphore, #tpu.memory_space<semaphore_mem>>)
      %dma_wait3A_439 = arith.constant 0 : i32
      %dma_wait3A_440 = arith.constant 0 : i32
      %dma_wait3A_441 = tpu.memref_slice %arg4[%dma_wait3A_439, %dma_wait3A_440] : memref<53248x128xf32, #tpu.memory_space<hbm>> -> memref<53248x128xf32, #tpu.memory_space<hbm>>
      tpu.wait_indirect_dma semaphore(%arg24 : memref<!tpu.dma_semaphore, #tpu.memory_space<semaphore_mem>>) src(%dma_wait3A_441 : memref<53248x128xf32, #tpu.memory_space<hbm>>) dst(%arg22 : memref<128x128xf32, #tpu.memory_space<vmem>>)
      %mul3A_442 = arith.constant 1024 : i32
      %mul3A_443 = arith.muli %add3A, %mul3A_442 : i32
      %add3A_444 = arith.constant 512 : i32
      %add3A_445 = arith.addi %mul3A_443, %add3A_444 : i32
      "tpu.region"() ({
        %run_scoped3A = tpu.sem_alloc : memref<!tpu.dma_semaphore, #tpu.memory_space<semaphore_mem>>
        %dma_start3A_602 = arith.constant 0 : i32
        %dma_start3A_603 = tpu.memref_slice %arg6[%add3A_445, %dma_start3A_602] : memref<4096x128xf32, #tpu.memory_space<hbm>> -> memref<128x128xf32, #tpu.memory_space<hbm>>
        %dma_start3A_604 = arith.constant 0 : i32
        %dma_start3A_605 = tpu.memref_slice %arg6[%add3A_445, %dma_start3A_604] : memref<4096x128xf32, #tpu.memory_space<hbm>> -> memref<128x128xf32, #tpu.memory_space<hbm>>
        tpu.enqueue_dma source(%arg22 : memref<128x128xf32, #tpu.memory_space<vmem>>) target(%dma_start3A_605 : memref<128x128xf32, #tpu.memory_space<hbm>>) target_semaphore(%run_scoped3A : memref<!tpu.dma_semaphore, #tpu.memory_space<semaphore_mem>>)
        %dma_wait3A_606 = arith.constant 0 : i32
        %dma_wait3A_607 = tpu.memref_slice %arg6[%add3A_445, %dma_wait3A_606] : memref<4096x128xf32, #tpu.memory_space<hbm>> -> memref<128x128xf32, #tpu.memory_space<hbm>>
        %dma_wait3A_608 = arith.constant 0 : i32
        %dma_wait3A_609 = tpu.memref_slice %arg6[%add3A_445, %dma_wait3A_608] : memref<4096x128xf32, #tpu.memory_space<hbm>> -> memref<128x128xf32, #tpu.memory_space<hbm>>
        tpu.wait_dma2 semaphore(%run_scoped3A : memref<!tpu.dma_semaphore, #tpu.memory_space<semaphore_mem>>) src(%arg22 : memref<128x128xf32, #tpu.memory_space<vmem>>) dst(%dma_wait3A_609 : memref<128x128xf32, #tpu.memory_space<hbm>>)
        tpu.yield
      }) : () -> ()
      %get3A_446 = arith.constant 640 : index
      %get3A_447 = tpu.vector_load %arg19[%get3A_446] {strides = array<i32>} : memref<1024xi32, #tpu.memory_space<vmem>>, vector<16xi32>,
      %swap3A_448 = arith.constant 0 : index
      %swap3A_449 = tpu.vector_load %arg20[%swap3A_448] {strides = array<i32>} : memref<128xi32, #tpu.memory_space<vmem>>, vector<16xi32>,
      tpu.vector_store %arg20[%swap3A_448], %get3A_447 {strides = array<i32>} : memref<128xi32, #tpu.memory_space<vmem>>, vector<16xi32>,
      %get3A_450 = arith.constant 656 : index
      %get3A_451 = tpu.vector_load %arg19[%get3A_450] {strides = array<i32>} : memref<1024xi32, #tpu.memory_space<vmem>>, vector<16xi32>,
      %swap3A_452 = arith.constant 16 : index
      %swap3A_453 = tpu.vector_load %arg20[%swap3A_452] {strides = array<i32>} : memref<128xi32, #tpu.memory_space<vmem>>, vector<16xi32>,
      tpu.vector_store %arg20[%swap3A_452], %get3A_451 {strides = array<i32>} : memref<128xi32, #tpu.memory_space<vmem>>, vector<16xi32>,
      %get3A_454 = arith.constant 672 : index
      %get3A_455 = tpu.vector_load %arg19[%get3A_454] {strides = array<i32>} : memref<1024xi32, #tpu.memory_space<vmem>>, vector<16xi32>,
      %swap3A_456 = arith.constant 32 : index
      %swap3A_457 = tpu.vector_load %arg20[%swap3A_456] {strides = array<i32>} : memref<128xi32, #tpu.memory_space<vmem>>, vector<16xi32>,
      tpu.vector_store %arg20[%swap3A_456], %get3A_455 {strides = array<i32>} : memref<128xi32, #tpu.memory_space<vmem>>, vector<16xi32>,
      %get3A_458 = arith.constant 688 : index
      %get3A_459 = tpu.vector_load %arg19[%get3A_458] {strides = array<i32>} : memref<1024xi32, #tpu.memory_space<vmem>>, vector<16xi32>,
      %swap3A_460 = arith.constant 48 : index
      %swap3A_461 = tpu.vector_load %arg20[%swap3A_460] {strides = array<i32>} : memref<128xi32, #tpu.memory_space<vmem>>, vector<16xi32>,
      tpu.vector_store %arg20[%swap3A_460], %get3A_459 {strides = array<i32>} : memref<128xi32, #tpu.memory_space<vmem>>, vector<16xi32>,
      %get3A_462 = arith.constant 704 : index
      %get3A_463 = tpu.vector_load %arg19[%get3A_462] {strides = array<i32>} : memref<1024xi32, #tpu.memory_space<vmem>>, vector<16xi32>,
      %swap3A_464 = arith.constant 64 : index
      %swap3A_465 = tpu.vector_load %arg20[%swap3A_464] {strides = array<i32>} : memref<128xi32, #tpu.memory_space<vmem>>, vector<16xi32>,
      tpu.vector_store %arg20[%swap3A_464], %get3A_463 {strides = array<i32>} : memref<128xi32, #tpu.memory_space<vmem>>, vector<16xi32>,
      %get3A_466 = arith.constant 720 : index
      %get3A_467 = tpu.vector_load %arg19[%get3A_466] {strides = array<i32>} : memref<1024xi32, #tpu.memory_space<vmem>>, vector<16xi32>,
      %swap3A_468 = arith.constant 80 : index
      %swap3A_469 = tpu.vector_load %arg20[%swap3A_468] {strides = array<i32>} : memref<128xi32, #tpu.memory_space<vmem>>, vector<16xi32>,
      tpu.vector_store %arg20[%swap3A_468], %get3A_467 {strides = array<i32>} : memref<128xi32, #tpu.memory_space<vmem>>, vector<16xi32>,
      %get3A_470 = arith.constant 736 : index
      %get3A_471 = tpu.vector_load %arg19[%get3A_470] {strides = array<i32>} : memref<1024xi32, #tpu.memory_space<vmem>>, vector<16xi32>,
      %swap3A_472 = arith.constant 96 : index
      %swap3A_473 = tpu.vector_load %arg20[%swap3A_472] {strides = array<i32>} : memref<128xi32, #tpu.memory_space<vmem>>, vector<16xi32>,
      tpu.vector_store %arg20[%swap3A_472], %get3A_471 {strides = array<i32>} : memref<128xi32, #tpu.memory_space<vmem>>, vector<16xi32>,
      %get3A_474 = arith.constant 752 : index
      %get3A_475 = tpu.vector_load %arg19[%get3A_474] {strides = array<i32>} : memref<1024xi32, #tpu.memory_space<vmem>>, vector<16xi32>,
      %swap3A_476 = arith.constant 112 : index
      %swap3A_477 = tpu.vector_load %arg20[%swap3A_476] {strides = array<i32>} : memref<128xi32, #tpu.memory_space<vmem>>, vector<16xi32>,
      tpu.vector_store %arg20[%swap3A_476], %get3A_475 {strides = array<i32>} : memref<128xi32, #tpu.memory_space<vmem>>, vector<16xi32>,
      %dma_start3A_478 = arith.constant 0 : i32
      %dma_start3A_479 = arith.constant 0 : i32
      %dma_start3A_480 = tpu.memref_slice %arg3[%dma_start3A_478, %dma_start3A_479] : memref<53248x256xf32, #tpu.memory_space<hbm>> -> memref<53248x256xf32, #tpu.memory_space<hbm>>
      tpu.enqueue_indirect_dma source(%dma_start3A_480 : memref<53248x256xf32, #tpu.memory_space<hbm>>) target(%arg21 : memref<128x256xf32, #tpu.memory_space<vmem>>) offsets(%arg20 : memref<128xi32, #tpu.memory_space<vmem>>) semaphore(%arg23 : memref<!tpu.dma_semaphore, #tpu.memory_space<semaphore_mem>>)
      %dma_wait3A_481 = arith.constant 0 : i32
      %dma_wait3A_482 = arith.constant 0 : i32
      %dma_wait3A_483 = tpu.memref_slice %arg3[%dma_wait3A_481, %dma_wait3A_482] : memref<53248x256xf32, #tpu.memory_space<hbm>> -> memref<53248x256xf32, #tpu.memory_space<hbm>>
      tpu.wait_indirect_dma semaphore(%arg23 : memref<!tpu.dma_semaphore, #tpu.memory_space<semaphore_mem>>) src(%dma_wait3A_483 : memref<53248x256xf32, #tpu.memory_space<hbm>>) dst(%arg21 : memref<128x256xf32, #tpu.memory_space<vmem>>)
      %mul3A_484 = arith.constant 1024 : i32
      %mul3A_485 = arith.muli %add3A, %mul3A_484 : i32
      %add3A_486 = arith.constant 640 : i32
      %add3A_487 = arith.addi %mul3A_485, %add3A_486 : i32
      "tpu.region"() ({
        %run_scoped3A = tpu.sem_alloc : memref<!tpu.dma_semaphore, #tpu.memory_space<semaphore_mem>>
        %dma_start3A_602 = arith.constant 0 : i32
        %dma_start3A_603 = tpu.memref_slice %arg5[%add3A_487, %dma_start3A_602] : memref<4096x256xf32, #tpu.memory_space<hbm>> -> memref<128x256xf32, #tpu.memory_space<hbm>>
        %dma_start3A_604 = arith.constant 0 : i32
        %dma_start3A_605 = tpu.memref_slice %arg5[%add3A_487, %dma_start3A_604] : memref<4096x256xf32, #tpu.memory_space<hbm>> -> memref<128x256xf32, #tpu.memory_space<hbm>>
        tpu.enqueue_dma source(%arg21 : memref<128x256xf32, #tpu.memory_space<vmem>>) target(%dma_start3A_605 : memref<128x256xf32, #tpu.memory_space<hbm>>) target_semaphore(%run_scoped3A : memref<!tpu.dma_semaphore, #tpu.memory_space<semaphore_mem>>)
        %dma_wait3A_606 = arith.constant 0 : i32
        %dma_wait3A_607 = tpu.memref_slice %arg5[%add3A_487, %dma_wait3A_606] : memref<4096x256xf32, #tpu.memory_space<hbm>> -> memref<128x256xf32, #tpu.memory_space<hbm>>
        %dma_wait3A_608 = arith.constant 0 : i32
        %dma_wait3A_609 = tpu.memref_slice %arg5[%add3A_487, %dma_wait3A_608] : memref<4096x256xf32, #tpu.memory_space<hbm>> -> memref<128x256xf32, #tpu.memory_space<hbm>>
        tpu.wait_dma2 semaphore(%run_scoped3A : memref<!tpu.dma_semaphore, #tpu.memory_space<semaphore_mem>>) src(%arg21 : memref<128x256xf32, #tpu.memory_space<vmem>>) dst(%dma_wait3A_609 : memref<128x256xf32, #tpu.memory_space<hbm>>)
        tpu.yield
      }) : () -> ()
      %dma_start3A_488 = arith.constant 0 : i32
      %dma_start3A_489 = arith.constant 0 : i32
      %dma_start3A_490 = tpu.memref_slice %arg4[%dma_start3A_488, %dma_start3A_489] : memref<53248x128xf32, #tpu.memory_space<hbm>> -> memref<53248x128xf32, #tpu.memory_space<hbm>>
      tpu.enqueue_indirect_dma source(%dma_start3A_490 : memref<53248x128xf32, #tpu.memory_space<hbm>>) target(%arg22 : memref<128x128xf32, #tpu.memory_space<vmem>>) offsets(%arg20 : memref<128xi32, #tpu.memory_space<vmem>>) semaphore(%arg24 : memref<!tpu.dma_semaphore, #tpu.memory_space<semaphore_mem>>)
      %dma_wait3A_491 = arith.constant 0 : i32
      %dma_wait3A_492 = arith.constant 0 : i32
      %dma_wait3A_493 = tpu.memref_slice %arg4[%dma_wait3A_491, %dma_wait3A_492] : memref<53248x128xf32, #tpu.memory_space<hbm>> -> memref<53248x128xf32, #tpu.memory_space<hbm>>
      tpu.wait_indirect_dma semaphore(%arg24 : memref<!tpu.dma_semaphore, #tpu.memory_space<semaphore_mem>>) src(%dma_wait3A_493 : memref<53248x128xf32, #tpu.memory_space<hbm>>) dst(%arg22 : memref<128x128xf32, #tpu.memory_space<vmem>>)
      %mul3A_494 = arith.constant 1024 : i32
      %mul3A_495 = arith.muli %add3A, %mul3A_494 : i32
      %add3A_496 = arith.constant 640 : i32
      %add3A_497 = arith.addi %mul3A_495, %add3A_496 : i32
      "tpu.region"() ({
        %run_scoped3A = tpu.sem_alloc : memref<!tpu.dma_semaphore, #tpu.memory_space<semaphore_mem>>
        %dma_start3A_602 = arith.constant 0 : i32
        %dma_start3A_603 = tpu.memref_slice %arg6[%add3A_497, %dma_start3A_602] : memref<4096x128xf32, #tpu.memory_space<hbm>> -> memref<128x128xf32, #tpu.memory_space<hbm>>
        %dma_start3A_604 = arith.constant 0 : i32
        %dma_start3A_605 = tpu.memref_slice %arg6[%add3A_497, %dma_start3A_604] : memref<4096x128xf32, #tpu.memory_space<hbm>> -> memref<128x128xf32, #tpu.memory_space<hbm>>
        tpu.enqueue_dma source(%arg22 : memref<128x128xf32, #tpu.memory_space<vmem>>) target(%dma_start3A_605 : memref<128x128xf32, #tpu.memory_space<hbm>>) target_semaphore(%run_scoped3A : memref<!tpu.dma_semaphore, #tpu.memory_space<semaphore_mem>>)
        %dma_wait3A_606 = arith.constant 0 : i32
        %dma_wait3A_607 = tpu.memref_slice %arg6[%add3A_497, %dma_wait3A_606] : memref<4096x128xf32, #tpu.memory_space<hbm>> -> memref<128x128xf32, #tpu.memory_space<hbm>>
        %dma_wait3A_608 = arith.constant 0 : i32
        %dma_wait3A_609 = tpu.memref_slice %arg6[%add3A_497, %dma_wait3A_608] : memref<4096x128xf32, #tpu.memory_space<hbm>> -> memref<128x128xf32, #tpu.memory_space<hbm>>
        tpu.wait_dma2 semaphore(%run_scoped3A : memref<!tpu.dma_semaphore, #tpu.memory_space<semaphore_mem>>) src(%arg22 : memref<128x128xf32, #tpu.memory_space<vmem>>) dst(%dma_wait3A_609 : memref<128x128xf32, #tpu.memory_space<hbm>>)
        tpu.yield
      }) : () -> ()
      %get3A_498 = arith.constant 768 : index
      %get3A_499 = tpu.vector_load %arg19[%get3A_498] {strides = array<i32>} : memref<1024xi32, #tpu.memory_space<vmem>>, vector<16xi32>,
      %swap3A_500 = arith.constant 0 : index
      %swap3A_501 = tpu.vector_load %arg20[%swap3A_500] {strides = array<i32>} : memref<128xi32, #tpu.memory_space<vmem>>, vector<16xi32>,
      tpu.vector_store %arg20[%swap3A_500], %get3A_499 {strides = array<i32>} : memref<128xi32, #tpu.memory_space<vmem>>, vector<16xi32>,
      %get3A_502 = arith.constant 784 : index
      %get3A_503 = tpu.vector_load %arg19[%get3A_502] {strides = array<i32>} : memref<1024xi32, #tpu.memory_space<vmem>>, vector<16xi32>,
      %swap3A_504 = arith.constant 16 : index
      %swap3A_505 = tpu.vector_load %arg20[%swap3A_504] {strides = array<i32>} : memref<128xi32, #tpu.memory_space<vmem>>, vector<16xi32>,
      tpu.vector_store %arg20[%swap3A_504], %get3A_503 {strides = array<i32>} : memref<128xi32, #tpu.memory_space<vmem>>, vector<16xi32>,
      %get3A_506 = arith.constant 800 : index
      %get3A_507 = tpu.vector_load %arg19[%get3A_506] {strides = array<i32>} : memref<1024xi32, #tpu.memory_space<vmem>>, vector<16xi32>,
      %swap3A_508 = arith.constant 32 : index
      %swap3A_509 = tpu.vector_load %arg20[%swap3A_508] {strides = array<i32>} : memref<128xi32, #tpu.memory_space<vmem>>, vector<16xi32>,
      tpu.vector_store %arg20[%swap3A_508], %get3A_507 {strides = array<i32>} : memref<128xi32, #tpu.memory_space<vmem>>, vector<16xi32>,
      %get3A_510 = arith.constant 816 : index
      %get3A_511 = tpu.vector_load %arg19[%get3A_510] {strides = array<i32>} : memref<1024xi32, #tpu.memory_space<vmem>>, vector<16xi32>,
      %swap3A_512 = arith.constant 48 : index
      %swap3A_513 = tpu.vector_load %arg20[%swap3A_512] {strides = array<i32>} : memref<128xi32, #tpu.memory_space<vmem>>, vector<16xi32>,
      tpu.vector_store %arg20[%swap3A_512], %get3A_511 {strides = array<i32>} : memref<128xi32, #tpu.memory_space<vmem>>, vector<16xi32>,
      %get3A_514 = arith.constant 832 : index
      %get3A_515 = tpu.vector_load %arg19[%get3A_514] {strides = array<i32>} : memref<1024xi32, #tpu.memory_space<vmem>>, vector<16xi32>,
      %swap3A_516 = arith.constant 64 : index
      %swap3A_517 = tpu.vector_load %arg20[%swap3A_516] {strides = array<i32>} : memref<128xi32, #tpu.memory_space<vmem>>, vector<16xi32>,
      tpu.vector_store %arg20[%swap3A_516], %get3A_515 {strides = array<i32>} : memref<128xi32, #tpu.memory_space<vmem>>, vector<16xi32>,
      %get3A_518 = arith.constant 848 : index
      %get3A_519 = tpu.vector_load %arg19[%get3A_518] {strides = array<i32>} : memref<1024xi32, #tpu.memory_space<vmem>>, vector<16xi32>,
      %swap3A_520 = arith.constant 80 : index
      %swap3A_521 = tpu.vector_load %arg20[%swap3A_520] {strides = array<i32>} : memref<128xi32, #tpu.memory_space<vmem>>, vector<16xi32>,
      tpu.vector_store %arg20[%swap3A_520], %get3A_519 {strides = array<i32>} : memref<128xi32, #tpu.memory_space<vmem>>, vector<16xi32>,
      %get3A_522 = arith.constant 864 : index
      %get3A_523 = tpu.vector_load %arg19[%get3A_522] {strides = array<i32>} : memref<1024xi32, #tpu.memory_space<vmem>>, vector<16xi32>,
      %swap3A_524 = arith.constant 96 : index
      %swap3A_525 = tpu.vector_load %arg20[%swap3A_524] {strides = array<i32>} : memref<128xi32, #tpu.memory_space<vmem>>, vector<16xi32>,
      tpu.vector_store %arg20[%swap3A_524], %get3A_523 {strides = array<i32>} : memref<128xi32, #tpu.memory_space<vmem>>, vector<16xi32>,
      %get3A_526 = arith.constant 880 : index
      %get3A_527 = tpu.vector_load %arg19[%get3A_526] {strides = array<i32>} : memref<1024xi32, #tpu.memory_space<vmem>>, vector<16xi32>,
      %swap3A_528 = arith.constant 112 : index
      %swap3A_529 = tpu.vector_load %arg20[%swap3A_528] {strides = array<i32>} : memref<128xi32, #tpu.memory_space<vmem>>, vector<16xi32>,
      tpu.vector_store %arg20[%swap3A_528], %get3A_527 {strides = array<i32>} : memref<128xi32, #tpu.memory_space<vmem>>, vector<16xi32>,
      %dma_start3A_530 = arith.constant 0 : i32
      %dma_start3A_531 = arith.constant 0 : i32
      %dma_start3A_532 = tpu.memref_slice %arg3[%dma_start3A_530, %dma_start3A_531] : memref<53248x256xf32, #tpu.memory_space<hbm>> -> memref<53248x256xf32, #tpu.memory_space<hbm>>
      tpu.enqueue_indirect_dma source(%dma_start3A_532 : memref<53248x256xf32, #tpu.memory_space<hbm>>) target(%arg21 : memref<128x256xf32, #tpu.memory_space<vmem>>) offsets(%arg20 : memref<128xi32, #tpu.memory_space<vmem>>) semaphore(%arg23 : memref<!tpu.dma_semaphore, #tpu.memory_space<semaphore_mem>>)
      %dma_wait3A_533 = arith.constant 0 : i32
      %dma_wait3A_534 = arith.constant 0 : i32
      %dma_wait3A_535 = tpu.memref_slice %arg3[%dma_wait3A_533, %dma_wait3A_534] : memref<53248x256xf32, #tpu.memory_space<hbm>> -> memref<53248x256xf32, #tpu.memory_space<hbm>>
      tpu.wait_indirect_dma semaphore(%arg23 : memref<!tpu.dma_semaphore, #tpu.memory_space<semaphore_mem>>) src(%dma_wait3A_535 : memref<53248x256xf32, #tpu.memory_space<hbm>>) dst(%arg21 : memref<128x256xf32, #tpu.memory_space<vmem>>)
      %mul3A_536 = arith.constant 1024 : i32
      %mul3A_537 = arith.muli %add3A, %mul3A_536 : i32
      %add3A_538 = arith.constant 768 : i32
      %add3A_539 = arith.addi %mul3A_537, %add3A_538 : i32
      "tpu.region"() ({
        %run_scoped3A = tpu.sem_alloc : memref<!tpu.dma_semaphore, #tpu.memory_space<semaphore_mem>>
        %dma_start3A_602 = arith.constant 0 : i32
        %dma_start3A_603 = tpu.memref_slice %arg5[%add3A_539, %dma_start3A_602] : memref<4096x256xf32, #tpu.memory_space<hbm>> -> memref<128x256xf32, #tpu.memory_space<hbm>>
        %dma_start3A_604 = arith.constant 0 : i32
        %dma_start3A_605 = tpu.memref_slice %arg5[%add3A_539, %dma_start3A_604] : memref<4096x256xf32, #tpu.memory_space<hbm>> -> memref<128x256xf32, #tpu.memory_space<hbm>>
        tpu.enqueue_dma source(%arg21 : memref<128x256xf32, #tpu.memory_space<vmem>>) target(%dma_start3A_605 : memref<128x256xf32, #tpu.memory_space<hbm>>) target_semaphore(%run_scoped3A : memref<!tpu.dma_semaphore, #tpu.memory_space<semaphore_mem>>)
        %dma_wait3A_606 = arith.constant 0 : i32
        %dma_wait3A_607 = tpu.memref_slice %arg5[%add3A_539, %dma_wait3A_606] : memref<4096x256xf32, #tpu.memory_space<hbm>> -> memref<128x256xf32, #tpu.memory_space<hbm>>
        %dma_wait3A_608 = arith.constant 0 : i32
        %dma_wait3A_609 = tpu.memref_slice %arg5[%add3A_539, %dma_wait3A_608] : memref<4096x256xf32, #tpu.memory_space<hbm>> -> memref<128x256xf32, #tpu.memory_space<hbm>>
        tpu.wait_dma2 semaphore(%run_scoped3A : memref<!tpu.dma_semaphore, #tpu.memory_space<semaphore_mem>>) src(%arg21 : memref<128x256xf32, #tpu.memory_space<vmem>>) dst(%dma_wait3A_609 : memref<128x256xf32, #tpu.memory_space<hbm>>)
        tpu.yield
      }) : () -> ()
      %dma_start3A_540 = arith.constant 0 : i32
      %dma_start3A_541 = arith.constant 0 : i32
      %dma_start3A_542 = tpu.memref_slice %arg4[%dma_start3A_540, %dma_start3A_541] : memref<53248x128xf32, #tpu.memory_space<hbm>> -> memref<53248x128xf32, #tpu.memory_space<hbm>>
      tpu.enqueue_indirect_dma source(%dma_start3A_542 : memref<53248x128xf32, #tpu.memory_space<hbm>>) target(%arg22 : memref<128x128xf32, #tpu.memory_space<vmem>>) offsets(%arg20 : memref<128xi32, #tpu.memory_space<vmem>>) semaphore(%arg24 : memref<!tpu.dma_semaphore, #tpu.memory_space<semaphore_mem>>)
      %dma_wait3A_543 = arith.constant 0 : i32
      %dma_wait3A_544 = arith.constant 0 : i32
      %dma_wait3A_545 = tpu.memref_slice %arg4[%dma_wait3A_543, %dma_wait3A_544] : memref<53248x128xf32, #tpu.memory_space<hbm>> -> memref<53248x128xf32, #tpu.memory_space<hbm>>
      tpu.wait_indirect_dma semaphore(%arg24 : memref<!tpu.dma_semaphore, #tpu.memory_space<semaphore_mem>>) src(%dma_wait3A_545 : memref<53248x128xf32, #tpu.memory_space<hbm>>) dst(%arg22 : memref<128x128xf32, #tpu.memory_space<vmem>>)
      %mul3A_546 = arith.constant 1024 : i32
      %mul3A_547 = arith.muli %add3A, %mul3A_546 : i32
      %add3A_548 = arith.constant 768 : i32
      %add3A_549 = arith.addi %mul3A_547, %add3A_548 : i32
      "tpu.region"() ({
        %run_scoped3A = tpu.sem_alloc : memref<!tpu.dma_semaphore, #tpu.memory_space<semaphore_mem>>
        %dma_start3A_602 = arith.constant 0 : i32
        %dma_start3A_603 = tpu.memref_slice %arg6[%add3A_549, %dma_start3A_602] : memref<4096x128xf32, #tpu.memory_space<hbm>> -> memref<128x128xf32, #tpu.memory_space<hbm>>
        %dma_start3A_604 = arith.constant 0 : i32
        %dma_start3A_605 = tpu.memref_slice %arg6[%add3A_549, %dma_start3A_604] : memref<4096x128xf32, #tpu.memory_space<hbm>> -> memref<128x128xf32, #tpu.memory_space<hbm>>
        tpu.enqueue_dma source(%arg22 : memref<128x128xf32, #tpu.memory_space<vmem>>) target(%dma_start3A_605 : memref<128x128xf32, #tpu.memory_space<hbm>>) target_semaphore(%run_scoped3A : memref<!tpu.dma_semaphore, #tpu.memory_space<semaphore_mem>>)
        %dma_wait3A_606 = arith.constant 0 : i32
        %dma_wait3A_607 = tpu.memref_slice %arg6[%add3A_549, %dma_wait3A_606] : memref<4096x128xf32, #tpu.memory_space<hbm>> -> memref<128x128xf32, #tpu.memory_space<hbm>>
        %dma_wait3A_608 = arith.constant 0 : i32
        %dma_wait3A_609 = tpu.memref_slice %arg6[%add3A_549, %dma_wait3A_608] : memref<4096x128xf32, #tpu.memory_space<hbm>> -> memref<128x128xf32, #tpu.memory_space<hbm>>
        tpu.wait_dma2 semaphore(%run_scoped3A : memref<!tpu.dma_semaphore, #tpu.memory_space<semaphore_mem>>) src(%arg22 : memref<128x128xf32, #tpu.memory_space<vmem>>) dst(%dma_wait3A_609 : memref<128x128xf32, #tpu.memory_space<hbm>>)
        tpu.yield
      }) : () -> ()
      %get3A_550 = arith.constant 896 : index
      %get3A_551 = tpu.vector_load %arg19[%get3A_550] {strides = array<i32>} : memref<1024xi32, #tpu.memory_space<vmem>>, vector<16xi32>,
      %swap3A_552 = arith.constant 0 : index
      %swap3A_553 = tpu.vector_load %arg20[%swap3A_552] {strides = array<i32>} : memref<128xi32, #tpu.memory_space<vmem>>, vector<16xi32>,
      tpu.vector_store %arg20[%swap3A_552], %get3A_551 {strides = array<i32>} : memref<128xi32, #tpu.memory_space<vmem>>, vector<16xi32>,
      %get3A_554 = arith.constant 912 : index
      %get3A_555 = tpu.vector_load %arg19[%get3A_554] {strides = array<i32>} : memref<1024xi32, #tpu.memory_space<vmem>>, vector<16xi32>,
      %swap3A_556 = arith.constant 16 : index
      %swap3A_557 = tpu.vector_load %arg20[%swap3A_556] {strides = array<i32>} : memref<128xi32, #tpu.memory_space<vmem>>, vector<16xi32>,
      tpu.vector_store %arg20[%swap3A_556], %get3A_555 {strides = array<i32>} : memref<128xi32, #tpu.memory_space<vmem>>, vector<16xi32>,
      %get3A_558 = arith.constant 928 : index
      %get3A_559 = tpu.vector_load %arg19[%get3A_558] {strides = array<i32>} : memref<1024xi32, #tpu.memory_space<vmem>>, vector<16xi32>,
      %swap3A_560 = arith.constant 32 : index
      %swap3A_561 = tpu.vector_load %arg20[%swap3A_560] {strides = array<i32>} : memref<128xi32, #tpu.memory_space<vmem>>, vector<16xi32>,
      tpu.vector_store %arg20[%swap3A_560], %get3A_559 {strides = array<i32>} : memref<128xi32, #tpu.memory_space<vmem>>, vector<16xi32>,
      %get3A_562 = arith.constant 944 : index
      %get3A_563 = tpu.vector_load %arg19[%get3A_562] {strides = array<i32>} : memref<1024xi32, #tpu.memory_space<vmem>>, vector<16xi32>,
      %swap3A_564 = arith.constant 48 : index
      %swap3A_565 = tpu.vector_load %arg20[%swap3A_564] {strides = array<i32>} : memref<128xi32, #tpu.memory_space<vmem>>, vector<16xi32>,
      tpu.vector_store %arg20[%swap3A_564], %get3A_563 {strides = array<i32>} : memref<128xi32, #tpu.memory_space<vmem>>, vector<16xi32>,
      %get3A_566 = arith.constant 960 : index
      %get3A_567 = tpu.vector_load %arg19[%get3A_566] {strides = array<i32>} : memref<1024xi32, #tpu.memory_space<vmem>>, vector<16xi32>,
      %swap3A_568 = arith.constant 64 : index
      %swap3A_569 = tpu.vector_load %arg20[%swap3A_568] {strides = array<i32>} : memref<128xi32, #tpu.memory_space<vmem>>, vector<16xi32>,
      tpu.vector_store %arg20[%swap3A_568], %get3A_567 {strides = array<i32>} : memref<128xi32, #tpu.memory_space<vmem>>, vector<16xi32>,
      %get3A_570 = arith.constant 976 : index
      %get3A_571 = tpu.vector_load %arg19[%get3A_570] {strides = array<i32>} : memref<1024xi32, #tpu.memory_space<vmem>>, vector<16xi32>,
      %swap3A_572 = arith.constant 80 : index
      %swap3A_573 = tpu.vector_load %arg20[%swap3A_572] {strides = array<i32>} : memref<128xi32, #tpu.memory_space<vmem>>, vector<16xi32>,
      tpu.vector_store %arg20[%swap3A_572], %get3A_571 {strides = array<i32>} : memref<128xi32, #tpu.memory_space<vmem>>, vector<16xi32>,
      %get3A_574 = arith.constant 992 : index
      %get3A_575 = tpu.vector_load %arg19[%get3A_574] {strides = array<i32>} : memref<1024xi32, #tpu.memory_space<vmem>>, vector<16xi32>,
      %swap3A_576 = arith.constant 96 : index
      %swap3A_577 = tpu.vector_load %arg20[%swap3A_576] {strides = array<i32>} : memref<128xi32, #tpu.memory_space<vmem>>, vector<16xi32>,
      tpu.vector_store %arg20[%swap3A_576], %get3A_575 {strides = array<i32>} : memref<128xi32, #tpu.memory_space<vmem>>, vector<16xi32>,
      %get3A_578 = arith.constant 1008 : index
      %get3A_579 = tpu.vector_load %arg19[%get3A_578] {strides = array<i32>} : memref<1024xi32, #tpu.memory_space<vmem>>, vector<16xi32>,
      %swap3A_580 = arith.constant 112 : index
      %swap3A_581 = tpu.vector_load %arg20[%swap3A_580] {strides = array<i32>} : memref<128xi32, #tpu.memory_space<vmem>>, vector<16xi32>,
      tpu.vector_store %arg20[%swap3A_580], %get3A_579 {strides = array<i32>} : memref<128xi32, #tpu.memory_space<vmem>>, vector<16xi32>,
      %dma_start3A_582 = arith.constant 0 : i32
      %dma_start3A_583 = arith.constant 0 : i32
      %dma_start3A_584 = tpu.memref_slice %arg3[%dma_start3A_582, %dma_start3A_583] : memref<53248x256xf32, #tpu.memory_space<hbm>> -> memref<53248x256xf32, #tpu.memory_space<hbm>>
      tpu.enqueue_indirect_dma source(%dma_start3A_584 : memref<53248x256xf32, #tpu.memory_space<hbm>>) target(%arg21 : memref<128x256xf32, #tpu.memory_space<vmem>>) offsets(%arg20 : memref<128xi32, #tpu.memory_space<vmem>>) semaphore(%arg23 : memref<!tpu.dma_semaphore, #tpu.memory_space<semaphore_mem>>)
      %dma_wait3A_585 = arith.constant 0 : i32
      %dma_wait3A_586 = arith.constant 0 : i32
      %dma_wait3A_587 = tpu.memref_slice %arg3[%dma_wait3A_585, %dma_wait3A_586] : memref<53248x256xf32, #tpu.memory_space<hbm>> -> memref<53248x256xf32, #tpu.memory_space<hbm>>
      tpu.wait_indirect_dma semaphore(%arg23 : memref<!tpu.dma_semaphore, #tpu.memory_space<semaphore_mem>>) src(%dma_wait3A_587 : memref<53248x256xf32, #tpu.memory_space<hbm>>) dst(%arg21 : memref<128x256xf32, #tpu.memory_space<vmem>>)
      %mul3A_588 = arith.constant 1024 : i32
      %mul3A_589 = arith.muli %add3A, %mul3A_588 : i32
      %add3A_590 = arith.constant 896 : i32
      %add3A_591 = arith.addi %mul3A_589, %add3A_590 : i32
      "tpu.region"() ({
        %run_scoped3A = tpu.sem_alloc : memref<!tpu.dma_semaphore, #tpu.memory_space<semaphore_mem>>
        %dma_start3A_602 = arith.constant 0 : i32
        %dma_start3A_603 = tpu.memref_slice %arg5[%add3A_591, %dma_start3A_602] : memref<4096x256xf32, #tpu.memory_space<hbm>> -> memref<128x256xf32, #tpu.memory_space<hbm>>
        %dma_start3A_604 = arith.constant 0 : i32
        %dma_start3A_605 = tpu.memref_slice %arg5[%add3A_591, %dma_start3A_604] : memref<4096x256xf32, #tpu.memory_space<hbm>> -> memref<128x256xf32, #tpu.memory_space<hbm>>
        tpu.enqueue_dma source(%arg21 : memref<128x256xf32, #tpu.memory_space<vmem>>) target(%dma_start3A_605 : memref<128x256xf32, #tpu.memory_space<hbm>>) target_semaphore(%run_scoped3A : memref<!tpu.dma_semaphore, #tpu.memory_space<semaphore_mem>>)
        %dma_wait3A_606 = arith.constant 0 : i32
        %dma_wait3A_607 = tpu.memref_slice %arg5[%add3A_591, %dma_wait3A_606] : memref<4096x256xf32, #tpu.memory_space<hbm>> -> memref<128x256xf32, #tpu.memory_space<hbm>>
        %dma_wait3A_608 = arith.constant 0 : i32
        %dma_wait3A_609 = tpu.memref_slice %arg5[%add3A_591, %dma_wait3A_608] : memref<4096x256xf32, #tpu.memory_space<hbm>> -> memref<128x256xf32, #tpu.memory_space<hbm>>
        tpu.wait_dma2 semaphore(%run_scoped3A : memref<!tpu.dma_semaphore, #tpu.memory_space<semaphore_mem>>) src(%arg21 : memref<128x256xf32, #tpu.memory_space<vmem>>) dst(%dma_wait3A_609 : memref<128x256xf32, #tpu.memory_space<hbm>>)
        tpu.yield
      }) : () -> ()
      %dma_start3A_592 = arith.constant 0 : i32
      %dma_start3A_593 = arith.constant 0 : i32
      %dma_start3A_594 = tpu.memref_slice %arg4[%dma_start3A_592, %dma_start3A_593] : memref<53248x128xf32, #tpu.memory_space<hbm>> -> memref<53248x128xf32, #tpu.memory_space<hbm>>
      tpu.enqueue_indirect_dma source(%dma_start3A_594 : memref<53248x128xf32, #tpu.memory_space<hbm>>) target(%arg22 : memref<128x128xf32, #tpu.memory_space<vmem>>) offsets(%arg20 : memref<128xi32, #tpu.memory_space<vmem>>) semaphore(%arg24 : memref<!tpu.dma_semaphore, #tpu.memory_space<semaphore_mem>>)
      %dma_wait3A_595 = arith.constant 0 : i32
      %dma_wait3A_596 = arith.constant 0 : i32
      %dma_wait3A_597 = tpu.memref_slice %arg4[%dma_wait3A_595, %dma_wait3A_596] : memref<53248x128xf32, #tpu.memory_space<hbm>> -> memref<53248x128xf32, #tpu.memory_space<hbm>>
      tpu.wait_indirect_dma semaphore(%arg24 : memref<!tpu.dma_semaphore, #tpu.memory_space<semaphore_mem>>) src(%dma_wait3A_597 : memref<53248x128xf32, #tpu.memory_space<hbm>>) dst(%arg22 : memref<128x128xf32, #tpu.memory_space<vmem>>)
      %mul3A_598 = arith.constant 1024 : i32
      %mul3A_599 = arith.muli %add3A, %mul3A_598 : i32
      %add3A_600 = arith.constant 896 : i32
      %add3A_601 = arith.addi %mul3A_599, %add3A_600 : i32
      "tpu.region"() ({
        %run_scoped3A = tpu.sem_alloc : memref<!tpu.dma_semaphore, #tpu.memory_space<semaphore_mem>>
        %dma_start3A_602 = arith.constant 0 : i32
        %dma_start3A_603 = tpu.memref_slice %arg6[%add3A_601, %dma_start3A_602] : memref<4096x128xf32, #tpu.memory_space<hbm>> -> memref<128x128xf32, #tpu.memory_space<hbm>>
        %dma_start3A_604 = arith.constant 0 : i32
        %dma_start3A_605 = tpu.memref_slice %arg6[%add3A_601, %dma_start3A_604] : memref<4096x128xf32, #tpu.memory_space<hbm>> -> memref<128x128xf32, #tpu.memory_space<hbm>>
        tpu.enqueue_dma source(%arg22 : memref<128x128xf32, #tpu.memory_space<vmem>>) target(%dma_start3A_605 : memref<128x128xf32, #tpu.memory_space<hbm>>) target_semaphore(%run_scoped3A : memref<!tpu.dma_semaphore, #tpu.memory_space<semaphore_mem>>)
        %dma_wait3A_606 = arith.constant 0 : i32
        %dma_wait3A_607 = tpu.memref_slice %arg6[%add3A_601, %dma_wait3A_606] : memref<4096x128xf32, #tpu.memory_space<hbm>> -> memref<128x128xf32, #tpu.memory_space<hbm>>
        %dma_wait3A_608 = arith.constant 0 : i32
        %dma_wait3A_609 = tpu.memref_slice %arg6[%add3A_601, %dma_wait3A_608] : memref<4096x128xf32, #tpu.memory_space<hbm>> -> memref<128x128xf32, #tpu.memory_space<hbm>>
        tpu.wait_dma2 semaphore(%run_scoped3A : memref<!tpu.dma_semaphore, #tpu.memory_space<semaphore_mem>>) src(%arg22 : memref<128x128xf32, #tpu.memory_space<vmem>>) dst(%dma_wait3A_609 : memref<128x128xf32, #tpu.memory_space<hbm>>)
        tpu.yield
      }) : () -> ()
    } else {
    }
    return
  }
}

module attributes {stable_mosaic.version = 14 : i64} {
  func.func @_proj_kernel(%arg0: i32, %arg1: i32, %arg2: memref<1x1024x256xf32, #tpu.memory_space<vmem>>, %arg3: memref<256x256xf32, #tpu.memory_space<vmem>>, %arg4: memref<1x1024x2xf32, #tpu.memory_space<vmem>>, %arg5: memref<1x1024x256xf32, #tpu.memory_space<vmem>>) attributes {dimension_semantics = [#tpu.dimension_semantics<arbitrary>, #tpu.dimension_semantics<arbitrary>], iteration_bounds = array<i64: 4, 13>, scalar_prefetch = 0 : i64, scratch_operands = 0 : i64, tpu.core_type = #tpu.core_type<tc>, window_params = [{transform_indices = @transform_0, window_bounds = array<i64: 1, 1024, 256>}, {pipeline_mode = #tpu.pipeline_mode<synchronous>, transform_indices = @transform_1, window_bounds = array<i64: 256, 256>}, {transform_indices = @transform_2, window_bounds = array<i64: 1, 1024, 2>}, {transform_indices = @transform_3, window_bounds = array<i64: 1, 1024, 256>}]} {
    %get3A = arith.constant 0 : index
    %get3A_0 = arith.constant 0 : index
    %get3A_1 = arith.constant 0 : index
    %get3A_2 = vector.load %arg2[%get3A, %get3A_0, %get3A_1] : memref<1x1024x256xf32, #tpu.memory_space<vmem>>, vector<1x1024x256xf32>
    %get3A_3 = vector.shape_cast %get3A_2 : vector<1x1024x256xf32> to vector<1024x256xf32>
    %get3A_4 = arith.constant 0 : index
    %get3A_5 = arith.constant 0 : index
    %get3A_6 = vector.load %arg3[%get3A_4, %get3A_5] : memref<256x256xf32, #tpu.memory_space<vmem>>, vector<256x256xf32>
    %dot_general3A = arith.constant dense<0.000000e+00> : vector<1024x256xf32>
    %dot_general3A_7 = tpu.matmul %get3A_3, %get3A_6, %dot_general3A {dimension_numbers = #tpu.dot_dimension_numbers<[1], [0], [0], [1], [0, 0, 1, 1], [], []>, transpose_lhs_hint = false} : vector<1024x256xf32>, vector<256x256xf32>, vector<1024x256xf32> -> vector<1024x256xf32>
    %get3A_8 = arith.constant 0 : index
    %get3A_9 = arith.constant 0 : index
    %get3A_10 = arith.constant 0 : index
    %get3A_11 = vector.load %arg4[%get3A_8, %get3A_9, %get3A_10] : memref<1x1024x2xf32, #tpu.memory_space<vmem>>, vector<1x1024x2xf32>
    %get3A_12 = vector.shape_cast %get3A_11 : vector<1x1024x2xf32> to vector<1024x2xf32>
    %slice3A = vector.extract_strided_slice %get3A_12 {offsets = [0, 0], sizes = [1024, 1], strides = [1, 1]} : vector<1024x2xf32> to vector<1024x1xf32>
    %gt3A = arith.constant 0.000000e+00 : f32
    %gt3A_13 = vector.broadcast %gt3A : f32 to vector<1024x1xf32>
    %gt3A_14 = arith.cmpf ogt, %slice3A, %gt3A_13 : vector<1024x1xf32>
    %jit3A = arith.constant 0.000000e+00 : f32
    %broadcast_in_dim3A = vector.shape_cast %gt3A_14 : vector<1024x1xi1> to vector<1024x1xi1>
    %broadcast_in_dim3A_15 = vector.broadcast %broadcast_in_dim3A : vector<1024x1xi1> to vector<1024x256xi1>
    %broadcast_in_dim3A_16 = vector.broadcast %jit3A : f32 to vector<1024x256xf32>
    %select_n3A = arith.select %broadcast_in_dim3A_15, %dot_general3A_7, %broadcast_in_dim3A_16 : vector<1024x256xi1>, vector<1024x256xf32>
    %swap3A = arith.constant 0 : index
    %swap3A_17 = arith.constant 0 : index
    %swap3A_18 = arith.constant 0 : index
    %swap3A_19 = vector.load %arg5[%swap3A, %swap3A_17, %swap3A_18] : memref<1x1024x256xf32, #tpu.memory_space<vmem>>, vector<1x1024x256xf32>
    %swap3A_20 = vector.shape_cast %swap3A_19 : vector<1x1024x256xf32> to vector<1024x256xf32>
    %swap3A_21 = vector.shape_cast %select_n3A : vector<1024x256xf32> to vector<1x1024x256xf32>
    tpu.vector_store %arg5[%swap3A, %swap3A_17, %swap3A_18], %swap3A_21 {strides = array<i32>} : memref<1x1024x256xf32, #tpu.memory_space<vmem>>, vector<1x1024x256xf32>,
    return
  }
  func.func @transform_0(%arg0: i32, %arg1: i32) -> (i32, i32, i32) {
    %c0_i32 = arith.constant 0 : i32
    %c0_i32_0 = arith.constant 0 : i32
    return %arg0, %arg1, %c0_i32 : i32, i32, i32
  }
  func.func @transform_1(%arg0: i32, %arg1: i32) -> (i32, i32) {
    %c0_i32 = arith.constant 0 : i32
    %c0_i32_0 = arith.constant 0 : i32
    %c0_i32_1 = arith.constant 0 : i32
    return %c0_i32, %c0_i32_0 : i32, i32
  }
  func.func @transform_2(%arg0: i32, %arg1: i32) -> (i32, i32, i32) {
    %mul3A = arith.constant 13 : i32
    %mul3A_0 = arith.muli %arg0, %mul3A : i32
    %add3A = arith.addi %mul3A_0, %arg1 : i32
    %c0_i32 = arith.constant 0 : i32
    %c0_i32_1 = arith.constant 0 : i32
    %c0_i32_2 = arith.constant 0 : i32
    return %add3A, %c0_i32, %c0_i32_1 : i32, i32, i32
  }
  func.func @transform_3(%arg0: i32, %arg1: i32) -> (i32, i32, i32) {
    %c0_i32 = arith.constant 0 : i32
    %c0_i32_0 = arith.constant 0 : i32
    return %arg0, %arg1, %c0_i32 : i32, i32, i32
  }
}

module attributes {stable_mosaic.version = 14 : i64} {
  func.func @_ln_scores_kernel(%arg0: i32, %arg1: i32, %arg2: memref<1x1024x256xf32, #tpu.memory_space<vmem>>, %arg3: memref<3x256xf32, #tpu.memory_space<vmem>>, %arg4: memref<1x1024x2xf32, #tpu.memory_space<vmem>>, %arg5: memref<1x256x256xf32, #tpu.memory_space<vmem>>, %arg6: memref<1x1x1024xf32, #tpu.memory_space<vmem>>) attributes {dimension_semantics = [#tpu.dimension_semantics<arbitrary>, #tpu.dimension_semantics<arbitrary>], iteration_bounds = array<i64: 4, 13>, scalar_prefetch = 0 : i64, scratch_operands = 0 : i64, tpu.core_type = #tpu.core_type<tc>, window_params = [{transform_indices = @transform_0, window_bounds = array<i64: 1, 1024, 256>}, {pipeline_mode = #tpu.pipeline_mode<synchronous>, transform_indices = @transform_1, window_bounds = array<i64: 3, 256>}, {transform_indices = @transform_2, window_bounds = array<i64: 1, 1024, 2>}, {transform_indices = @transform_3, window_bounds = array<i64: 1, 256, 256>}, {transform_indices = @transform_4, window_bounds = array<i64: 1, 1, 1024>}]} {
    %get3A = arith.constant 0 : index
    %get3A_0 = arith.constant 0 : index
    %get3A_1 = arith.constant 0 : index
    %get3A_2 = vector.load %arg2[%get3A, %get3A_0, %get3A_1] : memref<1x1024x256xf32, #tpu.memory_space<vmem>>, vector<1x1024x256xf32>
    %get3A_3 = vector.shape_cast %get3A_2 : vector<1x1024x256xf32> to vector<1024x256xf32>
    %get3A_4 = arith.constant 0 : index
    %get3A_5 = arith.constant 0 : index
    %get3A_6 = vector.load %arg3[%get3A_4, %get3A_5] : memref<3x256xf32, #tpu.memory_space<vmem>>, vector<1x256xf32>
    %add3A = vector.broadcast %get3A_6 : vector<1x256xf32> to vector<1024x256xf32>
    %add3A_7 = arith.addf %get3A_3, %add3A : vector<1024x256xf32>
    %get3A_8 = arith.constant 0 : index
    %get3A_9 = arith.constant 0 : index
    %get3A_10 = arith.constant 0 : index
    %get3A_11 = vector.load %arg4[%get3A_8, %get3A_9, %get3A_10] : memref<1x1024x2xf32, #tpu.memory_space<vmem>>, vector<1x1024x2xf32>
    %get3A_12 = vector.shape_cast %get3A_11 : vector<1x1024x2xf32> to vector<1024x2xf32>
    %slice3A = vector.extract_strided_slice %get3A_12 {offsets = [0, 0], sizes = [1024, 1], strides = [1, 1]} : vector<1024x2xf32> to vector<1024x1xf32>
    %sub3A = vector.broadcast %slice3A : vector<1024x1xf32> to vector<1024x256xf32>
    %sub3A_13 = arith.subf %add3A_7, %sub3A : vector<1024x256xf32>
    %slice3A_14 = vector.extract_strided_slice %get3A_12 {offsets = [0, 1], sizes = [1024, 1], strides = [1, 1]} : vector<1024x2xf32> to vector<1024x1xf32>
    %div3A = vector.broadcast %slice3A_14 : vector<1024x1xf32> to vector<1024x256xf32>
    %div3A_15 = arith.divf %sub3A_13, %div3A : vector<1024x256xf32>
    %get3A_16 = arith.constant 1 : index
    %get3A_17 = arith.constant 0 : index
    %get3A_18 = vector.load %arg3[%get3A_16, %get3A_17] : memref<3x256xf32, #tpu.memory_space<vmem>>, vector<1x256xf32>
    %mul3A = vector.broadcast %get3A_18 : vector<1x256xf32> to vector<1024x256xf32>
    %mul3A_19 = arith.mulf %div3A_15, %mul3A : vector<1024x256xf32>
    %get3A_20 = arith.constant 2 : index
    %get3A_21 = arith.constant 0 : index
    %get3A_22 = vector.load %arg3[%get3A_20, %get3A_21] : memref<3x256xf32, #tpu.memory_space<vmem>>, vector<1x256xf32>
    %add3A_23 = vector.broadcast %get3A_22 : vector<1x256xf32> to vector<1024x256xf32>
    %add3A_24 = arith.addf %mul3A_19, %add3A_23 : vector<1024x256xf32>
    %get3A_25 = arith.constant 0 : index
    %get3A_26 = arith.constant 0 : index
    %get3A_27 = arith.constant 0 : index
    %get3A_28 = vector.load %arg5[%get3A_25, %get3A_26, %get3A_27] : memref<1x256x256xf32, #tpu.memory_space<vmem>>, vector<1x256x256xf32>
    %get3A_29 = vector.shape_cast %get3A_28 : vector<1x256x256xf32> to vector<256x256xf32>
    %dot_general3A = arith.constant dense<0.000000e+00> : vector<1024x256xf32>
    %dot_general3A_30 = tpu.matmul %add3A_24, %get3A_29, %dot_general3A {dimension_numbers = #tpu.dot_dimension_numbers<[1], [1], [0], [0], [0, 0, 1, 0], [], []>, transpose_lhs_hint = false} : vector<1024x256xf32>, vector<256x256xf32>, vector<1024x256xf32> -> vector<1024x256xf32>
    %reduce_max3A = arith.constant dense<0xFF800000> : vector<1024xf32>
    %reduce_max3A_31 = vector.multi_reduction <maximumf>, %dot_general3A_30, %reduce_max3A [1] : vector<1024x256xf32> to vector<1024xf32>
    %iota3A = tpu.iota {dimensions = array<i32: 1>} : vector<1x1024xi32>
    %iota3A_32 = vector.shape_cast %iota3A : vector<1x1024xi32> to vector<1024xi32>
    %mul3A_33 = arith.constant 1024 : i32
    %mul3A_34 = arith.muli %arg1, %mul3A_33 : i32
    %add3A_35 = vector.broadcast %mul3A_34 : i32 to vector<1024xi32>
    %add3A_36 = arith.addi %iota3A_32, %add3A_35 : vector<1024xi32>
    %lt3A = arith.constant 13294 : i32
    %lt3A_37 = vector.broadcast %lt3A : i32 to vector<1024xi32>
    %lt3A_38 = arith.cmpi slt, %add3A_36, %lt3A_37 : vector<1024xi32>
    %jit3A = arith.constant 0xFF800000 : f32
    %broadcast_in_dim3A = vector.broadcast %jit3A : f32 to vector<1024xf32>
    %select_n3A = arith.select %lt3A_38, %reduce_max3A_31, %broadcast_in_dim3A : vector<1024xi1>, vector<1024xf32>
    %swap3A = arith.constant 0 : index
    %swap3A_39 = arith.constant 0 : index
    %swap3A_40 = arith.constant 0 : index
    %swap3A_41 = vector.load %arg6[%swap3A, %swap3A_39, %swap3A_40] : memref<1x1x1024xf32, #tpu.memory_space<vmem>>, vector<1x1x1024xf32>
    %swap3A_42 = vector.shape_cast %swap3A_41 : vector<1x1x1024xf32> to vector<1024xf32>
    %swap3A_43 = vector.shape_cast %select_n3A : vector<1024xf32> to vector<1x1x1024xf32>
    tpu.vector_store %arg6[%swap3A, %swap3A_39, %swap3A_40], %swap3A_43 {strides = array<i32>} : memref<1x1x1024xf32, #tpu.memory_space<vmem>>, vector<1x1x1024xf32>,
    return
  }
  func.func @transform_0(%arg0: i32, %arg1: i32) -> (i32, i32, i32) {
    %c0_i32 = arith.constant 0 : i32
    %c0_i32_0 = arith.constant 0 : i32
    return %arg0, %arg1, %c0_i32 : i32, i32, i32
  }
  func.func @transform_1(%arg0: i32, %arg1: i32) -> (i32, i32) {
    %c0_i32 = arith.constant 0 : i32
    %c0_i32_0 = arith.constant 0 : i32
    %c0_i32_1 = arith.constant 0 : i32
    return %c0_i32, %c0_i32_0 : i32, i32
  }
  func.func @transform_2(%arg0: i32, %arg1: i32) -> (i32, i32, i32) {
    %c0_i32 = arith.constant 0 : i32
    %c0_i32_0 = arith.constant 0 : i32
    return %arg0, %arg1, %c0_i32 : i32, i32, i32
  }
  func.func @transform_3(%arg0: i32, %arg1: i32) -> (i32, i32, i32) {
    %c0_i32 = arith.constant 0 : i32
    %c0_i32_0 = arith.constant 0 : i32
    %c0_i32_1 = arith.constant 0 : i32
    return %arg0, %c0_i32, %c0_i32_0 : i32, i32, i32
  }
  func.func @transform_4(%arg0: i32, %arg1: i32) -> (i32, i32, i32) {
    %mul3A = arith.constant 13 : i32
    %mul3A_0 = arith.muli %arg0, %mul3A : i32
    %add3A = arith.addi %mul3A_0, %arg1 : i32
    %c0_i32 = arith.constant 0 : i32
    %c0_i32_1 = arith.constant 0 : i32
    %c0_i32_2 = arith.constant 0 : i32
    return %add3A, %c0_i32, %c0_i32_1 : i32, i32, i32
  }
}

module attributes {stable_mosaic.version = 14 : i64} {
  func.func @_mlp_kernel(%arg0: i32, %arg1: memref<1x1024x256xf32, #tpu.memory_space<vmem>>, %arg2: memref<1x1024x128xf32, #tpu.memory_space<vmem>>, %arg3: memref<3x256xf32, #tpu.memory_space<vmem>>, %arg4: memref<256x256xf32, #tpu.memory_space<vmem>>, %arg5: memref<256x256xf32, #tpu.memory_space<vmem>>, %arg6: memref<256x128xf32, #tpu.memory_space<vmem>>, %arg7: memref<2x256xf32, #tpu.memory_space<vmem>>, %arg8: memref<1x128xf32, #tpu.memory_space<vmem>>, %arg9: memref<1x1024x128xf32, #tpu.memory_space<vmem>>) attributes {dimension_semantics = [#tpu.dimension_semantics<arbitrary>], iteration_bounds = array<i64: 4>, scalar_prefetch = 0 : i64, scratch_operands = 0 : i64, tpu.core_type = #tpu.core_type<tc>, window_params = [{transform_indices = @transform_0, window_bounds = array<i64: 1, 1024, 256>}, {transform_indices = @transform_1, window_bounds = array<i64: 1, 1024, 128>}, {pipeline_mode = #tpu.pipeline_mode<synchronous>, transform_indices = @transform_2, window_bounds = array<i64: 3, 256>}, {pipeline_mode = #tpu.pipeline_mode<synchronous>, transform_indices = @transform_3, window_bounds = array<i64: 256, 256>}, {pipeline_mode = #tpu.pipeline_mode<synchronous>, transform_indices = @transform_4, window_bounds = array<i64: 256, 256>}, {pipeline_mode = #tpu.pipeline_mode<synchronous>, transform_indices = @transform_5, window_bounds = array<i64: 256, 128>}, {pipeline_mode = #tpu.pipeline_mode<synchronous>, transform_indices = @transform_6, window_bounds = array<i64: 2, 256>}, {pipeline_mode = #tpu.pipeline_mode<synchronous>, transform_indices = @transform_7, window_bounds = array<i64: 1, 128>}, {transform_indices = @transform_8, window_bounds = array<i64: 1, 1024, 128>}]} {
    %get3A = arith.constant 0 : index
    %get3A_0 = arith.constant 0 : index
    %get3A_1 = arith.constant 0 : index
    %get3A_2 = vector.load %arg2[%get3A, %get3A_0, %get3A_1] : memref<1x1024x128xf32, #tpu.memory_space<vmem>>, vector<1x1024x128xf32>
    %get3A_3 = vector.shape_cast %get3A_2 : vector<1x1024x128xf32> to vector<1024x128xf32>
    %get3A_4 = arith.constant 0 : index
    %get3A_5 = arith.constant 0 : index
    %get3A_6 = arith.constant 0 : index
    %get3A_7 = vector.load %arg1[%get3A_4, %get3A_5, %get3A_6] : memref<1x1024x256xf32, #tpu.memory_space<vmem>>, vector<1x1024x256xf32>
    %get3A_8 = vector.shape_cast %get3A_7 : vector<1x1024x256xf32> to vector<1024x256xf32>
    %get3A_9 = arith.constant 0 : index
    %get3A_10 = arith.constant 0 : index
    %get3A_11 = vector.load %arg3[%get3A_9, %get3A_10] : memref<3x256xf32, #tpu.memory_space<vmem>>, vector<1x256xf32>
    %add3A = vector.broadcast %get3A_11 : vector<1x256xf32> to vector<1024x256xf32>
    %add3A_12 = arith.addf %get3A_8, %add3A : vector<1024x256xf32>
    %slice3A = vector.extract_strided_slice %get3A_3 {offsets = [0, 4], sizes = [1024, 1], strides = [1, 1]} : vector<1024x128xf32> to vector<1024x1xf32>
    %sub3A = vector.broadcast %slice3A : vector<1024x1xf32> to vector<1024x256xf32>
    %sub3A_13 = arith.subf %add3A_12, %sub3A : vector<1024x256xf32>
    %slice3A_14 = vector.extract_strided_slice %get3A_3 {offsets = [0, 5], sizes = [1024, 1], strides = [1, 1]} : vector<1024x128xf32> to vector<1024x1xf32>
    %div3A = vector.broadcast %slice3A_14 : vector<1024x1xf32> to vector<1024x256xf32>
    %div3A_15 = arith.divf %sub3A_13, %div3A : vector<1024x256xf32>
    %get3A_16 = arith.constant 1 : index
    %get3A_17 = arith.constant 0 : index
    %get3A_18 = vector.load %arg3[%get3A_16, %get3A_17] : memref<3x256xf32, #tpu.memory_space<vmem>>, vector<1x256xf32>
    %mul3A = vector.broadcast %get3A_18 : vector<1x256xf32> to vector<1024x256xf32>
    %mul3A_19 = arith.mulf %div3A_15, %mul3A : vector<1024x256xf32>
    %get3A_20 = arith.constant 2 : index
    %get3A_21 = arith.constant 0 : index
    %get3A_22 = vector.load %arg3[%get3A_20, %get3A_21] : memref<3x256xf32, #tpu.memory_space<vmem>>, vector<1x256xf32>
    %add3A_23 = vector.broadcast %get3A_22 : vector<1x256xf32> to vector<1024x256xf32>
    %add3A_24 = arith.addf %mul3A_19, %add3A_23 : vector<1024x256xf32>
    %get3A_25 = arith.constant 0 : index
    %get3A_26 = arith.constant 0 : index
    %get3A_27 = vector.load %arg4[%get3A_25, %get3A_26] : memref<256x256xf32, #tpu.memory_space<vmem>>, vector<256x256xf32>
    %dot_general3A = arith.constant dense<0.000000e+00> : vector<1024x256xf32>
    %dot_general3A_28 = tpu.matmul %add3A_24, %get3A_27, %dot_general3A {dimension_numbers = #tpu.dot_dimension_numbers<[1], [0], [0], [1], [0, 0, 1, 1], [], []>, transpose_lhs_hint = false} : vector<1024x256xf32>, vector<256x256xf32>, vector<1024x256xf32> -> vector<1024x256xf32>
    %get3A_29 = arith.constant 0 : index
    %get3A_30 = arith.constant 0 : index
    %get3A_31 = vector.load %arg7[%get3A_29, %get3A_30] : memref<2x256xf32, #tpu.memory_space<vmem>>, vector<1x256xf32>
    %add3A_32 = vector.broadcast %get3A_31 : vector<1x256xf32> to vector<1024x256xf32>
    %add3A_33 = arith.addf %dot_general3A_28, %add3A_32 : vector<1024x256xf32>
    %max3A = arith.constant 0.000000e+00 : f32
    %max3A_34 = vector.broadcast %max3A : f32 to vector<1024x256xf32>
    %max3A_35 = arith.maximumf %add3A_33, %max3A_34 : vector<1024x256xf32>
    %get3A_36 = arith.constant 0 : index
    %get3A_37 = arith.constant 0 : index
    %get3A_38 = vector.load %arg5[%get3A_36, %get3A_37] : memref<256x256xf32, #tpu.memory_space<vmem>>, vector<256x256xf32>
    %dot_general3A_39 = arith.constant dense<0.000000e+00> : vector<1024x256xf32>
    %dot_general3A_40 = tpu.matmul %max3A_35, %get3A_38, %dot_general3A_39 {dimension_numbers = #tpu.dot_dimension_numbers<[1], [0], [0], [1], [0, 0, 1, 1], [], []>, transpose_lhs_hint = false} : vector<1024x256xf32>, vector<256x256xf32>, vector<1024x256xf32> -> vector<1024x256xf32>
    %get3A_41 = arith.constant 1 : index
    %get3A_42 = arith.constant 0 : index
    %get3A_43 = vector.load %arg7[%get3A_41, %get3A_42] : memref<2x256xf32, #tpu.memory_space<vmem>>, vector<1x256xf32>
    %add3A_44 = vector.broadcast %get3A_43 : vector<1x256xf32> to vector<1024x256xf32>
    %add3A_45 = arith.addf %dot_general3A_40, %add3A_44 : vector<1024x256xf32>
    %max3A_46 = arith.constant 0.000000e+00 : f32
    %max3A_47 = vector.broadcast %max3A_46 : f32 to vector<1024x256xf32>
    %max3A_48 = arith.maximumf %add3A_45, %max3A_47 : vector<1024x256xf32>
    %get3A_49 = arith.constant 0 : index
    %get3A_50 = arith.constant 0 : index
    %get3A_51 = vector.load %arg6[%get3A_49, %get3A_50] : memref<256x128xf32, #tpu.memory_space<vmem>>, vector<256x128xf32>
    %dot_general3A_52 = arith.constant dense<0.000000e+00> : vector<1024x128xf32>
    %dot_general3A_53 = tpu.matmul %max3A_48, %get3A_51, %dot_general3A_52 {dimension_numbers = #tpu.dot_dimension_numbers<[1], [0], [0], [1], [0, 0, 1, 1], [], []>, transpose_lhs_hint = false} : vector<1024x256xf32>, vector<256x128xf32>, vector<1024x128xf32> -> vector<1024x128xf32>
    %get3A_54 = arith.constant 0 : index
    %get3A_55 = arith.constant 0 : index
    %get3A_56 = vector.load %arg8[%get3A_54, %get3A_55] : memref<1x128xf32, #tpu.memory_space<vmem>>, vector<1x128xf32>
    %add3A_57 = vector.broadcast %get3A_56 : vector<1x128xf32> to vector<1024x128xf32>
    %add3A_58 = arith.addf %dot_general3A_53, %add3A_57 : vector<1024x128xf32>
    %get3A_59 = arith.constant 0 : index
    %get3A_60 = arith.constant 0 : index
    %get3A_61 = arith.constant 0 : index
    %get3A_62 = vector.load %arg2[%get3A_59, %get3A_60, %get3A_61] : memref<1x1024x128xf32, #tpu.memory_space<vmem>>, vector<1x1024x128xf32>
    %get3A_63 = vector.shape_cast %get3A_62 : vector<1x1024x128xf32> to vector<1024x128xf32>
    %add3A_64 = arith.addf %add3A_58, %get3A_63 : vector<1024x128xf32>
    %neg3A = arith.constant 0.000000e+00 : f32
    %neg3A_65 = vector.broadcast %neg3A : f32 to vector<1024x128xf32>
    %neg3A_66 = arith.subf %neg3A_65, %add3A_64 : vector<1024x128xf32>
    %exp3A = math.exp %neg3A_66 : vector<1024x128xf32>
    %add3A_67 = arith.constant 1.000000e+00 : f32
    %add3A_68 = vector.broadcast %add3A_67 : f32 to vector<1024x128xf32>
    %add3A_69 = arith.addf %add3A_68, %exp3A : vector<1024x128xf32>
    %div3A_70 = arith.constant 1.000000e+00 : f32
    %div3A_71 = vector.broadcast %div3A_70 : f32 to vector<1024x128xf32>
    %div3A_72 = arith.divf %div3A_71, %add3A_69 : vector<1024x128xf32>
    %swap3A = arith.constant 0 : index
    %swap3A_73 = arith.constant 0 : index
    %swap3A_74 = arith.constant 0 : index
    %swap3A_75 = vector.load %arg9[%swap3A, %swap3A_73, %swap3A_74] : memref<1x1024x128xf32, #tpu.memory_space<vmem>>, vector<1x1024x128xf32>
    %swap3A_76 = vector.shape_cast %swap3A_75 : vector<1x1024x128xf32> to vector<1024x128xf32>
    %swap3A_77 = vector.shape_cast %div3A_72 : vector<1024x128xf32> to vector<1x1024x128xf32>
    tpu.vector_store %arg9[%swap3A, %swap3A_73, %swap3A_74], %swap3A_77 {strides = array<i32>} : memref<1x1024x128xf32, #tpu.memory_space<vmem>>, vector<1x1024x128xf32>,
    return
  }
  func.func @transform_0(%arg0: i32) -> (i32, i32, i32) {
    %c0_i32 = arith.constant 0 : i32
    %c0_i32_0 = arith.constant 0 : i32
    %c0_i32_1 = arith.constant 0 : i32
    return %arg0, %c0_i32, %c0_i32_0 : i32, i32, i32
  }
  func.func @transform_1(%arg0: i32) -> (i32, i32, i32) {
    %c0_i32 = arith.constant 0 : i32
    %c0_i32_0 = arith.constant 0 : i32
    %c0_i32_1 = arith.constant 0 : i32
    return %arg0, %c0_i32, %c0_i32_0 : i32, i32, i32
  }
  func.func @transform_2(%arg0: i32) -> (i32, i32) {
    %c0_i32 = arith.constant 0 : i32
    %c0_i32_0 = arith.constant 0 : i32
    %c0_i32_1 = arith.constant 0 : i32
    return %c0_i32, %c0_i32_0 : i32, i32
  }
  func.func @transform_3(%arg0: i32) -> (i32, i32) {
    %c0_i32 = arith.constant 0 : i32
    %c0_i32_0 = arith.constant 0 : i32
    %c0_i32_1 = arith.constant 0 : i32
    return %c0_i32, %c0_i32_0 : i32, i32
  }
  func.func @transform_4(%arg0: i32) -> (i32, i32) {
    %c0_i32 = arith.constant 0 : i32
    %c0_i32_0 = arith.constant 0 : i32
    %c0_i32_1 = arith.constant 0 : i32
    return %c0_i32, %c0_i32_0 : i32, i32
  }
  func.func @transform_5(%arg0: i32) -> (i32, i32) {
    %c0_i32 = arith.constant 0 : i32
    %c0_i32_0 = arith.constant 0 : i32
    %c0_i32_1 = arith.constant 0 : i32
    return %c0_i32, %c0_i32_0 : i32, i32
  }
  func.func @transform_6(%arg0: i32) -> (i32, i32) {
    %c0_i32 = arith.constant 0 : i32
    %c0_i32_0 = arith.constant 0 : i32
    %c0_i32_1 = arith.constant 0 : i32
    return %c0_i32, %c0_i32_0 : i32, i32
  }
  func.func @transform_7(%arg0: i32) -> (i32, i32) {
    %c0_i32 = arith.constant 0 : i32
    %c0_i32_0 = arith.constant 0 : i32
    %c0_i32_1 = arith.constant 0 : i32
    return %c0_i32, %c0_i32_0 : i32, i32
  }
  func.func @transform_8(%arg0: i32) -> (i32, i32, i32) {
    %c0_i32 = arith.constant 0 : i32
    %c0_i32_0 = arith.constant 0 : i32
    %c0_i32_1 = arith.constant 0 : i32
    return %arg0, %c0_i32, %c0_i32_0 : i32, i32, i32
  }
}

</mosaic_0001>

<sc_bundles>
// kernel: kernel.6.cloned.1.call-start
scs
__scs_entry_jumppad:
0x0: {  	(pc) =	sbr.rel $0x88, $3  }
0x1: {  	(tag) =	ssettag $0x0;
	lr =	simm.s32 $0x1  }
0x2: {  	[smem:$0x3F92] =	sst lr;
	_ =	strace $0xD0000000  }
0x3: {  	_ = 	snop  }
0x4: {  	_ = 	snop  }
0x5: {  	_ = 	snop  }
0x6: {  	_ = 	snop  }
0x7: {  	_ = 	snop  }
__scs_overlays_trampoline_lowered:
0x8: {  	[smem:$0x3FA1] =	sst s0  }
0x9: {  	[smem:$0x3FA2] =	sst s1  }
0xa: {  	[smem:$0x3FA3] =	sst s2  }
0xb: {  	[smem:$0x3FA4] =	sst s3  }
0xc: {  	[smem:$0x3FA5] =	sst s4  }
0xd: {  	[smem:$0x3FA6] =	sst s5  }
0xe: {  	[smem:$0x3FA7] =	sst s6  }
0xf: {  	[smem:$0x3FA8] =	sst s7  }
0x10: {  	[smem:$0x3FA9] =	sst s8  }
0x11: {  	[smem:$0x3FAA] =	sst s9;
	s0 =	simm.s32 @!p0 $0x0  }
0x12: {  	s1 =	sld [smem:$0x3F90];
	s0 =	simm.s32 @p0 $0x1  }
0x13: {  	[smem:$0x3FAB] =	sst s0;
	s0 =	simm.s32 @!p1 $0x0  }
0x14: {  	s2 =	sld [smem:$0x3F8F];
	s0 =	simm.s32 @p1 $0x1  }
0x15: {  	[smem:$0x3FAC] =	sst s0;
	s0 =	simm.s32 @!p2 $0x0  }
0x16: {  	s3 =	sld [smem:$0x3FDB];
	s0 =	simm.s32 @p2 $0x1  }
0x17: {  	s4 =	simm.s32 $0x1BF5;
	[smem:$0x3FAE] =	sst s0  }
0x18: {  	s0 =	sld [smem:$0x3F91];
	_ =	swait.ge [sflag:s4], $0x0  }
0x19: {  	s7 =	sld [smem:$0x3F92]  }
0x1a: {  	s8 =	sadd.s32 $0xFFFFE003, lr  }
0x1b: {  	s9 =	sadd.s32 $0xFFFFFEF7, lr;
	s5 =	simm.s32 $0xFFFFFFFF;
	p2 =	slt.u32 s8, $0xFFFFF086  }
0x1c: {  	p1 =	slt.u32 s9, $0xF7A;
	s5 =	simm.s32 @!p2 $0x0  }
0x1d: {  	s5 =	simm.s32 @p1 $0x1;
	p0 =	seq.s32 s7, s2  }
0x1e: {  	s7 =	smul.u32 @!p0 $0xF7A, s2;
	p2 =	seq.s32 @!p0 s5, $0x0  }
0x1f: {  	s9 =	smul.u32 $0xF7A, s1;
	s8 =	simm.s32 @!p0 $0x1BF5;
	p2 =	por !p2, p0  }
0x20: {  	[sflag:s8] =	ssyncset.s32 @!p0 $0xFFFFF086;
	s6 =	sadd.s32 @!p0 s3, s7;
	s7 =	simm.s32 @!p0 $0x108  }
0x21: {  	s3 =	sadd.s32 s3, s9;
	s6 =	sadd.s32 @!p0 $0x88, s6;
	s7 =	simm.s32 @p2 $0x1082  }
0x22: {  	[simem:s7], [sflag:s8] =	dma.local @!p0 [hbm:s6], $0xF7A  }
0x23: {  	s9 =	sor.u32 $0xD0000000, s2;
	s6 =	simm.s32 $0x108;
	_ =	swait.ge @!p0 [sflag:s8], $0x0  }
0x24: {  	s3 =	sadd.s32 $0x88, s3;
	s6 =	simm.s32 @!p1 $0x1082;
	[sflag:s4] =	ssyncset.s32 $0xFFFFF086  }
0x25: {  	[simem:s6], [sflag:s4] =	dma.local [hbm:s3], $0xF7A  }
0x26: {  	[smem:$0x3F92] =	sst s1;
	(tag) =	ssettag s2;
	_ =	strace s9  }
0x27: {  	s1 =	sld [smem:$0x3FA2]  }
0x28: {  	s2 =	sld [smem:$0x3FA3]  }
0x29: {  	s4 =	sld [smem:$0x3FA5]  }
0x2a: {  	p0 =	seq.s32 s5, $0x0;
	s5 =	sld [smem:$0x3FA6]  }
0x2b: {  	s6 =	sld [smem:$0x3FA7]  }
0x2c: {  	s7 =	sld [smem:$0x3FA8]  }
0x2d: {  	s3 =	simm.s32 $0x108;
	s8 =	sld [smem:$0x3FA9]  }
0x2e: {  	s3 =	simm.s32 @!p0 $0x1082;
	s9 =	sld [smem:$0x3FAA]  }
0x2f: {  	lr =	sadd.s32 s0, s3;
	s0 =	sld [smem:$0x3FA1]  }
0x30: {  	s3 =	sld [smem:$0x3FA4]  }
0x31: {  	[smem:$0x3FAD] =	sst s10  }
0x32: {  	s10 =	sld [smem:$0x3FAB];
	_ =	sdelay $0x3  }
0x33: {  	p0 =	seq.s32 s10, $0x1;
	s10 =	sld [smem:$0x3FAD];
	_ =	sdelay $0x3  }
0x34: {  	[smem:$0x3FAD] =	sst s10  }
0x35: {  	s10 =	sld [smem:$0x3FAC];
	_ =	sdelay $0x3  }
0x36: {  	p1 =	seq.s32 s10, $0x1;
	s10 =	sld [smem:$0x3FAD];
	_ =	sdelay $0x3  }
0x37: {  	[smem:$0x3FAD] =	sst s10  }
0x38: {  	s10 =	sld [smem:$0x3FAE]  }
0x39: {  	_ = 	snop;
	(pc) =	sbr.ind lr, $3  }
0x3a: {  	_ = 	snop  }
0x3b: {  	_ = 	snop  }
0x3c: {  	p2 =	seq.s32 s10, $0x1;
	s10 =	sld [smem:$0x3FAD]  }
0x3d: {  	_ =	shalt  }
0x3e: {  	_ =	shalt  }
0x3f: {  	_ =	shalt  }
0x40: {  	_ =	shalt  }
0x41: {  	_ =	shalt  }
0x42: {  	_ =	shalt  }
0x43: {  	_ =	shalt  }
0x44: {  	_ =	shalt  }
0x45: {  	_ =	shalt  }
0x46: {  	_ =	shalt  }
0x47: {  	_ =	shalt  }
0x48: {  	_ =	shalt  }
0x49: {  	_ =	shalt  }
0x4a: {  	_ =	shalt  }
0x4b: {  	_ =	shalt  }
0x4c: {  	_ =	shalt  }
0x4d: {  	_ =	shalt  }
0x4e: {  	_ =	shalt  }
0x4f: {  	_ =	shalt  }
0x50: {  	_ =	shalt  }
0x51: {  	_ =	shalt  }
0x52: {  	_ =	shalt  }
0x53: {  	_ =	shalt  }
0x54: {  	_ =	shalt  }
0x55: {  	_ =	shalt  }
0x56: {  	_ =	shalt  }
0x57: {  	_ =	shalt  }
0x58: {  	_ =	shalt  }
0x59: {  	_ =	shalt  }
0x5a: {  	_ =	shalt  }
0x5b: {  	_ =	shalt  }
0x5c: {  	_ =	shalt  }
0x5d: {  	_ =	shalt  }
0x5e: {  	_ =	shalt  }
0x5f: {  	_ =	shalt  }
0x60: {  	_ =	shalt  }
0x61: {  	_ =	shalt  }
0x62: {  	_ =	shalt  }
0x63: {  	_ =	shalt  }
0x64: {  	_ =	shalt  }
0x65: {  	_ =	shalt  }
0x66: {  	_ =	shalt  }
0x67: {  	_ =	shalt  }
0x68: {  	_ =	shalt  }
0x69: {  	_ =	shalt  }
0x6a: {  	_ =	shalt  }
0x6b: {  	_ =	shalt  }
0x6c: {  	_ =	shalt  }
0x6d: {  	_ =	shalt  }
0x6e: {  	_ =	shalt  }
0x6f: {  	_ =	shalt  }
0x70: {  	_ =	shalt  }
0x71: {  	_ =	shalt  }
0x72: {  	_ =	shalt  }
0x73: {  	_ =	shalt  }
0x74: {  	_ =	shalt  }
0x75: {  	_ =	shalt  }
0x76: {  	_ =	shalt  }
0x77: {  	_ =	shalt  }
0x78: {  	_ =	shalt  }
0x79: {  	_ =	shalt  }
0x7a: {  	_ =	shalt  }
0x7b: {  	_ =	shalt  }
0x7c: {  	_ =	shalt  }
0x7d: {  	_ =	shalt  }
0x7e: {  	_ =	shalt  }
0x7f: {  	_ =	shalt  }
0x80: {  	_ =	shalt  }
0x81: {  	_ =	shalt  }
0x82: {  	_ =	shalt  }
0x83: {  	_ =	shalt  }
0x84: {  	_ =	shalt  }
0x85: {  	_ =	shalt  }
0x86: {  	_ =	shalt  }
0x87: {  	_ =	shalt  }
.Lfunc_end0:
.L_simem_size_0:
called_computation_lowered:
.L_overlay_start_0:
0x88: {  	s2 =	sld [smem:$0x3FD9]  }
0x89: {  	s3 =	sld [smem:$0x3FFE];
	_ =	sdelay $0x1  }
0x8a: {  	s1 =	srdreg.scid  }
0x8b: {  	s0 =	sand.u32 $0x1, s1  }
0x8c: {  	s14 =	sshll.u32 s0, $0xA;
	s2 =	sadd.s32 s3, s2  }
0x8d: {  	s2 =	sadd.s32 s2, s14  }
0x8e: {  	[smem:$0x3FB9] =	sst s2  }
0x8f: {  	_ = 	snop  }
0x90: {  	s2 =	sld [smem:$0x3FD0];
	_ =	sdelay $0x2  }
0x91: {  	s15 =	simm.s32 $0xA;
	s4 =	simm.s32 $0x10  }
0x92: {  	[smem:s4], [sflag:s15] =	dma.local [hbm:s2], $0x1  }
0x93: {  	_ =	swait.eq [sflag:s15], $0x1  }
0x94: {  	[sflag:s15] =	ssyncset.done $0x0  }
0x95: {  	[sflag:s15] =	ssyncadd.s32 $0xFFFFFFFF  }
0x96: {  	s16 =	sld [smem:$0x10];
	(tm) =	ssettm $0x1  }
0x97: {  	s17 =	sld [smem:$0x3FFB];
	_ =	sdelay $0x3  }
0x98: {  	_ =	strace s17  }
0x99: {  	s3 =	sld [smem:$0x3FFC];
	_ =	sdelay $0x3  }
0x9a: {  	_ =	strace s3  }
0x9b: {  	s3 =	sld [smem:$0x3FFD];
	_ =	sdelay $0x3  }
0x9c: {  	_ =	strace s3  }
0x9d: {  	_ =	strace $0x8FFFFFFF  }
0x9e: {  	s18 =	sld [smem:$0x3FDB];
	_ =	sdelay $0x1  }
0x9f: {  	s19 =	simm.s32 $_scs_section_size  }
0xa0: {  	s5 =	simm.s32 $_size__tile_overlayer_lowered;
	s6 =	simm.s32 $_tile_overlayer_lowered  }
0xa1: {  	s22 =	simm.s32 $0x1BFF;
	s21 =	sshll.u32 s6, $0x1;
	s3 =	sadd.s32 s19, s18  }
0xa2: {  	s7 =	simm.s32 $0x0;
	s20 =	sshll.u32 s5, $0x1;
	s5 =	sadd.s32 s21, s3  }
0xa3: {  	[timem:s7], [sflag:s22] =	dma.local [hbm:s5], s20  }
0xa4: {  	_ =	swait.ge [sflag:s22], s20  }
0xa5: {  	s4 =	ssub.s32 $0x0, s20;
	[sflag:s22] =	ssyncset.done $0x0  }
0xa6: {  	[sflag:s22] =	ssyncadd.s32 s4;
	_ =	sdelay $0x1  }
0xa7: {  	s23 =	simm.s32 $0x1B8B  }
0xa8: {  	_ =	swait.ge [sflag:s23], $0x1  }
0xa9: {  	[sflag:s23] =	ssyncset.done $0x0  }
0xaa: {  	s25 =	simm.s32 $0x1B8E;
	s24 =	sld [smem:$0x3FFE];
	[sflag:s23] =	ssyncadd.s32 $0xFFFFFFFF  }
0xab: {  	s26 =	simm.s32 $execute0_lowered;
	[smem:$0x3FD2] =	sst s25  }
0xac: {  	s5 =	sshll.u32 s26, $0x1;
	_ =	strace $0x80000046;
	[dreg:$0x1] =	wrdreg $0xFFFFFFFF  }
0xad: {  	s28 =	simm.s32 $_size_execute0_lowered;
	s3 =	sadd.s32 s3, s5;
	[dreg:$0x0] =	wrdreg $0x0  }
0xae: {  	s5 =	sshll.u32 s28, $0x1;
	[dreg:$0x2] =	wrdreg s3  }
0xaf: {  	[dreg:$0x3] =	wrdreg s5  }
0xb0: {  	[dreg:$0x4] =	wrdreg $0xC0  }
0xb1: {  	_ =	task [dreg:s7], $0x5FFFF  }
0xb2: {  	[dreg:$0x1] =	wrdreg $0xFFFFFFFF  }
0xb3: {  	[dreg:$0x0] =	wrdreg $0x60  }
0xb4: {  	[dreg:$0x2] =	wrdreg s24  }
0xb5: {  	[dreg:$0x3] =	wrdreg s16  }
0xb6: {  	[dreg:$0x4] =	wrdreg $0x9  }
0xb7: {  	_ =	task.clear_ibuf [dreg:s7], $0x5FFFF;
	_ =	strace $0x90000046  }
0xb8: {  	s29 =	simm.s32 $0x9;
	_ =	strace $0x80000048  }
0xb9: {  	_ =	swait.ge [sflag:s29], $0x1  }
0xba: {  	[sflag:s29] =	ssyncadd.s32 $0xFFFFFFFF  }
0xbb: {  	_ =	strace $0x90000048  }
0xbc: {  	_ =	sfence  }
0xbd: {  	s30 =	sld [smem:$0x0];
	_ =	sdelay $0x2  }
0xbe: {  	s31 =	sshll.u32 s1, $0xD;
	s1 =	sshrl.u32 s1, $0x2  }
0xbf: {  	s3 =	sand.u32 $0x4000, s31;
	s1 =	sadd.s32 s1, s30  }
0xc0: {  	s0 =	sor.u32 s3, s0;
	s1 =	sshll.u32 s1, $0x11  }
0xc1: {  	s0 =	sor.u32 s1, s0  }
0xc2: {  	s0 =	sadd.s32 $0x8F2B, s0  }
0xc3: {  	[sflag:s0] =	ssyncadd.remote.s32 $0x1  }
0xc4: {  	_ =	sfence.sel $0xFFFF  }
0xc5: {  	[dreg:$0x0] =	wrdreg $0xFFFFFFFF;
	(pc) =	sbr.abs _section_cstart, $3  }
0xc6: {  	[dreg:$0x1] =	wrdreg $0xFFFFFFFF  }
0xc7: {  	_ =	task.clear_ibuf [dreg:s7], $0x2FFFF;
	_ =	strace $0x9FFFFFFF  }
0xc8: {  	(tm) =	ssettm $0x7FFFFFFF  }
0xc9: {  	_ =	shalt  }
tec
execute0_lowered:
.L_overlay_start_1:
0x0: {  	(tag) =	ssettag $0x1  }
0x1: {  	s1 =	srdreg.scid  }
0x2: {  	s5 =	sand.u32 $0x1, s1  }
0x3: {  	s4 =	stileid.u32;
	s3 =	sshll.u32 s5, $0x4  }
0x4: {  	s6 =	sor.u32 s4, s3  }
0x5: {  	p0 =	sgt.u32 s6, $0x3  }
.Ltmp0:
0x6: {  	_ = 	snop;
	(pc) =	sbr.rel @p0 .LBB2_57-.Ltmp0, $4  }
0x7: {  	_ = 	snop  }
0x8: {  	s0 =	rddreg [dreg:$0x0];
	s2 =	simm.s32 $0x0  }
0x9: {  	[smem:$0x7FF] =	sst s2  }
0xa: {  	s1 =	rddreg [dreg:$0x1];
	_ =	strace $0x80000047  }
0xb: {  	s3 =	sadd.s32 $0x26F800, s0;
	s4 =	sadd.s32 $0xCFC00, s0;
	s8 =	sadd.s32 $0x1A00, s0  }
0xc: {  	s7 =	smul.u32 $0x3400, s6;
	s12 =	stileid.u32;
	s28 =	simm.s32 $0x6800  }
0xd: {  	s29 =	simm.s32 $0x7800;
	s30 =	simm.s32 $0x7C00;
	s31 =	simm.s32 $0x9000  }
0xe: {  	[dreg:$0x16] =	wrdreg s4;
	s14 =	sshll.u32 s12, $0xF;
	s9 =	sshll.u32 s12, $0x7  }
0xf: {  	s15 =	sshll.u32 s12, $0xE;
	s6 =	sadd.s32 s8, s14;
	s10 =	sor.u32 $0x10, s9  }
0x10: {  	s18 =	sor.u32 $0x20, s9;
	s11 =	sor.u32 $0x30, s9;
	s22 =	sor.u32 $0x40, s9  }
0x11: {  	s24 =	sor.u32 $0x50, s9;
	v1 =	vmov s7;
	s7 =	simm.s32 $0x2;
	[dreg:$0x3] =	wrdreg s6  }
0x12: {  	s6 =	sadd.s32 s1, s15;
	s16 =	sshll.u32 s10, $0x8;
	s10 =	sshll.u32 s10, $0x7  }
0x13: {  	s19 =	sshll.u32 s18, $0x8;
	s20 =	sshll.u32 s11, $0x8;
	s21 =	sshll.u32 s11, $0x7  }
0x14: {  	s23 =	sshll.u32 s22, $0x8;
	s25 =	sshll.u32 s22, $0x7;
	s26 =	sshll.u32 s24, $0x8  }
0x15: {  	s11 =	sor.u32 $0x60, s9;
	[dreg:$0x4] =	wrdreg s6;
	s6 =	sadd.s32 s8, s16  }
0x16: {  	s9 =	sor.u32 $0x70, s9;
	s17 =	sadd.s32 s1, s10;
	[dreg:$0x5] =	wrdreg s6  }
0x17: {  	s10 =	sadd.s32 s8, s19;
	s4 =	sadd.s32 s8, s26;
	[dreg:$0x6] =	wrdreg s17  }
0x18: {  	s13 =	sshll.u32 s11, $0x8;
	s14 =	sshll.u32 s9, $0x8;
	[dreg:$0x7] =	wrdreg s10  }
0x19: {  	s16 =	sshll.u32 s9, $0x7;
	s6 =	sshll.u32 s18, $0x7;
	[dreg:$0xd] =	wrdreg s4  }
0x1a: {  	s10 =	sshll.u32 s24, $0x7;
	s15 =	sadd.s32 s8, s14;
	s17 =	ssub.s32 $0x2, s5  }
0x1b: {  	s18 =	smul.u32 $0x34000, s5;
	s22 =	sadd.s32 s1, s16;
	[dreg:$0x11] =	wrdreg s15  }
0x1c: {  	s4 =	simm.s32 $0x8800;
	s6 =	sadd.s32 s1, s6;
	[dreg:$0x12] =	wrdreg s22  }
0x1d: {  	s5 =	simm.s32 $0x8C00;
	[dreg:$0x8] =	wrdreg s6;
	s6 =	sadd.s32 s8, s20  }
0x1e: {  	s20 =	sshll.u32 s12, $0x4;
	[dreg:$0x9] =	wrdreg s6;
	s6 =	sadd.s32 s1, s21  }
0x1f: {  	s19 =	sshrl.u32 s17, $0x1;
	s24 =	sadd.s32 s0, s20;
	[dreg:$0xa] =	wrdreg s6  }
0x20: {  	s21 =	smul.u32 $0x3400, s12;
	s6 =	sadd.s32 s8, s23;
	[dreg:$0x13] =	wrdreg s24  }
0x21: {  	s0 =	simm.s32 $0x1;
	s23 =	ssub.s32 s17, s19;
	[dreg:$0xb] =	wrdreg s6  }
0x22: {  	s6 =	sadd.s32 s1, s25;
	s25 =	smax.u32 s23, $0x1;
	s26 =	sadd.s32 s21, s18  }
0x23: {  	s23 =	simm.s32 $0x9480;
	[dreg:$0xc] =	wrdreg s6;
	s6 =	sadd.s32 s1, s10  }
.Ltmp1:
0x24: {  	s10 =	sadd.s32 s8, s13;
	[dreg:$0x14] =	wrdreg s25;
	(pc) =	sbr.rel .LBB2_2-.Ltmp1, $4  }
0x25: {  	[dreg:$0x15] =	wrdreg s26;
	s26 =	simm.s32 $0x3;
	s8 =	simm.s32 $0x10480  }
0x26: {  	v0 =	vlaneseq.u32;
	v2 =	vimm.s32 $0x0;
	v4 =	vimm.s32 $0x1;
	s25 =	simm.s32 $0x11480;
	[dreg:$0xe] =	wrdreg s6;
	s6 =	sshll.u32 s11, $0x7  }
0x27: {  	vm0 =	vmmov $0xffff;
	v3 =	vor.u32 $0x800, v0;
	v6 =	vshrl.u32 v0, $0x3;
	[dreg:$0xf] =	wrdreg s10;
	s11 =	simm.s32 $0x80;
	s6 =	sadd.s32 s1, s6  }
0x28: {  	v5 =	vand.u32 $0x7, v0;
	v7 =	vor.u32 $0x8, v0;
	v6 =	vmul.u32 $0x8, v6;
	s1 =	simm.s32 $0x8400;
	[dreg:$0x10] =	wrdreg s6;
	s6 =	simm.s32 $0x0  }
.LBB2_56:
0x29: {  	v8 =	vld [tilespmem:$0x9000];
	_ =	sdelay $0x2  }
0x2a: {  	v9 =	vld [tilespmem:$0x9010]  }
0x2b: {  	v10 =	vld [tilespmem:$0x9020]  }
0x2c: {  	v11 =	vld [tilespmem:$0x9030];
	v12 =	vshll.u32 v8, $0x1  }
0x2d: {  	v13 =	vld [tilespmem:$0x9040];
	v14 =	vand.u32 $0x7, v8;
	v12 =	vand.u32 $0xFFFFFFF0, v12  }
0x2e: {  	[tilespmem:$0x9400] =	vst v8;
	v8 =	vld [tilespmem:$0x9050];
	v12 =	vor.u32 v14, v12  }
0x2f: {  	v45 =	vld [tilespmem:$0x9060];
	[tilespmem:$0x9410] =	vst v9;
	v14 =	vperm.xlane v12, v5  }
0x30: {  	v46 =	vld [tilespmem:$0x9070];
	[tilespmem:$0x9420] =	vst v10  }
0x31: {  	[tilespmem:$0x9430] =	vst v11;
	v12 =	vperm.xlane v12, v7;
	v47 =	vadd.s32 v6, v14  }
0x32: {  	[tilespmem:$0x9440] =	vst v13  }
0x33: {  	[tilespmem:$0x9450] =	vst v8;
	v8 =	vadd.s32 v6, v12  }
0x34: {  	[tilespmem:$0x9460] =	vst v45  }
0x35: {  	[tilespmem:$0x9470] =	vst v46  }
0x36: {  	[tilespmem:s23], [sflag:$0x1] =	stream.indirect_vreg.gather [hbm4b:s3+s2], $0x80, v47, vm0, $0xb8;
	[tilespmem:$0x15480] =	vst v63  }
0x37: {  	s10 =	simm.s32 $0x9C80  }
0x38: {  	[tilespmem:s10], [sflag:$0x1] =	stream.indirect_vreg.gather [hbm4b:s3+s2], $0x80, v8, vm0, $0xb8;
	[tilespmem:$0x15480] =	vst v63  }
0x39: {  	v8 =	vld [tilespmem:$0x9410];
	_ =	sdelay $0x4  }
0x3a: {  	v48 =	vshll.u32 v8, $0x1  }
0x3b: {  	v8 =	vand.u32 $0x7, v8;
	v9 =	vand.u32 $0xFFFFFFF0, v48  }
0x3c: {  	v8 =	vor.u32 v8, v9  }
0x3d: {  	v9 =	vperm.xlane v8, v5;
	_ =	sdelay $0x1  }
0x3e: {  	v8 =	vperm.xlane v8, v7;
	v9 =	vadd.s32 v6, v9;
	_ =	sdelay $0x1  }
0x3f: {  	v8 =	vadd.s32 v6, v8;
	_ =	sdelay $0x1  }
0x40: {  	s12 =	simm.s32 $0xA480  }
0x41: {  	[tilespmem:s12], [sflag:$0x1] =	stream.indirect_vreg.gather [hbm4b:s3+s2], $0x80, v9, vm0, $0xb8;
	[tilespmem:$0x15480] =	vst v63  }
0x42: {  	s13 =	simm.s32 $0xAC80  }
0x43: {  	[tilespmem:s13], [sflag:$0x1] =	stream.indirect_vreg.gather [hbm4b:s3+s2], $0x80, v8, vm0, $0xb8;
	[tilespmem:$0x15480] =	vst v63  }
0x44: {  	v8 =	vld [tilespmem:$0x9420];
	_ =	sdelay $0x4  }
0x45: {  	v49 =	vshll.u32 v8, $0x1  }
0x46: {  	v8 =	vand.u32 $0x7, v8;
	v9 =	vand.u32 $0xFFFFFFF0, v49  }
0x47: {  	v8 =	vor.u32 v8, v9  }
0x48: {  	v9 =	vperm.xlane v8, v5;
	_ =	sdelay $0x1  }
0x49: {  	v8 =	vperm.xlane v8, v7;
	v9 =	vadd.s32 v6, v9;
	_ =	sdelay $0x1  }
0x4a: {  	v8 =	vadd.s32 v6, v8;
	_ =	sdelay $0x1  }
0x4b: {  	s14 =	simm.s32 $0xB480  }
0x4c: {  	[tilespmem:s14], [sflag:$0x1] =	stream.indirect_vreg.gather [hbm4b:s3+s2], $0x80, v9, vm0, $0xb8;
	[tilespmem:$0x15480] =	vst v63  }
0x4d: {  	s15 =	simm.s32 $0xBC80  }
0x4e: {  	[tilespmem:s15], [sflag:$0x1] =	stream.indirect_vreg.gather [hbm4b:s3+s2], $0x80, v8, vm0, $0xb8;
	[tilespmem:$0x15480] =	vst v63  }
0x4f: {  	v8 =	vld [tilespmem:$0x9430];
	_ =	sdelay $0x4  }
0x50: {  	v50 =	vshll.u32 v8, $0x1  }
0x51: {  	v8 =	vand.u32 $0x7, v8;
	v9 =	vand.u32 $0xFFFFFFF0, v50  }
0x52: {  	v8 =	vor.u32 v8, v9  }
0x53: {  	v9 =	vperm.xlane v8, v5;
	_ =	sdelay $0x1  }
0x54: {  	v8 =	vperm.xlane v8, v7;
	v9 =	vadd.s32 v6, v9;
	_ =	sdelay $0x1  }
0x55: {  	v8 =	vadd.s32 v6, v8;
	_ =	sdelay $0x1  }
0x56: {  	s16 =	simm.s32 $0xC480  }
0x57: {  	[tilespmem:s16], [sflag:$0x1] =	stream.indirect_vreg.gather [hbm4b:s3+s2], $0x80, v9, vm0, $0xb8;
	[tilespmem:$0x15480] =	vst v63  }
0x58: {  	s17 =	simm.s32 $0xCC80  }
0x59: {  	[tilespmem:s17], [sflag:$0x1] =	stream.indirect_vreg.gather [hbm4b:s3+s2], $0x80, v8, vm0, $0xb8;
	[tilespmem:$0x15480] =	vst v63  }
0x5a: {  	v8 =	vld [tilespmem:$0x9440];
	_ =	sdelay $0x4  }
0x5b: {  	v51 =	vshll.u32 v8, $0x1  }
0x5c: {  	v8 =	vand.u32 $0x7, v8;
	v9 =	vand.u32 $0xFFFFFFF0, v51  }
0x5d: {  	v8 =	vor.u32 v8, v9  }
0x5e: {  	v9 =	vperm.xlane v8, v5;
	_ =	sdelay $0x1  }
0x5f: {  	v8 =	vperm.xlane v8, v7;
	v9 =	vadd.s32 v6, v9;
	_ =	sdelay $0x1  }
0x60: {  	v8 =	vadd.s32 v6, v8;
	_ =	sdelay $0x1  }
0x61: {  	s18 =	simm.s32 $0xD480  }
0x62: {  	[tilespmem:s18], [sflag:$0x1] =	stream.indirect_vreg.gather [hbm4b:s3+s2], $0x80, v9, vm0, $0xb8;
	[tilespmem:$0x15480] =	vst v63  }
0x63: {  	s19 =	simm.s32 $0xDC80  }
0x64: {  	[tilespmem:s19], [sflag:$0x1] =	stream.indirect_vreg.gather [hbm4b:s3+s2], $0x80, v8, vm0, $0xb8;
	[tilespmem:$0x15480] =	vst v63  }
0x65: {  	v8 =	vld [tilespmem:$0x9450];
	_ =	sdelay $0x4  }
0x66: {  	v52 =	vshll.u32 v8, $0x1  }
0x67: {  	v8 =	vand.u32 $0x7, v8;
	v9 =	vand.u32 $0xFFFFFFF0, v52  }
0x68: {  	v8 =	vor.u32 v8, v9  }
0x69: {  	v9 =	vperm.xlane v8, v5;
	_ =	sdelay $0x1  }
0x6a: {  	v8 =	vperm.xlane v8, v7;
	v9 =	vadd.s32 v6, v9;
	_ =	sdelay $0x1  }
0x6b: {  	v8 =	vadd.s32 v6, v8;
	_ =	sdelay $0x1  }
0x6c: {  	s20 =	simm.s32 $0xE480  }
0x6d: {  	[tilespmem:s20], [sflag:$0x1] =	stream.indirect_vreg.gather [hbm4b:s3+s2], $0x80, v9, vm0, $0xb8;
	[tilespmem:$0x15480] =	vst v63  }
0x6e: {  	s21 =	simm.s32 $0xEC80  }
0x6f: {  	[tilespmem:s21], [sflag:$0x1] =	stream.indirect_vreg.gather [hbm4b:s3+s2], $0x80, v8, vm0, $0xb8;
	[tilespmem:$0x15480] =	vst v63  }
0x70: {  	v8 =	vld [tilespmem:$0x9460];
	_ =	sdelay $0x4  }
0x71: {  	v53 =	vshll.u32 v8, $0x1  }
0x72: {  	v8 =	vand.u32 $0x7, v8;
	v9 =	vand.u32 $0xFFFFFFF0, v53  }
0x73: {  	v8 =	vor.u32 v8, v9  }
0x74: {  	v9 =	vperm.xlane v8, v5;
	_ =	sdelay $0x1  }
0x75: {  	v8 =	vperm.xlane v8, v7;
	v9 =	vadd.s32 v6, v9;
	_ =	sdelay $0x1  }
0x76: {  	v8 =	vadd.s32 v6, v8;
	_ =	sdelay $0x1  }
0x77: {  	s22 =	simm.s32 $0xF480  }
0x78: {  	[tilespmem:s22], [sflag:$0x1] =	stream.indirect_vreg.gather [hbm4b:s3+s2], $0x80, v9, vm0, $0xb8;
	[tilespmem:$0x15480] =	vst v63  }
0x79: {  	s24 =	simm.s32 $0xFC80  }
0x7a: {  	[tilespmem:s24], [sflag:$0x1] =	stream.indirect_vreg.gather [hbm4b:s3+s2], $0x80, v8, vm0, $0xb8;
	[tilespmem:$0x15480] =	vst v63  }
0x7b: {  	v8 =	vld [tilespmem:$0x9470];
	_ =	sdelay $0x4  }
0x7c: {  	v54 =	vshll.u32 v8, $0x1  }
0x7d: {  	v8 =	vand.u32 $0x7, v8;
	v9 =	vand.u32 $0xFFFFFFF0, v54  }
0x7e: {  	v8 =	vor.u32 v8, v9  }
0x7f: {  	v9 =	vperm.xlane v8, v5;
	_ =	sdelay $0x1  }
0x80: {  	v8 =	vperm.xlane v8, v7;
	v9 =	vadd.s32 v6, v9;
	_ =	sdelay $0x1  }
0x81: {  	v8 =	vadd.s32 v6, v8;
	_ =	sdelay $0x2  }
0x82: {  	[tilespmem:s8], [sflag:$0x1] =	stream.indirect_vreg.gather [hbm4b:s3+s2], $0x80, v9, vm0, $0xb8;
	[tilespmem:$0x15480] =	vst v63  }
0x83: {  	s4 =	simm.s32 $0x10C80  }
0x84: {  	[tilespmem:s4], [sflag:$0x1] =	stream.indirect_vreg.gather [hbm4b:s3+s2], $0x80, v8, vm0, $0xb8;
	[tilespmem:$0x15480] =	vst v63  }
0x85: {  	_ =	swait.ge [sflag:s0], $0x8000  }
0x86: {  	[sflag:s0] =	ssyncset.done $0x0  }
0x87: {  	s9 =	rddreg [dreg:$0x3];
	[sflag:s0] =	ssyncadd.s32 $0xFFFF8000  }
0x88: {  	[hbm4b:s9+s2] =	stream.linear.scatter [tilespmem:s23], [sflag:$0x3], $0x8000, $0x38;
	[tilespmem:$0x15480] =	vst v63  }
0x89: {  	_ =	swait.ge [sflag:s26], $0x8000  }
0x8a: {  	s11 =	simm.s32 $0x80;
	[sflag:s26] =	ssyncset.done $0x0  }
0x8b: {  	s1 =	simm.s32 $0x9400;
	s6 =	rddreg [dreg:$0x16];
	[sflag:s26] =	ssyncadd.s32 $0xFFFF8000  }
0x8c: {  	[tilespmem:s25], [sflag:$0x2] =	stream.indirect.gather [hbm4b:s6+s11], $0x80, s1, s11, $0xb8;
	[tilespmem:$0x15480] =	vst v63  }
0x8d: {  	_ =	swait.ge [sflag:s7], $0x4000  }
0x8e: {  	[sflag:s7] =	ssyncset.done $0x0  }
0x8f: {  	s9 =	rddreg [dreg:$0x4];
	[sflag:s7] =	ssyncadd.s32 $0xFFFFC000  }
0x90: {  	[hbm4b:s9+s2] =	stream.linear.scatter [tilespmem:s25], [sflag:$0x3], $0x4000, $0x38;
	[tilespmem:$0x15480] =	vst v63  }
0x91: {  	_ =	swait.ge [sflag:s26], $0x4000  }
0x92: {  	[sflag:s26] =	ssyncset.done $0x0  }
0x93: {  	[sflag:s26] =	ssyncadd.s32 $0xFFFFC000  }
0x94: {  	v8 =	vld [tilespmem:$0x9080];
	_ =	sdelay $0x2  }
0x95: {  	v55 =	vld [tilespmem:$0x9090]  }
0x96: {  	v56 =	vld [tilespmem:$0x90A0]  }
0x97: {  	v57 =	vld [tilespmem:$0x90B0];
	v58 =	vshll.u32 v8, $0x1  }
0x98: {  	v59 =	vld [tilespmem:$0x90C0];
	v60 =	vand.u32 $0x7, v8;
	v12 =	vand.u32 $0xFFFFFFF0, v58  }
0x99: {  	[tilespmem:$0x9400] =	vst v8;
	v8 =	vld [tilespmem:$0x90D0];
	v12 =	vor.u32 v60, v12  }
0x9a: {  	v61 =	vld [tilespmem:$0x90E0];
	[tilespmem:$0x9410] =	vst v55;
	v14 =	vperm.xlane v12, v5  }
0x9b: {  	v62 =	vld [tilespmem:$0x90F0];
	[tilespmem:$0x9420] =	vst v56  }
0x9c: {  	[tilespmem:$0x9430] =	vst v57;
	v12 =	vperm.xlane v12, v7;
	v63 =	vadd.s32 v6, v14  }
0x9d: {  	[tilespmem:$0x9440] =	vst v59  }
0x9e: {  	[tilespmem:$0x9450] =	vst v8;
	v8 =	vadd.s32 v6, v12  }
0x9f: {  	[tilespmem:$0x9460] =	vst v61  }
0xa0: {  	[tilespmem:$0x9470] =	vst v62  }
0xa1: {  	[tilespmem:s23], [sflag:$0x1] =	stream.indirect_vreg.gather [hbm4b:s3+s2], $0x80, v63, vm0, $0xb8;
	[tilespmem:$0x15480] =	vst v63  }
0xa2: {  	_ = 	snop  }
0xa3: {  	[tilespmem:s10], [sflag:$0x1] =	stream.indirect_vreg.gather [hbm4b:s3+s2], $0x80, v8, vm0, $0xb8;
	[tilespmem:$0x15480] =	vst v63  }
0xa4: {  	v8 =	vld [tilespmem:$0x9410];
	_ =	sdelay $0x4  }
0xa5: {  	v13 =	vshll.u32 v8, $0x1  }
0xa6: {  	v8 =	vand.u32 $0x7, v8;
	v9 =	vand.u32 $0xFFFFFFF0, v13  }
0xa7: {  	v8 =	vor.u32 v8, v9  }
0xa8: {  	v9 =	vperm.xlane v8, v5;
	_ =	sdelay $0x1  }
0xa9: {  	v8 =	vperm.xlane v8, v7;
	v9 =	vadd.s32 v6, v9;
	_ =	sdelay $0x1  }
0xaa: {  	v8 =	vadd.s32 v6, v8;
	_ =	sdelay $0x2  }
0xab: {  	[tilespmem:s12], [sflag:$0x1] =	stream.indirect_vreg.gather [hbm4b:s3+s2], $0x80, v9, vm0, $0xb8;
	[tilespmem:$0x15480] =	vst v63  }
0xac: {  	_ = 	snop  }
0xad: {  	[tilespmem:s13], [sflag:$0x1] =	stream.indirect_vreg.gather [hbm4b:s3+s2], $0x80, v8, vm0, $0xb8;
	[tilespmem:$0x15480] =	vst v63  }
0xae: {  	v8 =	vld [tilespmem:$0x9420];
	_ =	sdelay $0x4  }
0xaf: {  	v14 =	vshll.u32 v8, $0x1  }
0xb0: {  	v8 =	vand.u32 $0x7, v8;
	v9 =	vand.u32 $0xFFFFFFF0, v14  }
0xb1: {  	v8 =	vor.u32 v8, v9  }
0xb2: {  	v9 =	vperm.xlane v8, v5;
	_ =	sdelay $0x1  }
0xb3: {  	v8 =	vperm.xlane v8, v7;
	v9 =	vadd.s32 v6, v9;
	_ =	sdelay $0x1  }
0xb4: {  	v8 =	vadd.s32 v6, v8;
	_ =	sdelay $0x2  }
0xb5: {  	[tilespmem:s14], [sflag:$0x1] =	stream.indirect_vreg.gather [hbm4b:s3+s2], $0x80, v9, vm0, $0xb8;
	[tilespmem:$0x15480] =	vst v63  }
0xb6: {  	_ = 	snop  }
0xb7: {  	[tilespmem:s15], [sflag:$0x1] =	stream.indirect_vreg.gather [hbm4b:s3+s2], $0x80, v8, vm0, $0xb8;
	[tilespmem:$0x15480] =	vst v63  }
0xb8: {  	v8 =	vld [tilespmem:$0x9430];
	_ =	sdelay $0x4  }
0xb9: {  	v15 =	vshll.u32 v8, $0x1  }
0xba: {  	v8 =	vand.u32 $0x7, v8;
	v9 =	vand.u32 $0xFFFFFFF0, v15  }
0xbb: {  	v8 =	vor.u32 v8, v9  }
0xbc: {  	v9 =	vperm.xlane v8, v5;
	_ =	sdelay $0x1  }
0xbd: {  	v8 =	vperm.xlane v8, v7;
	v9 =	vadd.s32 v6, v9;
	_ =	sdelay $0x1  }
0xbe: {  	v8 =	vadd.s32 v6, v8;
	_ =	sdelay $0x2  }
0xbf: {  	[tilespmem:s16], [sflag:$0x1] =	stream.indirect_vreg.gather [hbm4b:s3+s2], $0x80, v9, vm0, $0xb8;
	[tilespmem:$0x15480] =	vst v63  }
0xc0: {  	_ = 	snop  }
0xc1: {  	[tilespmem:s17], [sflag:$0x1] =	stream.indirect_vreg.gather [hbm4b:s3+s2], $0x80, v8, vm0, $0xb8;
	[tilespmem:$0x15480] =	vst v63  }
0xc2: {  	v8 =	vld [tilespmem:$0x9440];
	_ =	sdelay $0x4  }
0xc3: {  	v16 =	vshll.u32 v8, $0x1  }
0xc4: {  	v8 =	vand.u32 $0x7, v8;
	v9 =	vand.u32 $0xFFFFFFF0, v16  }
0xc5: {  	v8 =	vor.u32 v8, v9  }
0xc6: {  	v9 =	vperm.xlane v8, v5;
	_ =	sdelay $0x1  }
0xc7: {  	v8 =	vperm.xlane v8, v7;
	v9 =	vadd.s32 v6, v9;
	_ =	sdelay $0x1  }
0xc8: {  	v8 =	vadd.s32 v6, v8;
	_ =	sdelay $0x2  }
0xc9: {  	[tilespmem:s18], [sflag:$0x1] =	stream.indirect_vreg.gather [hbm4b:s3+s2], $0x80, v9, vm0, $0xb8;
	[tilespmem:$0x15480] =	vst v63  }
0xca: {  	_ = 	snop  }
0xcb: {  	[tilespmem:s19], [sflag:$0x1] =	stream.indirect_vreg.gather [hbm4b:s3+s2], $0x80, v8, vm0, $0xb8;
	[tilespmem:$0x15480] =	vst v63  }
0xcc: {  	v8 =	vld [tilespmem:$0x9450];
	_ =	sdelay $0x4  }
0xcd: {  	v17 =	vshll.u32 v8, $0x1  }
0xce: {  	v8 =	vand.u32 $0x7, v8;
	v9 =	vand.u32 $0xFFFFFFF0, v17  }
0xcf: {  	v8 =	vor.u32 v8, v9  }
0xd0: {  	v9 =	vperm.xlane v8, v5;
	_ =	sdelay $0x1  }
0xd1: {  	v8 =	vperm.xlane v8, v7;
	v9 =	vadd.s32 v6, v9;
	_ =	sdelay $0x1  }
0xd2: {  	v8 =	vadd.s32 v6, v8;
	_ =	sdelay $0x2  }
0xd3: {  	[tilespmem:s20], [sflag:$0x1] =	stream.indirect_vreg.gather [hbm4b:s3+s2], $0x80, v9, vm0, $0xb8;
	[tilespmem:$0x15480] =	vst v63  }
0xd4: {  	_ = 	snop  }
0xd5: {  	[tilespmem:s21], [sflag:$0x1] =	stream.indirect_vreg.gather [hbm4b:s3+s2], $0x80, v8, vm0, $0xb8;
	[tilespmem:$0x15480] =	vst v63  }
0xd6: {  	v8 =	vld [tilespmem:$0x9460];
	_ =	sdelay $0x4  }
0xd7: {  	v18 =	vshll.u32 v8, $0x1  }
0xd8: {  	v8 =	vand.u32 $0x7, v8;
	v9 =	vand.u32 $0xFFFFFFF0, v18  }
0xd9: {  	v8 =	vor.u32 v8, v9  }
0xda: {  	v9 =	vperm.xlane v8, v5;
	_ =	sdelay $0x1  }
0xdb: {  	v8 =	vperm.xlane v8, v7;
	v9 =	vadd.s32 v6, v9;
	_ =	sdelay $0x1  }
0xdc: {  	v8 =	vadd.s32 v6, v8;
	_ =	sdelay $0x2  }
0xdd: {  	[tilespmem:s22], [sflag:$0x1] =	stream.indirect_vreg.gather [hbm4b:s3+s2], $0x80, v9, vm0, $0xb8;
	[tilespmem:$0x15480] =	vst v63  }
0xde: {  	_ = 	snop  }
0xdf: {  	[tilespmem:s24], [sflag:$0x1] =	stream.indirect_vreg.gather [hbm4b:s3+s2], $0x80, v8, vm0, $0xb8;
	[tilespmem:$0x15480] =	vst v63  }
0xe0: {  	v8 =	vld [tilespmem:$0x9470];
	_ =	sdelay $0x4  }
0xe1: {  	v19 =	vshll.u32 v8, $0x1  }
0xe2: {  	v8 =	vand.u32 $0x7, v8;
	v9 =	vand.u32 $0xFFFFFFF0, v19  }
0xe3: {  	v8 =	vor.u32 v8, v9  }
0xe4: {  	v9 =	vperm.xlane v8, v5;
	_ =	sdelay $0x1  }
0xe5: {  	v8 =	vperm.xlane v8, v7;
	v9 =	vadd.s32 v6, v9;
	_ =	sdelay $0x1  }
0xe6: {  	v8 =	vadd.s32 v6, v8;
	_ =	sdelay $0x2  }
0xe7: {  	[tilespmem:s8], [sflag:$0x1] =	stream.indirect_vreg.gather [hbm4b:s3+s2], $0x80, v9, vm0, $0xb8;
	[tilespmem:$0x15480] =	vst v63  }
0xe8: {  	_ = 	snop  }
0xe9: {  	[tilespmem:s4], [sflag:$0x1] =	stream.indirect_vreg.gather [hbm4b:s3+s2], $0x80, v8, vm0, $0xb8;
	[tilespmem:$0x15480] =	vst v63  }
0xea: {  	_ =	swait.ge [sflag:s0], $0x8000  }
0xeb: {  	[sflag:s0] =	ssyncset.done $0x0  }
0xec: {  	s9 =	rddreg [dreg:$0x5];
	[sflag:s0] =	ssyncadd.s32 $0xFFFF8000  }
0xed: {  	[hbm4b:s9+s2] =	stream.linear.scatter [tilespmem:s23], [sflag:$0x3], $0x8000, $0x38;
	[tilespmem:$0x15480] =	vst v63  }
0xee: {  	_ =	swait.ge [sflag:s26], $0x8000  }
0xef: {  	[sflag:s26] =	ssyncset.done $0x0  }
0xf0: {  	[sflag:s26] =	ssyncadd.s32 $0xFFFF8000  }
0xf1: {  	[tilespmem:s25], [sflag:$0x2] =	stream.indirect.gather [hbm4b:s6+s11], $0x80, s1, s11, $0xb8;
	[tilespmem:$0x15480] =	vst v63  }
0xf2: {  	_ =	swait.ge [sflag:s7], $0x4000  }
0xf3: {  	[sflag:s7] =	ssyncset.done $0x0  }
0xf4: {  	s9 =	rddreg [dreg:$0x6];
	[sflag:s7] =	ssyncadd.s32 $0xFFFFC000  }
0xf5: {  	[hbm4b:s9+s2] =	stream.linear.scatter [tilespmem:s25], [sflag:$0x3], $0x4000, $0x38;
	[tilespmem:$0x15480] =	vst v63  }
0xf6: {  	_ =	swait.ge [sflag:s26], $0x4000  }
0xf7: {  	[sflag:s26] =	ssyncset.done $0x0  }
0xf8: {  	[sflag:s26] =	ssyncadd.s32 $0xFFFFC000  }
0xf9: {  	v8 =	vld [tilespmem:$0x9100];
	_ =	sdelay $0x2  }
0xfa: {  	v20 =	vld [tilespmem:$0x9110]  }
0xfb: {  	v21 =	vld [tilespmem:$0x9120]  }
0xfc: {  	v22 =	vld [tilespmem:$0x9130];
	v23 =	vshll.u32 v8, $0x1  }
0xfd: {  	v24 =	vld [tilespmem:$0x9140];
	v25 =	vand.u32 $0x7, v8;
	v12 =	vand.u32 $0xFFFFFFF0, v23  }
0xfe: {  	[tilespmem:$0x9400] =	vst v8;
	v8 =	vld [tilespmem:$0x9150];
	v12 =	vor.u32 v25, v12  }
0xff: {  	v26 =	vld [tilespmem:$0x9160];
	[tilespmem:$0x9410] =	vst v20;
	v14 =	vperm.xlane v12, v5  }
0x100: {  	v27 =	vld [tilespmem:$0x9170];
	[tilespmem:$0x9420] =	vst v21  }
0x101: {  	[tilespmem:$0x9430] =	vst v22;
	v12 =	vperm.xlane v12, v7;
	v28 =	vadd.s32 v6, v14  }
0x102: {  	[tilespmem:$0x9440] =	vst v24  }
0x103: {  	[tilespmem:$0x9450] =	vst v8;
	v8 =	vadd.s32 v6, v12  }
0x104: {  	[tilespmem:$0x9460] =	vst v26  }
0x105: {  	[tilespmem:$0x9470] =	vst v27  }
0x106: {  	[tilespmem:s23], [sflag:$0x1] =	stream.indirect_vreg.gather [hbm4b:s3+s2], $0x80, v28, vm0, $0xb8;
	[tilespmem:$0x15480] =	vst v63  }
0x107: {  	_ = 	snop  }
0x108: {  	[tilespmem:s10], [sflag:$0x1] =	stream.indirect_vreg.gather [hbm4b:s3+s2], $0x80, v8, vm0, $0xb8;
	[tilespmem:$0x15480] =	vst v63  }
0x109: {  	v8 =	vld [tilespmem:$0x9410];
	_ =	sdelay $0x4  }
0x10a: {  	v29 =	vshll.u32 v8, $0x1  }
0x10b: {  	v8 =	vand.u32 $0x7, v8;
	v9 =	vand.u32 $0xFFFFFFF0, v29  }
0x10c: {  	v8 =	vor.u32 v8, v9  }
0x10d: {  	v9 =	vperm.xlane v8, v5;
	_ =	sdelay $0x1  }
0x10e: {  	v8 =	vperm.xlane v8, v7;
	v9 =	vadd.s32 v6, v9;
	_ =	sdelay $0x1  }
0x10f: {  	v8 =	vadd.s32 v6, v8;
	_ =	sdelay $0x2  }
0x110: {  	[tilespmem:s12], [sflag:$0x1] =	stream.indirect_vreg.gather [hbm4b:s3+s2], $0x80, v9, vm0, $0xb8;
	[tilespmem:$0x15480] =	vst v63  }
0x111: {  	_ = 	snop  }
0x112: {  	[tilespmem:s13], [sflag:$0x1] =	stream.indirect_vreg.gather [hbm4b:s3+s2], $0x80, v8, vm0, $0xb8;
	[tilespmem:$0x15480] =	vst v63  }
0x113: {  	v8 =	vld [tilespmem:$0x9420];
	_ =	sdelay $0x4  }
0x114: {  	v30 =	vshll.u32 v8, $0x1  }
0x115: {  	v8 =	vand.u32 $0x7, v8;
	v9 =	vand.u32 $0xFFFFFFF0, v30  }
0x116: {  	v8 =	vor.u32 v8, v9  }
0x117: {  	v9 =	vperm.xlane v8, v5;
	_ =	sdelay $0x1  }
0x118: {  	v8 =	vperm.xlane v8, v7;
	v9 =	vadd.s32 v6, v9;
	_ =	sdelay $0x1  }
0x119: {  	v8 =	vadd.s32 v6, v8;
	_ =	sdelay $0x2  }
0x11a: {  	[tilespmem:s14], [sflag:$0x1] =	stream.indirect_vreg.gather [hbm4b:s3+s2], $0x80, v9, vm0, $0xb8;
	[tilespmem:$0x15480] =	vst v63  }
0x11b: {  	_ = 	snop  }
0x11c: {  	[tilespmem:s15], [sflag:$0x1] =	stream.indirect_vreg.gather [hbm4b:s3+s2], $0x80, v8, vm0, $0xb8;
	[tilespmem:$0x15480] =	vst v63  }
0x11d: {  	v8 =	vld [tilespmem:$0x9430];
	_ =	sdelay $0x4  }
0x11e: {  	v31 =	vshll.u32 v8, $0x1  }
0x11f: {  	v8 =	vand.u32 $0x7, v8;
	v9 =	vand.u32 $0xFFFFFFF0, v31  }
0x120: {  	v8 =	vor.u32 v8, v9  }
0x121: {  	v9 =	vperm.xlane v8, v5;
	_ =	sdelay $0x1  }
0x122: {  	v8 =	vperm.xlane v8, v7;
	v9 =	vadd.s32 v6, v9;
	_ =	sdelay $0x1  }
0x123: {  	v8 =	vadd.s32 v6, v8;
	_ =	sdelay $0x2  }
0x124: {  	[tilespmem:s16], [sflag:$0x1] =	stream.indirect_vreg.gather [hbm4b:s3+s2], $0x80, v9, vm0, $0xb8;
	[tilespmem:$0x15480] =	vst v63  }
0x125: {  	_ = 	snop  }
0x126: {  	[tilespmem:s17], [sflag:$0x1] =	stream.indirect_vreg.gather [hbm4b:s3+s2], $0x80, v8, vm0, $0xb8;
	[tilespmem:$0x15480] =	vst v63  }
0x127: {  	v8 =	vld [tilespmem:$0x9440];
	_ =	sdelay $0x4  }
0x128: {  	v32 =	vshll.u32 v8, $0x1  }
0x129: {  	v8 =	vand.u32 $0x7, v8;
	v9 =	vand.u32 $0xFFFFFFF0, v32  }
0x12a: {  	v8 =	vor.u32 v8, v9  }
0x12b: {  	v9 =	vperm.xlane v8, v5;
	_ =	sdelay $0x1  }
0x12c: {  	v8 =	vperm.xlane v8, v7;
	v9 =	vadd.s32 v6, v9;
	_ =	sdelay $0x1  }
0x12d: {  	v8 =	vadd.s32 v6, v8;
	_ =	sdelay $0x2  }
0x12e: {  	[tilespmem:s18], [sflag:$0x1] =	stream.indirect_vreg.gather [hbm4b:s3+s2], $0x80, v9, vm0, $0xb8;
	[tilespmem:$0x15480] =	vst v63  }
0x12f: {  	_ = 	snop  }
0x130: {  	[tilespmem:s19], [sflag:$0x1] =	stream.indirect_vreg.gather [hbm4b:s3+s2], $0x80, v8, vm0, $0xb8;
	[tilespmem:$0x15480] =	vst v63  }
0x131: {  	v8 =	vld [tilespmem:$0x9450];
	_ =	sdelay $0x4  }
0x132: {  	v33 =	vshll.u32 v8, $0x1  }
0x133: {  	v8 =	vand.u32 $0x7, v8;
	v9 =	vand.u32 $0xFFFFFFF0, v33  }
0x134: {  	v8 =	vor.u32 v8, v9  }
0x135: {  	v9 =	vperm.xlane v8, v5;
	_ =	sdelay $0x1  }
0x136: {  	v8 =	vperm.xlane v8, v7;
	v9 =	vadd.s32 v6, v9;
	_ =	sdelay $0x1  }
0x137: {  	v8 =	vadd.s32 v6, v8;
	_ =	sdelay $0x2  }
0x138: {  	[tilespmem:s20], [sflag:$0x1] =	stream.indirect_vreg.gather [hbm4b:s3+s2], $0x80, v9, vm0, $0xb8;
	[tilespmem:$0x15480] =	vst v63  }
0x139: {  	_ = 	snop  }
0x13a: {  	[tilespmem:s21], [sflag:$0x1] =	stream.indirect_vreg.gather [hbm4b:s3+s2], $0x80, v8, vm0, $0xb8;
	[tilespmem:$0x15480] =	vst v63  }
0x13b: {  	v8 =	vld [tilespmem:$0x9460];
	_ =	sdelay $0x4  }
0x13c: {  	v34 =	vshll.u32 v8, $0x1  }
0x13d: {  	v8 =	vand.u32 $0x7, v8;
	v9 =	vand.u32 $0xFFFFFFF0, v34  }
0x13e: {  	v8 =	vor.u32 v8, v9  }
0x13f: {  	v9 =	vperm.xlane v8, v5;
	_ =	sdelay $0x1  }
0x140: {  	v8 =	vperm.xlane v8, v7;
	v9 =	vadd.s32 v6, v9;
	_ =	sdelay $0x1  }
0x141: {  	v8 =	vadd.s32 v6, v8;
	_ =	sdelay $0x2  }
0x142: {  	[tilespmem:s22], [sflag:$0x1] =	stream.indirect_vreg.gather [hbm4b:s3+s2], $0x80, v9, vm0, $0xb8;
	[tilespmem:$0x15480] =	vst v63  }
0x143: {  	_ = 	snop  }
0x144: {  	[tilespmem:s24], [sflag:$0x1] =	stream.indirect_vreg.gather [hbm4b:s3+s2], $0x80, v8, vm0, $0xb8;
	[tilespmem:$0x15480] =	vst v63  }
0x145: {  	v8 =	vld [tilespmem:$0x9470];
	_ =	sdelay $0x4  }
0x146: {  	v35 =	vshll.u32 v8, $0x1  }
0x147: {  	v8 =	vand.u32 $0x7, v8;
	v9 =	vand.u32 $0xFFFFFFF0, v35  }
0x148: {  	v8 =	vor.u32 v8, v9  }
0x149: {  	v9 =	vperm.xlane v8, v5;
	_ =	sdelay $0x1  }
0x14a: {  	v8 =	vperm.xlane v8, v7;
	v9 =	vadd.s32 v6, v9;
	_ =	sdelay $0x1  }
0x14b: {  	v8 =	vadd.s32 v6, v8;
	_ =	sdelay $0x2  }
0x14c: {  	[tilespmem:s8], [sflag:$0x1] =	stream.indirect_vreg.gather [hbm4b:s3+s2], $0x80, v9, vm0, $0xb8;
	[tilespmem:$0x15480] =	vst v63  }
0x14d: {  	_ = 	snop  }
0x14e: {  	[tilespmem:s4], [sflag:$0x1] =	stream.indirect_vreg.gather [hbm4b:s3+s2], $0x80, v8, vm0, $0xb8;
	[tilespmem:$0x15480] =	vst v63  }
0x14f: {  	_ =	swait.ge [sflag:s0], $0x8000  }
0x150: {  	[sflag:s0] =	ssyncset.done $0x0  }
0x151: {  	s9 =	rddreg [dreg:$0x7];
	[sflag:s0] =	ssyncadd.s32 $0xFFFF8000  }
0x152: {  	[hbm4b:s9+s2] =	stream.linear.scatter [tilespmem:s23], [sflag:$0x3], $0x8000, $0x38;
	[tilespmem:$0x15480] =	vst v63  }
0x153: {  	_ =	swait.ge [sflag:s26], $0x8000  }
0x154: {  	[sflag:s26] =	ssyncset.done $0x0  }
0x155: {  	[sflag:s26] =	ssyncadd.s32 $0xFFFF8000  }
0x156: {  	[tilespmem:s25], [sflag:$0x2] =	stream.indirect.gather [hbm4b:s6+s11], $0x80, s1, s11, $0xb8;
	[tilespmem:$0x15480] =	vst v63  }
0x157: {  	_ =	swait.ge [sflag:s7], $0x4000  }
0x158: {  	[sflag:s7] =	ssyncset.done $0x0  }
0x159: {  	s9 =	rddreg [dreg:$0x8];
	[sflag:s7] =	ssyncadd.s32 $0xFFFFC000  }
0x15a: {  	[hbm4b:s9+s2] =	stream.linear.scatter [tilespmem:s25], [sflag:$0x3], $0x4000, $0x38;
	[tilespmem:$0x15480] =	vst v63  }
0x15b: {  	_ =	swait.ge [sflag:s26], $0x4000  }
0x15c: {  	[sflag:s26] =	ssyncset.done $0x0  }
0x15d: {  	[sflag:s26] =	ssyncadd.s32 $0xFFFFC000  }
0x15e: {  	v8 =	vld [tilespmem:$0x9180];
	_ =	sdelay $0x2  }
0x15f: {  	v36 =	vld [tilespmem:$0x9190]  }
0x160: {  	v37 =	vld [tilespmem:$0x91A0]  }
0x161: {  	v38 =	vld [tilespmem:$0x91B0];
	v39 =	vshll.u32 v8, $0x1  }
0x162: {  	v40 =	vld [tilespmem:$0x91C0];
	v41 =	vand.u32 $0x7, v8;
	v12 =	vand.u32 $0xFFFFFFF0, v39  }
0x163: {  	[tilespmem:$0x9400] =	vst v8;
	v8 =	vld [tilespmem:$0x91D0];
	v12 =	vor.u32 v41, v12  }
0x164: {  	v42 =	vld [tilespmem:$0x91E0];
	[tilespmem:$0x9410] =	vst v36;
	v14 =	vperm.xlane v12, v5  }
0x165: {  	v43 =	vld [tilespmem:$0x91F0];
	[tilespmem:$0x9420] =	vst v37  }
0x166: {  	[tilespmem:$0x9430] =	vst v38;
	v12 =	vperm.xlane v12, v7;
	v44 =	vadd.s32 v6, v14  }
0x167: {  	[tilespmem:$0x9440] =	vst v40  }
0x168: {  	[tilespmem:$0x9450] =	vst v8;
	v8 =	vadd.s32 v6, v12  }
0x169: {  	[tilespmem:$0x9460] =	vst v42  }
0x16a: {  	[tilespmem:$0x9470] =	vst v43  }
0x16b: {  	[tilespmem:s23], [sflag:$0x1] =	stream.indirect_vreg.gather [hbm4b:s3+s2], $0x80, v44, vm0, $0xb8;
	[tilespmem:$0x15480] =	vst v63  }
0x16c: {  	_ = 	snop  }
0x16d: {  	[tilespmem:s10], [sflag:$0x1] =	stream.indirect_vreg.gather [hbm4b:s3+s2], $0x80, v8, vm0, $0xb8;
	[tilespmem:$0x15480] =	vst v63  }
0x16e: {  	v8 =	vld [tilespmem:$0x9410];
	_ =	sdelay $0x4  }
0x16f: {  	v45 =	vshll.u32 v8, $0x1  }
0x170: {  	v8 =	vand.u32 $0x7, v8;
	v9 =	vand.u32 $0xFFFFFFF0, v45  }
0x171: {  	v8 =	vor.u32 v8, v9  }
0x172: {  	v9 =	vperm.xlane v8, v5;
	_ =	sdelay $0x1  }
0x173: {  	v8 =	vperm.xlane v8, v7;
	v9 =	vadd.s32 v6, v9;
	_ =	sdelay $0x1  }
0x174: {  	v8 =	vadd.s32 v6, v8;
	_ =	sdelay $0x2  }
0x175: {  	[tilespmem:s12], [sflag:$0x1] =	stream.indirect_vreg.gather [hbm4b:s3+s2], $0x80, v9, vm0, $0xb8;
	[tilespmem:$0x15480] =	vst v63  }
0x176: {  	_ = 	snop  }
0x177: {  	[tilespmem:s13], [sflag:$0x1] =	stream.indirect_vreg.gather [hbm4b:s3+s2], $0x80, v8, vm0, $0xb8;
	[tilespmem:$0x15480] =	vst v63  }
0x178: {  	v8 =	vld [tilespmem:$0x9420];
	_ =	sdelay $0x4  }
0x179: {  	v46 =	vshll.u32 v8, $0x1  }
0x17a: {  	v8 =	vand.u32 $0x7, v8;
	v9 =	vand.u32 $0xFFFFFFF0, v46  }
0x17b: {  	v8 =	vor.u32 v8, v9  }
0x17c: {  	v9 =	vperm.xlane v8, v5;
	_ =	sdelay $0x1  }
0x17d: {  	v8 =	vperm.xlane v8, v7;
	v9 =	vadd.s32 v6, v9;
	_ =	sdelay $0x1  }
0x17e: {  	v8 =	vadd.s32 v6, v8;
	_ =	sdelay $0x2  }
0x17f: {  	[tilespmem:s14], [sflag:$0x1] =	stream.indirect_vreg.gather [hbm4b:s3+s2], $0x80, v9, vm0, $0xb8;
	[tilespmem:$0x15480] =	vst v63  }
0x180: {  	_ = 	snop  }
0x181: {  	[tilespmem:s15], [sflag:$0x1] =	stream.indirect_vreg.gather [hbm4b:s3+s2], $0x80, v8, vm0, $0xb8;
	[tilespmem:$0x15480] =	vst v63  }
0x182: {  	v8 =	vld [tilespmem:$0x9430];
	_ =	sdelay $0x4  }
0x183: {  	v47 =	vshll.u32 v8, $0x1  }
0x184: {  	v8 =	vand.u32 $0x7, v8;
	v9 =	vand.u32 $0xFFFFFFF0, v47  }
0x185: {  	v8 =	vor.u32 v8, v9  }
0x186: {  	v9 =	vperm.xlane v8, v5;
	_ =	sdelay $0x1  }
0x187: {  	v8 =	vperm.xlane v8, v7;
	v9 =	vadd.s32 v6, v9;
	_ =	sdelay $0x1  }
0x188: {  	v8 =	vadd.s32 v6, v8;
	_ =	sdelay $0x2  }
0x189: {  	[tilespmem:s16], [sflag:$0x1] =	stream.indirect_vreg.gather [hbm4b:s3+s2], $0x80, v9, vm0, $0xb8;
	[tilespmem:$0x15480] =	vst v63  }
0x18a: {  	_ = 	snop  }
0x18b: {  	[tilespmem:s17], [sflag:$0x1] =	stream.indirect_vreg.gather [hbm4b:s3+s2], $0x80, v8, vm0, $0xb8;
	[tilespmem:$0x15480] =	vst v63  }
0x18c: {  	v8 =	vld [tilespmem:$0x9440];
	_ =	sdelay $0x4  }
0x18d: {  	v48 =	vshll.u32 v8, $0x1  }
0x18e: {  	v8 =	vand.u32 $0x7, v8;
	v9 =	vand.u32 $0xFFFFFFF0, v48  }
0x18f: {  	v8 =	vor.u32 v8, v9  }
0x190: {  	v9 =	vperm.xlane v8, v5;
	_ =	sdelay $0x1  }
0x191: {  	v8 =	vperm.xlane v8, v7;
	v9 =	vadd.s32 v6, v9;
	_ =	sdelay $0x1  }
0x192: {  	v8 =	vadd.s32 v6, v8;
	_ =	sdelay $0x2  }
0x193: {  	[tilespmem:s18], [sflag:$0x1] =	stream.indirect_vreg.gather [hbm4b:s3+s2], $0x80, v9, vm0, $0xb8;
	[tilespmem:$0x15480] =	vst v63  }
0x194: {  	_ = 	snop  }
0x195: {  	[tilespmem:s19], [sflag:$0x1] =	stream.indirect_vreg.gather [hbm4b:s3+s2], $0x80, v8, vm0, $0xb8;
	[tilespmem:$0x15480] =	vst v63  }
0x196: {  	v8 =	vld [tilespmem:$0x9450];
	_ =	sdelay $0x4  }
0x197: {  	v49 =	vshll.u32 v8, $0x1  }
0x198: {  	v8 =	vand.u32 $0x7, v8;
	v9 =	vand.u32 $0xFFFFFFF0, v49  }
0x199: {  	v8 =	vor.u32 v8, v9  }
0x19a: {  	v9 =	vperm.xlane v8, v5;
	_ =	sdelay $0x1  }
0x19b: {  	v8 =	vperm.xlane v8, v7;
	v9 =	vadd.s32 v6, v9;
	_ =	sdelay $0x1  }
0x19c: {  	v8 =	vadd.s32 v6, v8;
	_ =	sdelay $0x2  }
0x19d: {  	[tilespmem:s20], [sflag:$0x1] =	stream.indirect_vreg.gather [hbm4b:s3+s2], $0x80, v9, vm0, $0xb8;
	[tilespmem:$0x15480] =	vst v63  }
0x19e: {  	_ = 	snop  }
0x19f: {  	[tilespmem:s21], [sflag:$0x1] =	stream.indirect_vreg.gather [hbm4b:s3+s2], $0x80, v8, vm0, $0xb8;
	[tilespmem:$0x15480] =	vst v63  }
0x1a0: {  	v8 =	vld [tilespmem:$0x9460];
	_ =	sdelay $0x4  }
0x1a1: {  	v50 =	vshll.u32 v8, $0x1  }
0x1a2: {  	v8 =	vand.u32 $0x7, v8;
	v9 =	vand.u32 $0xFFFFFFF0, v50  }
0x1a3: {  	v8 =	vor.u32 v8, v9  }
0x1a4: {  	v9 =	vperm.xlane v8, v5;
	_ =	sdelay $0x1  }
0x1a5: {  	v8 =	vperm.xlane v8, v7;
	v9 =	vadd.s32 v6, v9;
	_ =	sdelay $0x1  }
0x1a6: {  	v8 =	vadd.s32 v6, v8;
	_ =	sdelay $0x2  }
0x1a7: {  	[tilespmem:s22], [sflag:$0x1] =	stream.indirect_vreg.gather [hbm4b:s3+s2], $0x80, v9, vm0, $0xb8;
	[tilespmem:$0x15480] =	vst v63  }
0x1a8: {  	_ = 	snop  }
0x1a9: {  	[tilespmem:s24], [sflag:$0x1] =	stream.indirect_vreg.gather [hbm4b:s3+s2], $0x80, v8, vm0, $0xb8;
	[tilespmem:$0x15480] =	vst v63  }
0x1aa: {  	v8 =	vld [tilespmem:$0x9470];
	_ =	sdelay $0x4  }
0x1ab: {  	v51 =	vshll.u32 v8, $0x1  }
0x1ac: {  	v8 =	vand.u32 $0x7, v8;
	v9 =	vand.u32 $0xFFFFFFF0, v51  }
0x1ad: {  	v8 =	vor.u32 v8, v9  }
0x1ae: {  	v9 =	vperm.xlane v8, v5;
	_ =	sdelay $0x1  }
0x1af: {  	v8 =	vperm.xlane v8, v7;
	v9 =	vadd.s32 v6, v9;
	_ =	sdelay $0x1  }
0x1b0: {  	v8 =	vadd.s32 v6, v8;
	_ =	sdelay $0x2  }
0x1b1: {  	[tilespmem:s8], [sflag:$0x1] =	stream.indirect_vreg.gather [hbm4b:s3+s2], $0x80, v9, vm0, $0xb8;
	[tilespmem:$0x15480] =	vst v63  }
0x1b2: {  	_ = 	snop  }
0x1b3: {  	[tilespmem:s4], [sflag:$0x1] =	stream.indirect_vreg.gather [hbm4b:s3+s2], $0x80, v8, vm0, $0xb8;
	[tilespmem:$0x15480] =	vst v63  }
0x1b4: {  	_ =	swait.ge [sflag:s0], $0x8000  }
0x1b5: {  	[sflag:s0] =	ssyncset.done $0x0  }
0x1b6: {  	s9 =	rddreg [dreg:$0x9];
	[sflag:s0] =	ssyncadd.s32 $0xFFFF8000  }
0x1b7: {  	[hbm4b:s9+s2] =	stream.linear.scatter [tilespmem:s23], [sflag:$0x3], $0x8000, $0x38;
	[tilespmem:$0x15480] =	vst v63  }
0x1b8: {  	_ =	swait.ge [sflag:s26], $0x8000  }
0x1b9: {  	[sflag:s26] =	ssyncset.done $0x0  }
0x1ba: {  	[sflag:s26] =	ssyncadd.s32 $0xFFFF8000  }
0x1bb: {  	[tilespmem:s25], [sflag:$0x2] =	stream.indirect.gather [hbm4b:s6+s11], $0x80, s1, s11, $0xb8;
	[tilespmem:$0x15480] =	vst v63  }
0x1bc: {  	_ =	swait.ge [sflag:s7], $0x4000  }
0x1bd: {  	[sflag:s7] =	ssyncset.done $0x0  }
0x1be: {  	s9 =	rddreg [dreg:$0xa];
	[sflag:s7] =	ssyncadd.s32 $0xFFFFC000  }
0x1bf: {  	[hbm4b:s9+s2] =	stream.linear.scatter [tilespmem:s25], [sflag:$0x3], $0x4000, $0x38;
	[tilespmem:$0x15480] =	vst v63  }
0x1c0: {  	_ =	swait.ge [sflag:s26], $0x4000  }
0x1c1: {  	[sflag:s26] =	ssyncset.done $0x0  }
0x1c2: {  	[sflag:s26] =	ssyncadd.s32 $0xFFFFC000  }
0x1c3: {  	v8 =	vld [tilespmem:$0x9200];
	_ =	sdelay $0x2  }
0x1c4: {  	v52 =	vld [tilespmem:$0x9210]  }
0x1c5: {  	v53 =	vld [tilespmem:$0x9220]  }
0x1c6: {  	v54 =	vld [tilespmem:$0x9230];
	v55 =	vshll.u32 v8, $0x1  }
0x1c7: {  	v56 =	vld [tilespmem:$0x9240];
	v57 =	vand.u32 $0x7, v8;
	v12 =	vand.u32 $0xFFFFFFF0, v55  }
0x1c8: {  	[tilespmem:$0x9400] =	vst v8;
	v8 =	vld [tilespmem:$0x9250];
	v12 =	vor.u32 v57, v12  }
0x1c9: {  	v58 =	vld [tilespmem:$0x9260];
	[tilespmem:$0x9410] =	vst v52;
	v14 =	vperm.xlane v12, v5  }
0x1ca: {  	v59 =	vld [tilespmem:$0x9270];
	[tilespmem:$0x9420] =	vst v53  }
0x1cb: {  	[tilespmem:$0x9430] =	vst v54;
	v12 =	vperm.xlane v12, v7;
	v60 =	vadd.s32 v6, v14  }
0x1cc: {  	[tilespmem:$0x9440] =	vst v56  }
0x1cd: {  	[tilespmem:$0x9450] =	vst v8;
	v8 =	vadd.s32 v6, v12  }
0x1ce: {  	[tilespmem:$0x9460] =	vst v58  }
0x1cf: {  	[tilespmem:$0x9470] =	vst v59  }
0x1d0: {  	[tilespmem:s23], [sflag:$0x1] =	stream.indirect_vreg.gather [hbm4b:s3+s2], $0x80, v60, vm0, $0xb8;
	[tilespmem:$0x15480] =	vst v63  }
0x1d1: {  	_ = 	snop  }
0x1d2: {  	[tilespmem:s10], [sflag:$0x1] =	stream.indirect_vreg.gather [hbm4b:s3+s2], $0x80, v8, vm0, $0xb8;
	[tilespmem:$0x15480] =	vst v63  }
0x1d3: {  	v8 =	vld [tilespmem:$0x9410];
	_ =	sdelay $0x4  }
0x1d4: {  	v61 =	vshll.u32 v8, $0x1  }
0x1d5: {  	v8 =	vand.u32 $0x7, v8;
	v9 =	vand.u32 $0xFFFFFFF0, v61  }
0x1d6: {  	v8 =	vor.u32 v8, v9  }
0x1d7: {  	v9 =	vperm.xlane v8, v5;
	_ =	sdelay $0x1  }
0x1d8: {  	v8 =	vperm.xlane v8, v7;
	v9 =	vadd.s32 v6, v9;
	_ =	sdelay $0x1  }
0x1d9: {  	v8 =	vadd.s32 v6, v8;
	_ =	sdelay $0x2  }
0x1da: {  	[tilespmem:s12], [sflag:$0x1] =	stream.indirect_vreg.gather [hbm4b:s3+s2], $0x80, v9, vm0, $0xb8;
	[tilespmem:$0x15480] =	vst v63  }
0x1db: {  	_ = 	snop  }
0x1dc: {  	[tilespmem:s13], [sflag:$0x1] =	stream.indirect_vreg.gather [hbm4b:s3+s2], $0x80, v8, vm0, $0xb8;
	[tilespmem:$0x15480] =	vst v63  }
0x1dd: {  	v8 =	vld [tilespmem:$0x9420];
	_ =	sdelay $0x4  }
0x1de: {  	v62 =	vshll.u32 v8, $0x1  }
0x1df: {  	v8 =	vand.u32 $0x7, v8;
	v9 =	vand.u32 $0xFFFFFFF0, v62  }
0x1e0: {  	v8 =	vor.u32 v8, v9  }
0x1e1: {  	v9 =	vperm.xlane v8, v5;
	_ =	sdelay $0x1  }
0x1e2: {  	v8 =	vperm.xlane v8, v7;
	v9 =	vadd.s32 v6, v9;
	_ =	sdelay $0x1  }
0x1e3: {  	v8 =	vadd.s32 v6, v8;
	_ =	sdelay $0x2  }
0x1e4: {  	[tilespmem:s14], [sflag:$0x1] =	stream.indirect_vreg.gather [hbm4b:s3+s2], $0x80, v9, vm0, $0xb8;
	[tilespmem:$0x15480] =	vst v63  }
0x1e5: {  	_ = 	snop  }
0x1e6: {  	[tilespmem:s15], [sflag:$0x1] =	stream.indirect_vreg.gather [hbm4b:s3+s2], $0x80, v8, vm0, $0xb8;
	[tilespmem:$0x15480] =	vst v63  }
0x1e7: {  	v8 =	vld [tilespmem:$0x9430];
	_ =	sdelay $0x4  }
0x1e8: {  	v63 =	vshll.u32 v8, $0x1  }
0x1e9: {  	v8 =	vand.u32 $0x7, v8;
	v9 =	vand.u32 $0xFFFFFFF0, v63  }
0x1ea: {  	v8 =	vor.u32 v8, v9  }
0x1eb: {  	v9 =	vperm.xlane v8, v5;
	_ =	sdelay $0x1  }
0x1ec: {  	v8 =	vperm.xlane v8, v7;
	v9 =	vadd.s32 v6, v9;
	_ =	sdelay $0x1  }
0x1ed: {  	v8 =	vadd.s32 v6, v8;
	_ =	sdelay $0x2  }
0x1ee: {  	[tilespmem:s16], [sflag:$0x1] =	stream.indirect_vreg.gather [hbm4b:s3+s2], $0x80, v9, vm0, $0xb8;
	[tilespmem:$0x15480] =	vst v63  }
0x1ef: {  	_ = 	snop  }
0x1f0: {  	[tilespmem:s17], [sflag:$0x1] =	stream.indirect_vreg.gather [hbm4b:s3+s2], $0x80, v8, vm0, $0xb8;
	[tilespmem:$0x15480] =	vst v63  }
0x1f1: {  	v8 =	vld [tilespmem:$0x9440];
	_ =	sdelay $0x4  }
0x1f2: {  	v12 =	vshll.u32 v8, $0x1  }
0x1f3: {  	v8 =	vand.u32 $0x7, v8;
	v9 =	vand.u32 $0xFFFFFFF0, v12  }
0x1f4: {  	v8 =	vor.u32 v8, v9  }
0x1f5: {  	v9 =	vperm.xlane v8, v5;
	_ =	sdelay $0x1  }
0x1f6: {  	v8 =	vperm.xlane v8, v7;
	v9 =	vadd.s32 v6, v9;
	_ =	sdelay $0x1  }
0x1f7: {  	v8 =	vadd.s32 v6, v8;
	_ =	sdelay $0x2  }
0x1f8: {  	[tilespmem:s18], [sflag:$0x1] =	stream.indirect_vreg.gather [hbm4b:s3+s2], $0x80, v9, vm0, $0xb8;
	[tilespmem:$0x15480] =	vst v63  }
0x1f9: {  	_ = 	snop  }
0x1fa: {  	[tilespmem:s19], [sflag:$0x1] =	stream.indirect_vreg.gather [hbm4b:s3+s2], $0x80, v8, vm0, $0xb8;
	[tilespmem:$0x15480] =	vst v63  }
0x1fb: {  	v8 =	vld [tilespmem:$0x9450];
	_ =	sdelay $0x4  }
0x1fc: {  	v13 =	vshll.u32 v8, $0x1  }
0x1fd: {  	v8 =	vand.u32 $0x7, v8;
	v9 =	vand.u32 $0xFFFFFFF0, v13  }
0x1fe: {  	v8 =	vor.u32 v8, v9  }
0x1ff: {  	v9 =	vperm.xlane v8, v5;
	_ =	sdelay $0x1  }
0x200: {  	v8 =	vperm.xlane v8, v7;
	v9 =	vadd.s32 v6, v9;
	_ =	sdelay $0x1  }
0x201: {  	v8 =	vadd.s32 v6, v8;
	_ =	sdelay $0x2  }
0x202: {  	[tilespmem:s20], [sflag:$0x1] =	stream.indirect_vreg.gather [hbm4b:s3+s2], $0x80, v9, vm0, $0xb8;
	[tilespmem:$0x15480] =	vst v63  }
0x203: {  	_ = 	snop  }
0x204: {  	[tilespmem:s21], [sflag:$0x1] =	stream.indirect_vreg.gather [hbm4b:s3+s2], $0x80, v8, vm0, $0xb8;
	[tilespmem:$0x15480] =	vst v63  }
0x205: {  	v8 =	vld [tilespmem:$0x9460];
	_ =	sdelay $0x4  }
0x206: {  	v14 =	vshll.u32 v8, $0x1  }
0x207: {  	v8 =	vand.u32 $0x7, v8;
	v9 =	vand.u32 $0xFFFFFFF0, v14  }
0x208: {  	v8 =	vor.u32 v8, v9  }
0x209: {  	v9 =	vperm.xlane v8, v5;
	_ =	sdelay $0x1  }
0x20a: {  	v8 =	vperm.xlane v8, v7;
	v9 =	vadd.s32 v6, v9;
	_ =	sdelay $0x1  }
0x20b: {  	v8 =	vadd.s32 v6, v8;
	_ =	sdelay $0x2  }
0x20c: {  	[tilespmem:s22], [sflag:$0x1] =	stream.indirect_vreg.gather [hbm4b:s3+s2], $0x80, v9, vm0, $0xb8;
	[tilespmem:$0x15480] =	vst v63  }
0x20d: {  	_ = 	snop  }
0x20e: {  	[tilespmem:s24], [sflag:$0x1] =	stream.indirect_vreg.gather [hbm4b:s3+s2], $0x80, v8, vm0, $0xb8;
	[tilespmem:$0x15480] =	vst v63  }
0x20f: {  	v8 =	vld [tilespmem:$0x9470];
	_ =	sdelay $0x4  }
0x210: {  	v15 =	vshll.u32 v8, $0x1  }
0x211: {  	v8 =	vand.u32 $0x7, v8;
	v9 =	vand.u32 $0xFFFFFFF0, v15  }
0x212: {  	v8 =	vor.u32 v8, v9  }
0x213: {  	v9 =	vperm.xlane v8, v5;
	_ =	sdelay $0x1  }
0x214: {  	v8 =	vperm.xlane v8, v7;
	v9 =	vadd.s32 v6, v9;
	_ =	sdelay $0x1  }
0x215: {  	v8 =	vadd.s32 v6, v8;
	_ =	sdelay $0x2  }
0x216: {  	[tilespmem:s8], [sflag:$0x1] =	stream.indirect_vreg.gather [hbm4b:s3+s2], $0x80, v9, vm0, $0xb8;
	[tilespmem:$0x15480] =	vst v63  }
0x217: {  	_ = 	snop  }
0x218: {  	[tilespmem:s4], [sflag:$0x1] =	stream.indirect_vreg.gather [hbm4b:s3+s2], $0x80, v8, vm0, $0xb8;
	[tilespmem:$0x15480] =	vst v63  }
0x219: {  	_ =	swait.ge [sflag:s0], $0x8000  }
0x21a: {  	[sflag:s0] =	ssyncset.done $0x0  }
0x21b: {  	s9 =	rddreg [dreg:$0xb];
	[sflag:s0] =	ssyncadd.s32 $0xFFFF8000  }
0x21c: {  	[hbm4b:s9+s2] =	stream.linear.scatter [tilespmem:s23], [sflag:$0x3], $0x8000, $0x38;
	[tilespmem:$0x15480] =	vst v63  }
0x21d: {  	_ =	swait.ge [sflag:s26], $0x8000  }
0x21e: {  	[sflag:s26] =	ssyncset.done $0x0  }
0x21f: {  	[sflag:s26] =	ssyncadd.s32 $0xFFFF8000  }
0x220: {  	[tilespmem:s25], [sflag:$0x2] =	stream.indirect.gather [hbm4b:s6+s11], $0x80, s1, s11, $0xb8;
	[tilespmem:$0x15480] =	vst v63  }
0x221: {  	_ =	swait.ge [sflag:s7], $0x4000  }
0x222: {  	[sflag:s7] =	ssyncset.done $0x0  }
0x223: {  	s9 =	rddreg [dreg:$0xc];
	[sflag:s7] =	ssyncadd.s32 $0xFFFFC000  }
0x224: {  	[hbm4b:s9+s2] =	stream.linear.scatter [tilespmem:s25], [sflag:$0x3], $0x4000, $0x38;
	[tilespmem:$0x15480] =	vst v63  }
0x225: {  	_ =	swait.ge [sflag:s26], $0x4000  }
0x226: {  	[sflag:s26] =	ssyncset.done $0x0  }
0x227: {  	[sflag:s26] =	ssyncadd.s32 $0xFFFFC000  }
0x228: {  	v8 =	vld [tilespmem:$0x9280];
	_ =	sdelay $0x2  }
0x229: {  	v16 =	vld [tilespmem:$0x9290]  }
0x22a: {  	v17 =	vld [tilespmem:$0x92A0]  }
0x22b: {  	v18 =	vld [tilespmem:$0x92B0];
	v19 =	vshll.u32 v8, $0x1  }
0x22c: {  	v20 =	vld [tilespmem:$0x92C0];
	v21 =	vand.u32 $0x7, v8;
	v12 =	vand.u32 $0xFFFFFFF0, v19  }
0x22d: {  	[tilespmem:$0x9400] =	vst v8;
	v8 =	vld [tilespmem:$0x92D0];
	v12 =	vor.u32 v21, v12  }
0x22e: {  	v22 =	vld [tilespmem:$0x92E0];
	[tilespmem:$0x9410] =	vst v16;
	v14 =	vperm.xlane v12, v5  }
0x22f: {  	v23 =	vld [tilespmem:$0x92F0];
	[tilespmem:$0x9420] =	vst v17  }
0x230: {  	[tilespmem:$0x9430] =	vst v18;
	v12 =	vperm.xlane v12, v7;
	v24 =	vadd.s32 v6, v14  }
0x231: {  	[tilespmem:$0x9440] =	vst v20  }
0x232: {  	[tilespmem:$0x9450] =	vst v8;
	v8 =	vadd.s32 v6, v12  }
0x233: {  	[tilespmem:$0x9460] =	vst v22  }
0x234: {  	[tilespmem:$0x9470] =	vst v23  }
0x235: {  	[tilespmem:s23], [sflag:$0x1] =	stream.indirect_vreg.gather [hbm4b:s3+s2], $0x80, v24, vm0, $0xb8;
	[tilespmem:$0x15480] =	vst v63  }
0x236: {  	_ = 	snop  }
0x237: {  	[tilespmem:s10], [sflag:$0x1] =	stream.indirect_vreg.gather [hbm4b:s3+s2], $0x80, v8, vm0, $0xb8;
	[tilespmem:$0x15480] =	vst v63  }
0x238: {  	v8 =	vld [tilespmem:$0x9410];
	_ =	sdelay $0x4  }
0x239: {  	v25 =	vshll.u32 v8, $0x1  }
0x23a: {  	v8 =	vand.u32 $0x7, v8;
	v9 =	vand.u32 $0xFFFFFFF0, v25  }
0x23b: {  	v8 =	vor.u32 v8, v9  }
0x23c: {  	v9 =	vperm.xlane v8, v5;
	_ =	sdelay $0x1  }
0x23d: {  	v8 =	vperm.xlane v8, v7;
	v9 =	vadd.s32 v6, v9;
	_ =	sdelay $0x1  }
0x23e: {  	v8 =	vadd.s32 v6, v8;
	_ =	sdelay $0x2  }
0x23f: {  	[tilespmem:s12], [sflag:$0x1] =	stream.indirect_vreg.gather [hbm4b:s3+s2], $0x80, v9, vm0, $0xb8;
	[tilespmem:$0x15480] =	vst v63  }
0x240: {  	_ = 	snop  }
0x241: {  	[tilespmem:s13], [sflag:$0x1] =	stream.indirect_vreg.gather [hbm4b:s3+s2], $0x80, v8, vm0, $0xb8;
	[tilespmem:$0x15480] =	vst v63  }
0x242: {  	v8 =	vld [tilespmem:$0x9420];
	_ =	sdelay $0x4  }
0x243: {  	v26 =	vshll.u32 v8, $0x1  }
0x244: {  	v8 =	vand.u32 $0x7, v8;
	v9 =	vand.u32 $0xFFFFFFF0, v26  }
0x245: {  	v8 =	vor.u32 v8, v9  }
0x246: {  	v9 =	vperm.xlane v8, v5;
	_ =	sdelay $0x1  }
0x247: {  	v8 =	vperm.xlane v8, v7;
	v9 =	vadd.s32 v6, v9;
	_ =	sdelay $0x1  }
0x248: {  	v8 =	vadd.s32 v6, v8;
	_ =	sdelay $0x2  }
0x249: {  	[tilespmem:s14], [sflag:$0x1] =	stream.indirect_vreg.gather [hbm4b:s3+s2], $0x80, v9, vm0, $0xb8;
	[tilespmem:$0x15480] =	vst v63  }
0x24a: {  	_ = 	snop  }
0x24b: {  	[tilespmem:s15], [sflag:$0x1] =	stream.indirect_vreg.gather [hbm4b:s3+s2], $0x80, v8, vm0, $0xb8;
	[tilespmem:$0x15480] =	vst v63  }
0x24c: {  	v8 =	vld [tilespmem:$0x9430];
	_ =	sdelay $0x4  }
0x24d: {  	v27 =	vshll.u32 v8, $0x1  }
0x24e: {  	v8 =	vand.u32 $0x7, v8;
	v9 =	vand.u32 $0xFFFFFFF0, v27  }
0x24f: {  	v8 =	vor.u32 v8, v9  }
0x250: {  	v9 =	vperm.xlane v8, v5;
	_ =	sdelay $0x1  }
0x251: {  	v8 =	vperm.xlane v8, v7;
	v9 =	vadd.s32 v6, v9;
	_ =	sdelay $0x1  }
0x252: {  	v8 =	vadd.s32 v6, v8;
	_ =	sdelay $0x2  }
0x253: {  	[tilespmem:s16], [sflag:$0x1] =	stream.indirect_vreg.gather [hbm4b:s3+s2], $0x80, v9, vm0, $0xb8;
	[tilespmem:$0x15480] =	vst v63  }
0x254: {  	_ = 	snop  }
0x255: {  	[tilespmem:s17], [sflag:$0x1] =	stream.indirect_vreg.gather [hbm4b:s3+s2], $0x80, v8, vm0, $0xb8;
	[tilespmem:$0x15480] =	vst v63  }
0x256: {  	v8 =	vld [tilespmem:$0x9440];
	_ =	sdelay $0x4  }
0x257: {  	v28 =	vshll.u32 v8, $0x1  }
0x258: {  	v8 =	vand.u32 $0x7, v8;
	v9 =	vand.u32 $0xFFFFFFF0, v28  }
0x259: {  	v8 =	vor.u32 v8, v9  }
0x25a: {  	v9 =	vperm.xlane v8, v5;
	_ =	sdelay $0x1  }
0x25b: {  	v8 =	vperm.xlane v8, v7;
	v9 =	vadd.s32 v6, v9;
	_ =	sdelay $0x1  }
0x25c: {  	v8 =	vadd.s32 v6, v8;
	_ =	sdelay $0x2  }
0x25d: {  	[tilespmem:s18], [sflag:$0x1] =	stream.indirect_vreg.gather [hbm4b:s3+s2], $0x80, v9, vm0, $0xb8;
	[tilespmem:$0x15480] =	vst v63  }
0x25e: {  	_ = 	snop  }
0x25f: {  	[tilespmem:s19], [sflag:$0x1] =	stream.indirect_vreg.gather [hbm4b:s3+s2], $0x80, v8, vm0, $0xb8;
	[tilespmem:$0x15480] =	vst v63  }
0x260: {  	v8 =	vld [tilespmem:$0x9450];
	_ =	sdelay $0x4  }
0x261: {  	v29 =	vshll.u32 v8, $0x1  }
0x262: {  	v8 =	vand.u32 $0x7, v8;
	v9 =	vand.u32 $0xFFFFFFF0, v29  }
0x263: {  	v8 =	vor.u32 v8, v9  }
0x264: {  	v9 =	vperm.xlane v8, v5;
	_ =	sdelay $0x1  }
0x265: {  	v8 =	vperm.xlane v8, v7;
	v9 =	vadd.s32 v6, v9;
	_ =	sdelay $0x1  }
0x266: {  	v8 =	vadd.s32 v6, v8;
	_ =	sdelay $0x2  }
0x267: {  	[tilespmem:s20], [sflag:$0x1] =	stream.indirect_vreg.gather [hbm4b:s3+s2], $0x80, v9, vm0, $0xb8;
	[tilespmem:$0x15480] =	vst v63  }
0x268: {  	_ = 	snop  }
0x269: {  	[tilespmem:s21], [sflag:$0x1] =	stream.indirect_vreg.gather [hbm4b:s3+s2], $0x80, v8, vm0, $0xb8;
	[tilespmem:$0x15480] =	vst v63  }
0x26a: {  	v8 =	vld [tilespmem:$0x9460];
	_ =	sdelay $0x4  }
0x26b: {  	v30 =	vshll.u32 v8, $0x1  }
0x26c: {  	v8 =	vand.u32 $0x7, v8;
	v9 =	vand.u32 $0xFFFFFFF0, v30  }
0x26d: {  	v8 =	vor.u32 v8, v9  }
0x26e: {  	v9 =	vperm.xlane v8, v5;
	_ =	sdelay $0x1  }
0x26f: {  	v8 =	vperm.xlane v8, v7;
	v9 =	vadd.s32 v6, v9;
	_ =	sdelay $0x1  }
0x270: {  	v8 =	vadd.s32 v6, v8;
	_ =	sdelay $0x2  }
0x271: {  	[tilespmem:s22], [sflag:$0x1] =	stream.indirect_vreg.gather [hbm4b:s3+s2], $0x80, v9, vm0, $0xb8;
	[tilespmem:$0x15480] =	vst v63  }
0x272: {  	_ = 	snop  }
0x273: {  	[tilespmem:s24], [sflag:$0x1] =	stream.indirect_vreg.gather [hbm4b:s3+s2], $0x80, v8, vm0, $0xb8;
	[tilespmem:$0x15480] =	vst v63  }
0x274: {  	v8 =	vld [tilespmem:$0x9470];
	_ =	sdelay $0x4  }
0x275: {  	v31 =	vshll.u32 v8, $0x1  }
0x276: {  	v8 =	vand.u32 $0x7, v8;
	v9 =	vand.u32 $0xFFFFFFF0, v31  }
0x277: {  	v8 =	vor.u32 v8, v9  }
0x278: {  	v9 =	vperm.xlane v8, v5;
	_ =	sdelay $0x1  }
0x279: {  	v8 =	vperm.xlane v8, v7;
	v9 =	vadd.s32 v6, v9;
	_ =	sdelay $0x1  }
0x27a: {  	v8 =	vadd.s32 v6, v8;
	_ =	sdelay $0x2  }
0x27b: {  	[tilespmem:s8], [sflag:$0x1] =	stream.indirect_vreg.gather [hbm4b:s3+s2], $0x80, v9, vm0, $0xb8;
	[tilespmem:$0x15480] =	vst v63  }
0x27c: {  	_ = 	snop  }
0x27d: {  	[tilespmem:s4], [sflag:$0x1] =	stream.indirect_vreg.gather [hbm4b:s3+s2], $0x80, v8, vm0, $0xb8;
	[tilespmem:$0x15480] =	vst v63  }
0x27e: {  	_ =	swait.ge [sflag:s0], $0x8000  }
0x27f: {  	[sflag:s0] =	ssyncset.done $0x0  }
0x280: {  	s9 =	rddreg [dreg:$0xd];
	[sflag:s0] =	ssyncadd.s32 $0xFFFF8000  }
0x281: {  	[hbm4b:s9+s2] =	stream.linear.scatter [tilespmem:s23], [sflag:$0x3], $0x8000, $0x38;
	[tilespmem:$0x15480] =	vst v63  }
0x282: {  	_ =	swait.ge [sflag:s26], $0x8000  }
0x283: {  	[sflag:s26] =	ssyncset.done $0x0  }
0x284: {  	[sflag:s26] =	ssyncadd.s32 $0xFFFF8000  }
0x285: {  	[tilespmem:s25], [sflag:$0x2] =	stream.indirect.gather [hbm4b:s6+s11], $0x80, s1, s11, $0xb8;
	[tilespmem:$0x15480] =	vst v63  }
0x286: {  	_ =	swait.ge [sflag:s7], $0x4000  }
0x287: {  	[sflag:s7] =	ssyncset.done $0x0  }
0x288: {  	s9 =	rddreg [dreg:$0xe];
	[sflag:s7] =	ssyncadd.s32 $0xFFFFC000  }
0x289: {  	[hbm4b:s9+s2] =	stream.linear.scatter [tilespmem:s25], [sflag:$0x3], $0x4000, $0x38;
	[tilespmem:$0x15480] =	vst v63  }
0x28a: {  	_ =	swait.ge [sflag:s26], $0x4000  }
0x28b: {  	[sflag:s26] =	ssyncset.done $0x0  }
0x28c: {  	[sflag:s26] =	ssyncadd.s32 $0xFFFFC000  }
0x28d: {  	v8 =	vld [tilespmem:$0x9300];
	_ =	sdelay $0x2  }
0x28e: {  	v32 =	vld [tilespmem:$0x9310]  }
0x28f: {  	v33 =	vld [tilespmem:$0x9320]  }
0x290: {  	v34 =	vld [tilespmem:$0x9330];
	v35 =	vshll.u32 v8, $0x1  }
0x291: {  	v36 =	vld [tilespmem:$0x9340];
	v37 =	vand.u32 $0x7, v8;
	v12 =	vand.u32 $0xFFFFFFF0, v35  }
0x292: {  	[tilespmem:$0x9400] =	vst v8;
	v8 =	vld [tilespmem:$0x9350];
	v12 =	vor.u32 v37, v12  }
0x293: {  	v38 =	vld [tilespmem:$0x9360];
	[tilespmem:$0x9410] =	vst v32;
	v14 =	vperm.xlane v12, v5  }
0x294: {  	v39 =	vld [tilespmem:$0x9370];
	[tilespmem:$0x9420] =	vst v33  }
0x295: {  	[tilespmem:$0x9430] =	vst v34;
	v12 =	vperm.xlane v12, v7;
	v40 =	vadd.s32 v6, v14  }
0x296: {  	[tilespmem:$0x9440] =	vst v36  }
0x297: {  	[tilespmem:$0x9450] =	vst v8;
	v8 =	vadd.s32 v6, v12  }
0x298: {  	[tilespmem:$0x9460] =	vst v38  }
0x299: {  	[tilespmem:$0x9470] =	vst v39  }
0x29a: {  	[tilespmem:s23], [sflag:$0x1] =	stream.indirect_vreg.gather [hbm4b:s3+s2], $0x80, v40, vm0, $0xb8;
	[tilespmem:$0x15480] =	vst v63  }
0x29b: {  	_ = 	snop  }
0x29c: {  	[tilespmem:s10], [sflag:$0x1] =	stream.indirect_vreg.gather [hbm4b:s3+s2], $0x80, v8, vm0, $0xb8;
	[tilespmem:$0x15480] =	vst v63  }
0x29d: {  	v8 =	vld [tilespmem:$0x9410];
	_ =	sdelay $0x4  }
0x29e: {  	v41 =	vshll.u32 v8, $0x1  }
0x29f: {  	v8 =	vand.u32 $0x7, v8;
	v9 =	vand.u32 $0xFFFFFFF0, v41  }
0x2a0: {  	v8 =	vor.u32 v8, v9  }
0x2a1: {  	v9 =	vperm.xlane v8, v5;
	_ =	sdelay $0x1  }
0x2a2: {  	v8 =	vperm.xlane v8, v7;
	v9 =	vadd.s32 v6, v9;
	_ =	sdelay $0x1  }
0x2a3: {  	v8 =	vadd.s32 v6, v8;
	_ =	sdelay $0x2  }
0x2a4: {  	[tilespmem:s12], [sflag:$0x1] =	stream.indirect_vreg.gather [hbm4b:s3+s2], $0x80, v9, vm0, $0xb8;
	[tilespmem:$0x15480] =	vst v63  }
0x2a5: {  	_ = 	snop  }
0x2a6: {  	[tilespmem:s13], [sflag:$0x1] =	stream.indirect_vreg.gather [hbm4b:s3+s2], $0x80, v8, vm0, $0xb8;
	[tilespmem:$0x15480] =	vst v63  }
0x2a7: {  	v8 =	vld [tilespmem:$0x9420];
	_ =	sdelay $0x4  }
0x2a8: {  	v42 =	vshll.u32 v8, $0x1  }
0x2a9: {  	v8 =	vand.u32 $0x7, v8;
	v9 =	vand.u32 $0xFFFFFFF0, v42  }
0x2aa: {  	v8 =	vor.u32 v8, v9  }
0x2ab: {  	v9 =	vperm.xlane v8, v5;
	_ =	sdelay $0x1  }
0x2ac: {  	v8 =	vperm.xlane v8, v7;
	v9 =	vadd.s32 v6, v9;
	_ =	sdelay $0x1  }
0x2ad: {  	v8 =	vadd.s32 v6, v8;
	_ =	sdelay $0x2  }
0x2ae: {  	[tilespmem:s14], [sflag:$0x1] =	stream.indirect_vreg.gather [hbm4b:s3+s2], $0x80, v9, vm0, $0xb8;
	[tilespmem:$0x15480] =	vst v63  }
0x2af: {  	_ = 	snop  }
0x2b0: {  	[tilespmem:s15], [sflag:$0x1] =	stream.indirect_vreg.gather [hbm4b:s3+s2], $0x80, v8, vm0, $0xb8;
	[tilespmem:$0x15480] =	vst v63  }
0x2b1: {  	v8 =	vld [tilespmem:$0x9430];
	_ =	sdelay $0x4  }
0x2b2: {  	v43 =	vshll.u32 v8, $0x1  }
0x2b3: {  	v8 =	vand.u32 $0x7, v8;
	v9 =	vand.u32 $0xFFFFFFF0, v43  }
0x2b4: {  	v8 =	vor.u32 v8, v9  }
0x2b5: {  	v9 =	vperm.xlane v8, v5;
	_ =	sdelay $0x1  }
0x2b6: {  	v8 =	vperm.xlane v8, v7;
	v9 =	vadd.s32 v6, v9;
	_ =	sdelay $0x1  }
0x2b7: {  	v8 =	vadd.s32 v6, v8;
	_ =	sdelay $0x2  }
0x2b8: {  	[tilespmem:s16], [sflag:$0x1] =	stream.indirect_vreg.gather [hbm4b:s3+s2], $0x80, v9, vm0, $0xb8;
	[tilespmem:$0x15480] =	vst v63  }
0x2b9: {  	_ = 	snop  }
0x2ba: {  	[tilespmem:s17], [sflag:$0x1] =	stream.indirect_vreg.gather [hbm4b:s3+s2], $0x80, v8, vm0, $0xb8;
	[tilespmem:$0x15480] =	vst v63  }
0x2bb: {  	v8 =	vld [tilespmem:$0x9440];
	_ =	sdelay $0x4  }
0x2bc: {  	v44 =	vshll.u32 v8, $0x1  }
0x2bd: {  	v8 =	vand.u32 $0x7, v8;
	v9 =	vand.u32 $0xFFFFFFF0, v44  }
0x2be: {  	v8 =	vor.u32 v8, v9  }
0x2bf: {  	v9 =	vperm.xlane v8, v5;
	_ =	sdelay $0x1  }
0x2c0: {  	v8 =	vperm.xlane v8, v7;
	v9 =	vadd.s32 v6, v9;
	_ =	sdelay $0x1  }
0x2c1: {  	v8 =	vadd.s32 v6, v8;
	_ =	sdelay $0x2  }
0x2c2: {  	[tilespmem:s18], [sflag:$0x1] =	stream.indirect_vreg.gather [hbm4b:s3+s2], $0x80, v9, vm0, $0xb8;
	[tilespmem:$0x15480] =	vst v63  }
0x2c3: {  	_ = 	snop  }
0x2c4: {  	[tilespmem:s19], [sflag:$0x1] =	stream.indirect_vreg.gather [hbm4b:s3+s2], $0x80, v8, vm0, $0xb8;
	[tilespmem:$0x15480] =	vst v63  }
0x2c5: {  	v8 =	vld [tilespmem:$0x9450];
	_ =	sdelay $0x4  }
0x2c6: {  	v45 =	vshll.u32 v8, $0x1  }
0x2c7: {  	v8 =	vand.u32 $0x7, v8;
	v9 =	vand.u32 $0xFFFFFFF0, v45  }
0x2c8: {  	v8 =	vor.u32 v8, v9  }
0x2c9: {  	v9 =	vperm.xlane v8, v5;
	_ =	sdelay $0x1  }
0x2ca: {  	v8 =	vperm.xlane v8, v7;
	v9 =	vadd.s32 v6, v9;
	_ =	sdelay $0x1  }
0x2cb: {  	v8 =	vadd.s32 v6, v8;
	_ =	sdelay $0x2  }
0x2cc: {  	[tilespmem:s20], [sflag:$0x1] =	stream.indirect_vreg.gather [hbm4b:s3+s2], $0x80, v9, vm0, $0xb8;
	[tilespmem:$0x15480] =	vst v63  }
0x2cd: {  	_ = 	snop  }
0x2ce: {  	[tilespmem:s21], [sflag:$0x1] =	stream.indirect_vreg.gather [hbm4b:s3+s2], $0x80, v8, vm0, $0xb8;
	[tilespmem:$0x15480] =	vst v63  }
0x2cf: {  	v8 =	vld [tilespmem:$0x9460];
	_ =	sdelay $0x4  }
0x2d0: {  	v46 =	vshll.u32 v8, $0x1  }
0x2d1: {  	v8 =	vand.u32 $0x7, v8;
	v9 =	vand.u32 $0xFFFFFFF0, v46  }
0x2d2: {  	v8 =	vor.u32 v8, v9  }
0x2d3: {  	v9 =	vperm.xlane v8, v5;
	_ =	sdelay $0x1  }
0x2d4: {  	v8 =	vperm.xlane v8, v7;
	v9 =	vadd.s32 v6, v9;
	_ =	sdelay $0x1  }
0x2d5: {  	v8 =	vadd.s32 v6, v8;
	_ =	sdelay $0x2  }
0x2d6: {  	[tilespmem:s22], [sflag:$0x1] =	stream.indirect_vreg.gather [hbm4b:s3+s2], $0x80, v9, vm0, $0xb8;
	[tilespmem:$0x15480] =	vst v63  }
0x2d7: {  	_ = 	snop  }
0x2d8: {  	[tilespmem:s24], [sflag:$0x1] =	stream.indirect_vreg.gather [hbm4b:s3+s2], $0x80, v8, vm0, $0xb8;
	[tilespmem:$0x15480] =	vst v63  }
0x2d9: {  	v8 =	vld [tilespmem:$0x9470];
	_ =	sdelay $0x4  }
0x2da: {  	v47 =	vshll.u32 v8, $0x1  }
0x2db: {  	v8 =	vand.u32 $0x7, v8;
	v9 =	vand.u32 $0xFFFFFFF0, v47  }
0x2dc: {  	v8 =	vor.u32 v8, v9  }
0x2dd: {  	v9 =	vperm.xlane v8, v5;
	_ =	sdelay $0x1  }
0x2de: {  	v8 =	vperm.xlane v8, v7;
	v9 =	vadd.s32 v6, v9;
	_ =	sdelay $0x1  }
0x2df: {  	v8 =	vadd.s32 v6, v8;
	_ =	sdelay $0x2  }
0x2e0: {  	[tilespmem:s8], [sflag:$0x1] =	stream.indirect_vreg.gather [hbm4b:s3+s2], $0x80, v9, vm0, $0xb8;
	[tilespmem:$0x15480] =	vst v63  }
0x2e1: {  	_ = 	snop  }
0x2e2: {  	[tilespmem:s4], [sflag:$0x1] =	stream.indirect_vreg.gather [hbm4b:s3+s2], $0x80, v8, vm0, $0xb8;
	[tilespmem:$0x15480] =	vst v63  }
0x2e3: {  	_ =	swait.ge [sflag:s0], $0x8000  }
0x2e4: {  	[sflag:s0] =	ssyncset.done $0x0  }
0x2e5: {  	s9 =	rddreg [dreg:$0xf];
	[sflag:s0] =	ssyncadd.s32 $0xFFFF8000  }
0x2e6: {  	[hbm4b:s9+s2] =	stream.linear.scatter [tilespmem:s23], [sflag:$0x3], $0x8000, $0x38;
	[tilespmem:$0x15480] =	vst v63  }
0x2e7: {  	_ =	swait.ge [sflag:s26], $0x8000  }
0x2e8: {  	[sflag:s26] =	ssyncset.done $0x0  }
0x2e9: {  	[sflag:s26] =	ssyncadd.s32 $0xFFFF8000  }
0x2ea: {  	[tilespmem:s25], [sflag:$0x2] =	stream.indirect.gather [hbm4b:s6+s11], $0x80, s1, s11, $0xb8;
	[tilespmem:$0x15480] =	vst v63  }
0x2eb: {  	_ =	swait.ge [sflag:s7], $0x4000  }
0x2ec: {  	[sflag:s7] =	ssyncset.done $0x0  }
0x2ed: {  	s9 =	rddreg [dreg:$0x10];
	[sflag:s7] =	ssyncadd.s32 $0xFFFFC000  }
0x2ee: {  	[hbm4b:s9+s2] =	stream.linear.scatter [tilespmem:s25], [sflag:$0x3], $0x4000, $0x38;
	[tilespmem:$0x15480] =	vst v63  }
0x2ef: {  	_ =	swait.ge [sflag:s26], $0x4000  }
0x2f0: {  	[sflag:s26] =	ssyncset.done $0x0  }
0x2f1: {  	[sflag:s26] =	ssyncadd.s32 $0xFFFFC000  }
0x2f2: {  	v8 =	vld [tilespmem:$0x9380];
	_ =	sdelay $0x2  }
0x2f3: {  	v48 =	vld [tilespmem:$0x9390]  }
0x2f4: {  	v49 =	vld [tilespmem:$0x93A0]  }
0x2f5: {  	v50 =	vld [tilespmem:$0x93B0];
	v51 =	vshll.u32 v8, $0x1  }
0x2f6: {  	v52 =	vld [tilespmem:$0x93C0];
	v53 =	vand.u32 $0x7, v8;
	v12 =	vand.u32 $0xFFFFFFF0, v51  }
0x2f7: {  	[tilespmem:$0x9400] =	vst v8;
	v8 =	vld [tilespmem:$0x93D0];
	v12 =	vor.u32 v53, v12  }
0x2f8: {  	v54 =	vld [tilespmem:$0x93E0];
	[tilespmem:$0x9410] =	vst v48;
	v14 =	vperm.xlane v12, v5  }
0x2f9: {  	v55 =	vld [tilespmem:$0x93F0];
	[tilespmem:$0x9420] =	vst v49  }
0x2fa: {  	[tilespmem:$0x9430] =	vst v50;
	v12 =	vperm.xlane v12, v7;
	v56 =	vadd.s32 v6, v14  }
0x2fb: {  	[tilespmem:$0x9440] =	vst v52  }
0x2fc: {  	[tilespmem:$0x9450] =	vst v8;
	v8 =	vadd.s32 v6, v12  }
0x2fd: {  	[tilespmem:$0x9460] =	vst v54  }
0x2fe: {  	[tilespmem:$0x9470] =	vst v55  }
0x2ff: {  	[tilespmem:s23], [sflag:$0x1] =	stream.indirect_vreg.gather [hbm4b:s3+s2], $0x80, v56, vm0, $0xb8;
	[tilespmem:$0x15480] =	vst v63  }
0x300: {  	_ = 	snop  }
0x301: {  	[tilespmem:s10], [sflag:$0x1] =	stream.indirect_vreg.gather [hbm4b:s3+s2], $0x80, v8, vm0, $0xb8;
	[tilespmem:$0x15480] =	vst v63  }
0x302: {  	v8 =	vld [tilespmem:$0x9410];
	_ =	sdelay $0x4  }
0x303: {  	v57 =	vshll.u32 v8, $0x1  }
0x304: {  	v8 =	vand.u32 $0x7, v8;
	v9 =	vand.u32 $0xFFFFFFF0, v57  }
0x305: {  	v8 =	vor.u32 v8, v9  }
0x306: {  	v9 =	vperm.xlane v8, v5;
	_ =	sdelay $0x1  }
0x307: {  	v8 =	vperm.xlane v8, v7;
	v9 =	vadd.s32 v6, v9;
	_ =	sdelay $0x1  }
0x308: {  	v8 =	vadd.s32 v6, v8;
	_ =	sdelay $0x2  }
0x309: {  	[tilespmem:s12], [sflag:$0x1] =	stream.indirect_vreg.gather [hbm4b:s3+s2], $0x80, v9, vm0, $0xb8;
	[tilespmem:$0x15480] =	vst v63  }
0x30a: {  	_ = 	snop  }
0x30b: {  	[tilespmem:s13], [sflag:$0x1] =	stream.indirect_vreg.gather [hbm4b:s3+s2], $0x80, v8, vm0, $0xb8;
	[tilespmem:$0x15480] =	vst v63  }
0x30c: {  	v8 =	vld [tilespmem:$0x9420];
	_ =	sdelay $0x4  }
0x30d: {  	v58 =	vshll.u32 v8, $0x1  }
0x30e: {  	v8 =	vand.u32 $0x7, v8;
	v9 =	vand.u32 $0xFFFFFFF0, v58  }
0x30f: {  	v8 =	vor.u32 v8, v9  }
0x310: {  	v9 =	vperm.xlane v8, v5;
	_ =	sdelay $0x1  }
0x311: {  	v8 =	vperm.xlane v8, v7;
	v9 =	vadd.s32 v6, v9;
	_ =	sdelay $0x1  }
0x312: {  	v8 =	vadd.s32 v6, v8;
	_ =	sdelay $0x2  }
0x313: {  	[tilespmem:s14], [sflag:$0x1] =	stream.indirect_vreg.gather [hbm4b:s3+s2], $0x80, v9, vm0, $0xb8;
	[tilespmem:$0x15480] =	vst v63  }
0x314: {  	_ = 	snop  }
0x315: {  	[tilespmem:s15], [sflag:$0x1] =	stream.indirect_vreg.gather [hbm4b:s3+s2], $0x80, v8, vm0, $0xb8;
	[tilespmem:$0x15480] =	vst v63  }
0x316: {  	v8 =	vld [tilespmem:$0x9430];
	_ =	sdelay $0x4  }
0x317: {  	v59 =	vshll.u32 v8, $0x1  }
0x318: {  	v8 =	vand.u32 $0x7, v8;
	v9 =	vand.u32 $0xFFFFFFF0, v59  }
0x319: {  	v8 =	vor.u32 v8, v9  }
0x31a: {  	v9 =	vperm.xlane v8, v5;
	_ =	sdelay $0x1  }
0x31b: {  	v8 =	vperm.xlane v8, v7;
	v9 =	vadd.s32 v6, v9;
	_ =	sdelay $0x1  }
0x31c: {  	v8 =	vadd.s32 v6, v8;
	_ =	sdelay $0x2  }
0x31d: {  	[tilespmem:s16], [sflag:$0x1] =	stream.indirect_vreg.gather [hbm4b:s3+s2], $0x80, v9, vm0, $0xb8;
	[tilespmem:$0x15480] =	vst v63  }
0x31e: {  	_ = 	snop  }
0x31f: {  	[tilespmem:s17], [sflag:$0x1] =	stream.indirect_vreg.gather [hbm4b:s3+s2], $0x80, v8, vm0, $0xb8;
	[tilespmem:$0x15480] =	vst v63  }
0x320: {  	v8 =	vld [tilespmem:$0x9440];
	_ =	sdelay $0x4  }
0x321: {  	v60 =	vshll.u32 v8, $0x1  }
0x322: {  	v8 =	vand.u32 $0x7, v8;
	v9 =	vand.u32 $0xFFFFFFF0, v60  }
0x323: {  	v8 =	vor.u32 v8, v9  }
0x324: {  	v9 =	vperm.xlane v8, v5;
	_ =	sdelay $0x1  }
0x325: {  	v8 =	vperm.xlane v8, v7;
	v9 =	vadd.s32 v6, v9;
	_ =	sdelay $0x1  }
0x326: {  	v8 =	vadd.s32 v6, v8;
	_ =	sdelay $0x2  }
0x327: {  	[tilespmem:s18], [sflag:$0x1] =	stream.indirect_vreg.gather [hbm4b:s3+s2], $0x80, v9, vm0, $0xb8;
	[tilespmem:$0x15480] =	vst v63  }
0x328: {  	_ = 	snop  }
0x329: {  	[tilespmem:s19], [sflag:$0x1] =	stream.indirect_vreg.gather [hbm4b:s3+s2], $0x80, v8, vm0, $0xb8;
	[tilespmem:$0x15480] =	vst v63  }
0x32a: {  	v8 =	vld [tilespmem:$0x9450];
	_ =	sdelay $0x4  }
0x32b: {  	v61 =	vshll.u32 v8, $0x1  }
0x32c: {  	v8 =	vand.u32 $0x7, v8;
	v9 =	vand.u32 $0xFFFFFFF0, v61  }
0x32d: {  	v8 =	vor.u32 v8, v9  }
0x32e: {  	v9 =	vperm.xlane v8, v5;
	_ =	sdelay $0x1  }
0x32f: {  	v8 =	vperm.xlane v8, v7;
	v9 =	vadd.s32 v6, v9;
	_ =	sdelay $0x1  }
0x330: {  	v8 =	vadd.s32 v6, v8;
	_ =	sdelay $0x2  }
0x331: {  	[tilespmem:s20], [sflag:$0x1] =	stream.indirect_vreg.gather [hbm4b:s3+s2], $0x80, v9, vm0, $0xb8;
	[tilespmem:$0x15480] =	vst v63  }
0x332: {  	_ = 	snop  }
0x333: {  	[tilespmem:s21], [sflag:$0x1] =	stream.indirect_vreg.gather [hbm4b:s3+s2], $0x80, v8, vm0, $0xb8;
	[tilespmem:$0x15480] =	vst v63  }
0x334: {  	v8 =	vld [tilespmem:$0x9460];
	_ =	sdelay $0x4  }
0x335: {  	v62 =	vshll.u32 v8, $0x1  }
0x336: {  	v8 =	vand.u32 $0x7, v8;
	v9 =	vand.u32 $0xFFFFFFF0, v62  }
0x337: {  	v8 =	vor.u32 v8, v9  }
0x338: {  	v9 =	vperm.xlane v8, v5;
	_ =	sdelay $0x1  }
0x339: {  	v8 =	vperm.xlane v8, v7;
	v9 =	vadd.s32 v6, v9;
	_ =	sdelay $0x1  }
0x33a: {  	v8 =	vadd.s32 v6, v8;
	_ =	sdelay $0x2  }
0x33b: {  	[tilespmem:s22], [sflag:$0x1] =	stream.indirect_vreg.gather [hbm4b:s3+s2], $0x80, v9, vm0, $0xb8;
	[tilespmem:$0x15480] =	vst v63  }
0x33c: {  	_ = 	snop  }
0x33d: {  	[tilespmem:s24], [sflag:$0x1] =	stream.indirect_vreg.gather [hbm4b:s3+s2], $0x80, v8, vm0, $0xb8;
	[tilespmem:$0x15480] =	vst v63  }
0x33e: {  	v8 =	vld [tilespmem:$0x9470];
	_ =	sdelay $0x4  }
0x33f: {  	v63 =	vshll.u32 v8, $0x1  }
0x340: {  	v8 =	vand.u32 $0x7, v8;
	v9 =	vand.u32 $0xFFFFFFF0, v63  }
0x341: {  	v8 =	vor.u32 v8, v9  }
0x342: {  	v9 =	vperm.xlane v8, v5;
	_ =	sdelay $0x1  }
0x343: {  	v8 =	vperm.xlane v8, v7;
	v9 =	vadd.s32 v6, v9;
	_ =	sdelay $0x1  }
0x344: {  	v8 =	vadd.s32 v6, v8;
	_ =	sdelay $0x2  }
0x345: {  	[tilespmem:s8], [sflag:$0x1] =	stream.indirect_vreg.gather [hbm4b:s3+s2], $0x80, v9, vm0, $0xb8;
	[tilespmem:$0x15480] =	vst v63  }
0x346: {  	_ = 	snop  }
0x347: {  	[tilespmem:s4], [sflag:$0x1] =	stream.indirect_vreg.gather [hbm4b:s3+s2], $0x80, v8, vm0, $0xb8;
	[tilespmem:$0x15480] =	vst v63  }
0x348: {  	_ =	swait.ge [sflag:s0], $0x8000  }
0x349: {  	[sflag:s0] =	ssyncset.done $0x0  }
0x34a: {  	s20 =	rddreg [dreg:$0x11];
	[sflag:s0] =	ssyncadd.s32 $0xFFFF8000  }
0x34b: {  	[hbm4b:s20+s2] =	stream.linear.scatter [tilespmem:s23], [sflag:$0x3], $0x8000, $0x38;
	[tilespmem:$0x15480] =	vst v63  }
0x34c: {  	_ =	swait.ge [sflag:s26], $0x8000  }
0x34d: {  	[sflag:s26] =	ssyncset.done $0x0  }
0x34e: {  	[sflag:s26] =	ssyncadd.s32 $0xFFFF8000  }
0x34f: {  	[tilespmem:s25], [sflag:$0x2] =	stream.indirect.gather [hbm4b:s6+s11], $0x80, s1, s11, $0xb8;
	[tilespmem:$0x15480] =	vst v63  }
0x350: {  	_ =	swait.ge [sflag:s7], $0x4000  }
0x351: {  	[sflag:s7] =	ssyncset.done $0x0  }
0x352: {  	s21 =	rddreg [dreg:$0x12];
	[sflag:s7] =	ssyncadd.s32 $0xFFFFC000  }
0x353: {  	[hbm4b:s21+s2] =	stream.linear.scatter [tilespmem:s25], [sflag:$0x3], $0x4000, $0x38;
	[tilespmem:$0x15480] =	vst v63  }
0x354: {  	_ =	swait.ge [sflag:s26], $0x4000  }
0x355: {  	s22 =	rddreg [dreg:$0x17]  }
0x356: {  	s24 =	rddreg [dreg:$0x14];
	s6 =	sadd.s32 $0x1, s22  }
0x357: {  	p0 =	sne.s32 s6, s24  }
.Ltmp2:
0x358: {  	_ = 	snop;
	(pc) =	sbr.rel @!p0 .LBB2_57-.Ltmp2, $3  }
0x359: {  	_ =	sdelay $0x1  }
0x35a: {  	[sflag:s26] =	ssyncset.done $0x0  }
0x35b: {  	s4 =	simm.s32 $0x8800;
	s1 =	simm.s32 $0x8400;
	[sflag:s26] =	ssyncadd.s32 $0xFFFFC000  }
.LBB2_2:
0x35c: {  	s9 =	simm.s32 $0x0;
	s10 =	rddreg [dreg:$0x13];
	s12 =	simm.s32 $0x200  }
0x35d: {  	[tilespmem:s9], [sflag:$0x3] =	stream.strided.gather [hbm4b:s10+s11], $0x3400, s12, s11, $0x38;
	[tilespmem:$0x15480] =	vst v63  }
0x35e: {  	_ =	swait.ge [sflag:s26], $0x3400  }
0x35f: {  	[sflag:s26] =	ssyncset.done $0x0  }
0x360: {  	s10 =	simm.s32 $0x40;
	s11 =	simm.s32 $0x0;
	[sflag:s26] =	ssyncadd.s32 $0xFFFFCC00  }
.LBB2_3:
0x361: {  	p0 =	sne.s32 s10, $0x3FC0;
	[tilespmem:s11+$0x6800] =	vst v2;
	s11 =	smov.u32 s10;
	s10 =	sadd.s32 $0x40, s10  }
.Ltmp3:
0x362: {  	(pc) =	sbr.rel @p0 .LBB2_3-.Ltmp3, $2  }
0x363: {  	_ =	sdelay $0x2  }
0x364: {  	s11 =	sshra.s32 s11, $0x2  }
0x365: {  	[tilespmem:s11+$0x6800] =	vst v2  }
.LBB2_5:
0x366: {  	s10 =	sshra.s32 s9, $0x2  }
0x367: {  	v8 =	vld [tilespmem:s10+$0x0];
	_ =	sdelay $0x4  }
0x368: {  	v9 =	vshra.s32 v8, $0x1F  }
0x369: {  	v9 =	vand.u32 $0x7FFFFFFF, v9  }
0x36a: {  	v8 =	vxor.u32 v8, v9  }
0x36b: {  	v9 =	vshra.s32 v8, $0x14  }
0x36c: {  	v9 =	vand.u32 $0xFFFFFFF0, v9  }
0x36d: {  	p0 =	sne.s32 s9, $0xCFC0;
	v9 =	vadd.s32 v3, v9  }
.Ltmp4:
0x36e: {  	_ = 	snop;
	(pc) =	sbr.rel @p0 .LBB2_5-.Ltmp4, $3  }
0x36f: {  	_ =	sdelay $0x1  }
0x370: {  	[tilespmem:s10+$0x3400] =	vst v8  }
0x371: {  	s9 =	sadd.s32 $0x40, s9;
	[tilespmem:v9+s28+$0x0] =	vst.idx.add.s32.msk $0xffff, v4  }
0x372: {  	s9 =	simm.s32 $0x77F0  }
0x373: {  	v8 =	vld [tilespmem:s9+$0x0];
	_ =	sdelay $0x4  }
0x374: {  	(xrf0) =	vadd.scan.msk.s32 $0xffff, v8;
	_ =	sdelay $0x5  }
0x375: {  	v8, _, _ =	vpop (xrf0)  }
0x376: {  	(v2sf) =	vpush v8, $0xF;
	_ =	sdelay $0x1  }
0x377: {  	s21 =	simm.s32 $0x77E0  }
0x378: {  	v8 =	vld [tilespmem:s21+$0x0];
	_ =	sdelay $0x2  }
0x379: {  	s22 =	simm.s32 $0x77D0  }
0x37a: {  	v9 =	vld [tilespmem:s22+$0x0]  }
0x37b: {  	(xrf0) =	vadd.scan.msk.s32 $0xffff, v8;
	_ =	sdelay $0x3  }
0x37c: {  	(xrf0) =	vadd.scan.msk.s32 $0xffff, v9;
	_ =	sdelay $0x1  }
0x37d: {  	v9, _, _ =	vpop (xrf0)  }
0x37e: {  	s11 =	spop (v2sf);
	(v2sf) =	vpush v9, $0xF  }
0x37f: {  	s24 =	simm.s32 $0x77C0  }
0x380: {  	v8 =	vld [tilespmem:s24+$0x0]  }
0x381: {  	v9, _, _ =	vpop (xrf0)  }
0x382: {  	(v2sf) =	vpush v9, $0xF;
	_ =	sdelay $0x2  }
0x383: {  	s10 =	simm.s32 $0xFFFFFFFF;
	s16 =	simm.s32 $0xFF;
	s15 =	simm.s32 $0xFE;
	(xrf0) =	vadd.scan.msk.s32 $0xffff, v8  }
0x384: {  	s14 =	simm.s32 $0xFD;
	s18 =	simm.s32 $0x77B0;
	s12 =	sadd.s32 $0x0, s11  }
0x385: {  	s13 =	simm.s32 $0xFC;
	p0 =	por $0x1, $0x1;
	v8 =	vld [tilespmem:s18+$0x0];
	p1 =	sgt.s32 s12, $0x383  }
0x386: {  	s19 =	simm.s32 $0xFA;
	s17 =	simm.s32 $0x0;
	p0 =	por !p0, !p1  }
0x387: {  	s9 =	simm.s32 $0x0;
	s11 =	simm.s32 $0xFB;
	p0 =	por !p0, !p0  }
.LBB2_7:
0x388: {  	p1 =	seq.s32 s19, $0x0;
	s10 =	smov.u32 @p0 s16;
	s9 =	smov.u32 @p0 s17  }
0x389: {  	v9, _, _ =	vpop (xrf0);
	s16 =	smov.u32 s15;
	s15 =	smov.u32 s14;
	s14 =	smov.u32 s13  }
0x38a: {  	s13 =	smov.u32 s11;
	s11 =	smov.u32 s19;
	s19 =	sadd.s32 $0xFFFFFFFF, s19;
	(xrf0) =	vadd.scan.msk.s32 $0xffff, v8;
	(v2sf) =	vpush v9, $0xF  }
.Ltmp5:
0x38b: {  	s18 =	sadd.s32 $0xFFFFFFF0, s18;
	s20 =	spop (v2sf);
	(pc) =	sbr.rel @!p1 .LBB2_7-.Ltmp5, $4  }
0x38c: {  	s17 =	smov.u32 s12;
	v8 =	vld [tilespmem:s18+$0x0];
	s12 =	sadd.s32 s12, s20  }
0x38d: {  	p0 =	slt.s32 s10, $0x0;
	p2 =	sgt.s32 s12, $0x383  }
0x38e: {  	p0 =	por !p0, !p2  }
0x38f: {  	p0 =	por !p0, !p0  }
0x390: {  	_ = 	snop  }
0x391: {  	(xrf0) =	vadd.scan.msk.s32 $0xffff, v8;
	_ =	sdelay $0x1  }
0x392: {  	v8, _, _ =	vpop (xrf0)  }
0x393: {  	(v2sf) =	vpush v8, $0xF;
	_ =	sdelay $0x2  }
0x394: {  	v8, _, _ =	vpop (xrf0)  }
0x395: {  	(v2sf) =	vpush v8, $0xF;
	_ =	sdelay $0x2  }
0x396: {  	s18 =	spop (v2sf)  }
0x397: {  	s10 =	smov.u32 @p0 s16;
	s16 =	sadd.s32 s12, s18  }
0x398: {  	p1 =	slt.s32 s10, $0x0;
	p2 =	sgt.s32 s16, $0x383  }
0x399: {  	p1 =	por !p1, !p2  }
0x39a: {  	p1 =	por !p1, !p1;
	s20 =	spop (v2sf)  }
0x39b: {  	s10 =	smov.u32 @p1 s15;
	s15 =	sadd.s32 s16, s20  }
0x39c: {  	p5 =	slt.s32 s10, $0x0;
	p3 =	sgt.s32 s15, $0x383  }
0x39d: {  	p2 =	por !p5, !p3  }
0x39e: {  	p2 =	por !p2, !p2;
	s21 =	spop (v2sf)  }
0x39f: {  	s10 =	smov.u32 @p2 s14;
	s14 =	sadd.s32 s15, s21  }
0x3a0: {  	p6 =	slt.s32 s10, $0x0;
	p4 =	sgt.s32 s14, $0x383  }
0x3a1: {  	p3 =	por !p6, !p4  }
0x3a2: {  	p3 =	por !p3, !p3;
	s22 =	spop (v2sf)  }
0x3a3: {  	s9 =	smov.u32 @p0 s17;
	s10 =	smov.u32 @p3 s13;
	s24 =	sadd.s32 s14, s22  }
0x3a4: {  	s9 =	smov.u32 @p1 s12;
	p5 =	slt.s32 s10, $0x0;
	p6 =	sgt.s32 s24, $0x383  }
0x3a5: {  	s9 =	smov.u32 @p2 s16;
	p0 =	por !p5, !p6  }
0x3a6: {  	s12 =	simm.s32 $0x0;
	s9 =	smov.u32 @p3 s15;
	p0 =	por !p0, !p0  }
0x3a7: {  	s10 =	smov.u32 @p0 s11;
	s9 =	smov.u32 @p0 s14;
	s11 =	simm.s32 $0x40  }
.LBB2_9:
0x3a8: {  	p0 =	seq.s32 s11, $0x3FC0;
	[tilespmem:s12+$0x6800] =	vst v2;
	s12 =	smov.u32 s11;
	s11 =	sadd.s32 $0x40, s11  }
.Ltmp6:
0x3a9: {  	(pc) =	sbr.rel @!p0 .LBB2_9-.Ltmp6, $2  }
0x3aa: {  	_ =	sdelay $0x2  }
0x3ab: {  	s12 =	sshra.s32 s12, $0x2  }
0x3ac: {  	s10 =	sshll.u32 s10, $0x18  }
0x3ad: {  	s10 =	sxor.u32 $0x80000000, s10  }
0x3ae: {  	[tilespmem:s12+$0x6800] =	vst v2;
	s12 =	simm.s32 $0x0;
	s11 =	simm.s32 $0x40;
	v8 =	vmov s10  }
.LBB2_11:
0x3af: {  	p0 =	sne.s32 s11, $0xCFC0;
	v9 =	vld [tilespmem:s12+$0x3400];
	_ =	sdelay $0x4  }
0x3b0: {  	v10 =	vand.u32 $0xFF000000, v9;
	v9 =	vshrl.u32 v9, $0xC  }
0x3b1: {  	vm1 =	veq.s32 v10, v8;
	v9 =	vand.u32 $0xFF0, v9  }
0x3b2: {  	v9 =	vor.u32 v0, v9  }
.Ltmp7:
0x3b3: {  	(pc) =	sbr.rel @p0 .LBB2_11-.Ltmp7, $2  }
0x3b4: {  	_ =	sdelay $0x2  }
0x3b5: {  	s12 =	sshra.s32 s11, $0x2;
	s11 =	sadd.s32 $0x40, s11;
	[tilespmem:v9+s28+$0x0] =	vst.idx.add.s32.msk vm1, v4  }
0x3b6: {  	v9 =	vld [tilespmem:s12+$0x3400];
	_ =	sdelay $0x4  }
0x3b7: {  	v10 =	vand.u32 $0xFF000000, v9;
	v9 =	vshrl.u32 v9, $0xC  }
0x3b8: {  	vm1 =	veq.s32 v10, v8;
	v8 =	vand.u32 $0xFF0, v9  }
0x3b9: {  	v8 =	vor.u32 v0, v8;
	_ =	sdelay $0x4  }
0x3ba: {  	s11 =	simm.s32 $0x77F0;
	[tilespmem:v8+s28+$0x0] =	vst.idx.add.s32.msk vm1, v4  }
0x3bb: {  	v8 =	vld [tilespmem:s11+$0x0];
	_ =	sdelay $0x4  }
0x3bc: {  	(xrf0) =	vadd.scan.msk.s32 $0xffff, v8;
	_ =	sdelay $0x5  }
0x3bd: {  	v8, _, _ =	vpop (xrf0)  }
0x3be: {  	(v2sf) =	vpush v8, $0xF;
	_ =	sdelay $0x1  }
0x3bf: {  	s21 =	simm.s32 $0x77E0  }
0x3c0: {  	v8 =	vld [tilespmem:s21+$0x0];
	_ =	sdelay $0x2  }
0x3c1: {  	s22 =	simm.s32 $0x77D0  }
0x3c2: {  	v9 =	vld [tilespmem:s22+$0x0]  }
0x3c3: {  	(xrf0) =	vadd.scan.msk.s32 $0xffff, v8;
	_ =	sdelay $0x3  }
0x3c4: {  	(xrf0) =	vadd.scan.msk.s32 $0xffff, v9;
	_ =	sdelay $0x1  }
0x3c5: {  	v9, _, _ =	vpop (xrf0)  }
0x3c6: {  	s14 =	spop (v2sf);
	(v2sf) =	vpush v9, $0xF  }
0x3c7: {  	s24 =	simm.s32 $0x77C0  }
0x3c8: {  	v8 =	vld [tilespmem:s24+$0x0]  }
0x3c9: {  	v9, _, _ =	vpop (xrf0)  }
0x3ca: {  	(v2sf) =	vpush v9, $0xF;
	_ =	sdelay $0x1  }
0x3cb: {  	s13 =	ssub.s32 $0x384, s9  }
0x3cc: {  	s12 =	simm.s32 $0xFFFFFFFF;
	s19 =	simm.s32 $0xFF;
	s18 =	simm.s32 $0xFE;
	(xrf0) =	vadd.scan.msk.s32 $0xffff, v8  }
0x3cd: {  	s17 =	simm.s32 $0xFD;
	s21 =	simm.s32 $0x77B0;
	s15 =	sadd.s32 $0x0, s14  }
0x3ce: {  	s16 =	simm.s32 $0xFC;
	p0 =	por $0x1, $0x1;
	v8 =	vld [tilespmem:s21+$0x0];
	p1 =	sge.s32 s15, s13  }
0x3cf: {  	s20 =	simm.s32 $0x0;
	s11 =	simm.s32 $0x0;
	p0 =	por !p0, !p1  }
0x3d0: {  	s22 =	simm.s32 $0xFA;
	s14 =	simm.s32 $0xFB;
	p0 =	por !p0, !p0  }
.LBB2_13:
0x3d1: {  	p1 =	seq.s32 s22, $0x0;
	s12 =	smov.u32 @p0 s19;
	s11 =	smov.u32 @p0 s20  }
0x3d2: {  	v9, _, _ =	vpop (xrf0);
	s19 =	smov.u32 s18;
	s18 =	smov.u32 s17;
	s17 =	smov.u32 s16  }
0x3d3: {  	s16 =	smov.u32 s14;
	s14 =	smov.u32 s22;
	s22 =	sadd.s32 $0xFFFFFFFF, s22;
	(xrf0) =	vadd.scan.msk.s32 $0xffff, v8;
	(v2sf) =	vpush v9, $0xF  }
.Ltmp8:
0x3d4: {  	s21 =	sadd.s32 $0xFFFFFFF0, s21;
	s24 =	spop (v2sf);
	(pc) =	sbr.rel @!p1 .LBB2_13-.Ltmp8, $4  }
0x3d5: {  	s20 =	smov.u32 s15;
	v8 =	vld [tilespmem:s21+$0x0];
	s15 =	sadd.s32 s15, s24  }
0x3d6: {  	p0 =	slt.s32 s12, $0x0;
	p2 =	sge.s32 s15, s13  }
0x3d7: {  	p0 =	por !p0, !p2  }
0x3d8: {  	p0 =	por !p0, !p0  }
0x3d9: {  	_ = 	snop  }
0x3da: {  	(xrf0) =	vadd.scan.msk.s32 $0xffff, v8;
	_ =	sdelay $0x1  }
0x3db: {  	v8, _, _ =	vpop (xrf0)  }
0x3dc: {  	(v2sf) =	vpush v8, $0xF;
	_ =	sdelay $0x2  }
0x3dd: {  	v8, _, _ =	vpop (xrf0)  }
0x3de: {  	(v2sf) =	vpush v8, $0xF;
	_ =	sdelay $0x2  }
0x3df: {  	s21 =	spop (v2sf)  }
0x3e0: {  	s12 =	smov.u32 @p0 s19;
	s19 =	sadd.s32 s15, s21  }
0x3e1: {  	p1 =	slt.s32 s12, $0x0;
	p2 =	sge.s32 s19, s13  }
0x3e2: {  	p1 =	por !p1, !p2  }
0x3e3: {  	p1 =	por !p1, !p1;
	s22 =	spop (v2sf)  }
0x3e4: {  	s12 =	smov.u32 @p1 s18;
	s18 =	sadd.s32 s19, s22  }
0x3e5: {  	p5 =	slt.s32 s12, $0x0;
	p3 =	sge.s32 s18, s13  }
0x3e6: {  	p2 =	por !p5, !p3  }
0x3e7: {  	p2 =	por !p2, !p2;
	s24 =	spop (v2sf)  }
0x3e8: {  	s12 =	smov.u32 @p2 s17;
	s17 =	sadd.s32 s18, s24  }
0x3e9: {  	p6 =	slt.s32 s12, $0x0;
	p4 =	sge.s32 s17, s13  }
0x3ea: {  	p3 =	por !p6, !p4  }
0x3eb: {  	p3 =	por !p3, !p3;
	s22 =	spop (v2sf)  }
0x3ec: {  	s11 =	smov.u32 @p0 s20;
	s12 =	smov.u32 @p3 s16;
	s24 =	sadd.s32 s17, s22  }
0x3ed: {  	s11 =	smov.u32 @p1 s15;
	p5 =	slt.s32 s12, $0x0;
	p6 =	sge.s32 s24, s13  }
0x3ee: {  	s11 =	smov.u32 @p2 s19;
	p0 =	por !p5, !p6  }
0x3ef: {  	s11 =	smov.u32 @p3 s18;
	s13 =	simm.s32 $0x40;
	p0 =	por !p0, !p0  }
0x3f0: {  	s12 =	smov.u32 @p0 s14;
	s11 =	smov.u32 @p0 s17;
	s14 =	simm.s32 $0x0  }
.LBB2_15:
0x3f1: {  	p0 =	seq.s32 s13, $0x3FC0;
	[tilespmem:s14+$0x6800] =	vst v2;
	s14 =	smov.u32 s13;
	s13 =	sadd.s32 $0x40, s13  }
.Ltmp9:
0x3f2: {  	(pc) =	sbr.rel @!p0 .LBB2_15-.Ltmp9, $2  }
0x3f3: {  	_ =	sdelay $0x2  }
0x3f4: {  	s14 =	sshra.s32 s14, $0x2  }
0x3f5: {  	s12 =	sshll.u32 s12, $0x10  }
0x3f6: {  	s10 =	sor.u32 s10, s12  }
0x3f7: {  	[tilespmem:s14+$0x6800] =	vst v2;
	s13 =	simm.s32 $0x0;
	s12 =	simm.s32 $0x40;
	v8 =	vmov s10  }
.LBB2_17:
0x3f8: {  	p0 =	sne.s32 s12, $0xCFC0;
	v9 =	vld [tilespmem:s13+$0x3400];
	_ =	sdelay $0x4  }
0x3f9: {  	v10 =	vand.u32 $0xFFFF0000, v9;
	v9 =	vshrl.u32 v9, $0x4  }
0x3fa: {  	vm1 =	veq.s32 v10, v8;
	v9 =	vand.u32 $0xFF0, v9  }
0x3fb: {  	v9 =	vor.u32 v0, v9  }
.Ltmp10:
0x3fc: {  	(pc) =	sbr.rel @p0 .LBB2_17-.Ltmp10, $2  }
0x3fd: {  	_ =	sdelay $0x2  }
0x3fe: {  	s13 =	sshra.s32 s12, $0x2;
	s12 =	sadd.s32 $0x40, s12;
	[tilespmem:v9+s28+$0x0] =	vst.idx.add.s32.msk vm1, v4  }
0x3ff: {  	v9 =	vld [tilespmem:s13+$0x3400];
	_ =	sdelay $0x4  }
0x400: {  	v10 =	vand.u32 $0xFFFF0000, v9;
	v9 =	vshrl.u32 v9, $0x4  }
0x401: {  	vm1 =	veq.s32 v10, v8;
	v8 =	vand.u32 $0xFF0, v9  }
0x402: {  	v8 =	vor.u32 v0, v8;
	_ =	sdelay $0x4  }
0x403: {  	s12 =	simm.s32 $0x77F0;
	[tilespmem:v8+s28+$0x0] =	vst.idx.add.s32.msk vm1, v4  }
0x404: {  	v8 =	vld [tilespmem:s12+$0x0];
	_ =	sdelay $0x4  }
0x405: {  	(xrf0) =	vadd.scan.msk.s32 $0xffff, v8;
	_ =	sdelay $0x5  }
0x406: {  	v8, _, _ =	vpop (xrf0)  }
0x407: {  	(v2sf) =	vpush v8, $0xF;
	_ =	sdelay $0x1  }
0x408: {  	s21 =	simm.s32 $0x77E0  }
0x409: {  	v8 =	vld [tilespmem:s21+$0x0];
	_ =	sdelay $0x2  }
0x40a: {  	s22 =	simm.s32 $0x77D0  }
0x40b: {  	v9 =	vld [tilespmem:s22+$0x0]  }
0x40c: {  	(xrf0) =	vadd.scan.msk.s32 $0xffff, v8;
	_ =	sdelay $0x3  }
0x40d: {  	(xrf0) =	vadd.scan.msk.s32 $0xffff, v9;
	_ =	sdelay $0x1  }
0x40e: {  	v9, _, _ =	vpop (xrf0)  }
0x40f: {  	s14 =	spop (v2sf);
	(v2sf) =	vpush v9, $0xF  }
0x410: {  	s24 =	simm.s32 $0x77C0  }
0x411: {  	v8 =	vld [tilespmem:s24+$0x0]  }
0x412: {  	v9, _, _ =	vpop (xrf0)  }
0x413: {  	(v2sf) =	vpush v9, $0xF;
	_ =	sdelay $0x1  }
0x414: {  	s9 =	sadd.s32 s9, s11;
	s11 =	simm.s32 $0x0  }
0x415: {  	s19 =	simm.s32 $0xFF;
	s18 =	simm.s32 $0xFE;
	s17 =	simm.s32 $0xFD;
	(xrf0) =	vadd.scan.msk.s32 $0xffff, v8  }
0x416: {  	s13 =	ssub.s32 $0x384, s9;
	s21 =	simm.s32 $0x77B0;
	s15 =	sadd.s32 $0x0, s14  }
0x417: {  	s16 =	simm.s32 $0xFC;
	p0 =	por $0x1, $0x1;
	v8 =	vld [tilespmem:s21+$0x0];
	p1 =	sge.s32 s15, s13  }
0x418: {  	s20 =	simm.s32 $0x0;
	s12 =	simm.s32 $0xFFFFFFFF;
	p0 =	por !p0, !p1  }
0x419: {  	s22 =	simm.s32 $0xFA;
	s14 =	simm.s32 $0xFB;
	p0 =	por !p0, !p0  }
.LBB2_19:
0x41a: {  	p1 =	seq.s32 s22, $0x0;
	s12 =	smov.u32 @p0 s19;
	s11 =	smov.u32 @p0 s20  }
0x41b: {  	v9, _, _ =	vpop (xrf0);
	s19 =	smov.u32 s18;
	s18 =	smov.u32 s17;
	s17 =	smov.u32 s16  }
0x41c: {  	s16 =	smov.u32 s14;
	s14 =	smov.u32 s22;
	s22 =	sadd.s32 $0xFFFFFFFF, s22;
	(xrf0) =	vadd.scan.msk.s32 $0xffff, v8;
	(v2sf) =	vpush v9, $0xF  }
.Ltmp11:
0x41d: {  	s21 =	sadd.s32 $0xFFFFFFF0, s21;
	s24 =	spop (v2sf);
	(pc) =	sbr.rel @!p1 .LBB2_19-.Ltmp11, $4  }
0x41e: {  	s20 =	smov.u32 s15;
	v8 =	vld [tilespmem:s21+$0x0];
	s15 =	sadd.s32 s15, s24  }
0x41f: {  	p0 =	slt.s32 s12, $0x0;
	p2 =	sge.s32 s15, s13  }
0x420: {  	p0 =	por !p0, !p2  }
0x421: {  	p0 =	por !p0, !p0  }
0x422: {  	_ = 	snop  }
0x423: {  	(xrf0) =	vadd.scan.msk.s32 $0xffff, v8;
	_ =	sdelay $0x1  }
0x424: {  	v8, _, _ =	vpop (xrf0)  }
0x425: {  	(v2sf) =	vpush v8, $0xF;
	_ =	sdelay $0x2  }
0x426: {  	v8, _, _ =	vpop (xrf0)  }
0x427: {  	(v2sf) =	vpush v8, $0xF;
	_ =	sdelay $0x2  }
0x428: {  	s21 =	spop (v2sf)  }
0x429: {  	s12 =	smov.u32 @p0 s19;
	s19 =	sadd.s32 s15, s21  }
0x42a: {  	p1 =	slt.s32 s12, $0x0;
	p2 =	sge.s32 s19, s13  }
0x42b: {  	p1 =	por !p1, !p2  }
0x42c: {  	p1 =	por !p1, !p1;
	s22 =	spop (v2sf)  }
0x42d: {  	s12 =	smov.u32 @p1 s18;
	s18 =	sadd.s32 s19, s22  }
0x42e: {  	p5 =	slt.s32 s12, $0x0;
	p3 =	sge.s32 s18, s13  }
0x42f: {  	p2 =	por !p5, !p3  }
0x430: {  	p2 =	por !p2, !p2;
	s24 =	spop (v2sf)  }
0x431: {  	s12 =	smov.u32 @p2 s17;
	s17 =	sadd.s32 s18, s24  }
0x432: {  	p6 =	slt.s32 s12, $0x0;
	p4 =	sge.s32 s17, s13  }
0x433: {  	p3 =	por !p6, !p4  }
0x434: {  	p3 =	por !p3, !p3;
	s22 =	spop (v2sf)  }
0x435: {  	s11 =	smov.u32 @p0 s20;
	s12 =	smov.u32 @p3 s16;
	s24 =	sadd.s32 s17, s22  }
0x436: {  	s11 =	smov.u32 @p1 s15;
	p5 =	slt.s32 s12, $0x0;
	p6 =	sge.s32 s24, s13  }
0x437: {  	s11 =	smov.u32 @p2 s19;
	p0 =	por !p5, !p6  }
0x438: {  	s11 =	smov.u32 @p3 s18;
	s13 =	simm.s32 $0x40;
	p0 =	por !p0, !p0  }
0x439: {  	s12 =	smov.u32 @p0 s14;
	s11 =	smov.u32 @p0 s17;
	s14 =	simm.s32 $0x0  }
.LBB2_21:
0x43a: {  	p0 =	seq.s32 s13, $0x3FC0;
	[tilespmem:s14+$0x6800] =	vst v2;
	s14 =	smov.u32 s13;
	s13 =	sadd.s32 $0x40, s13  }
.Ltmp12:
0x43b: {  	(pc) =	sbr.rel @!p0 .LBB2_21-.Ltmp12, $2  }
0x43c: {  	_ =	sdelay $0x2  }
0x43d: {  	s14 =	sshra.s32 s14, $0x2  }
0x43e: {  	s12 =	sshll.u32 s12, $0x8  }
0x43f: {  	s10 =	sor.u32 s10, s12  }
0x440: {  	[tilespmem:s14+$0x6800] =	vst v2;
	s13 =	simm.s32 $0x0;
	s12 =	simm.s32 $0x40;
	v8 =	vmov s10  }
.LBB2_23:
0x441: {  	p0 =	sne.s32 s12, $0xCFC0;
	v9 =	vld [tilespmem:s13+$0x3400];
	_ =	sdelay $0x4  }
0x442: {  	v10 =	vand.u32 $0xFFFFFF00, v9;
	v9 =	vshll.u32 v9, $0x4  }
0x443: {  	vm1 =	veq.s32 v10, v8;
	v9 =	vor.u32 v0, v9  }
0x444: {  	v9 =	vand.u32 $0xFFF, v9  }
.Ltmp13:
0x445: {  	(pc) =	sbr.rel @p0 .LBB2_23-.Ltmp13, $2  }
0x446: {  	_ =	sdelay $0x2  }
0x447: {  	s13 =	sshra.s32 s12, $0x2;
	s12 =	sadd.s32 $0x40, s12;
	[tilespmem:v9+s28+$0x0] =	vst.idx.add.s32.msk vm1, v4  }
0x448: {  	v9 =	vld [tilespmem:s13+$0x3400];
	_ =	sdelay $0x4  }
0x449: {  	v10 =	vand.u32 $0xFFFFFF00, v9;
	v9 =	vshll.u32 v9, $0x4  }
0x44a: {  	vm1 =	veq.s32 v10, v8;
	v8 =	vor.u32 v0, v9  }
0x44b: {  	v8 =	vand.u32 $0xFFF, v8;
	_ =	sdelay $0x4  }
0x44c: {  	s12 =	simm.s32 $0x77F0;
	[tilespmem:v8+s28+$0x0] =	vst.idx.add.s32.msk vm1, v4  }
0x44d: {  	v8 =	vld [tilespmem:s12+$0x0];
	_ =	sdelay $0x4  }
0x44e: {  	(xrf0) =	vadd.scan.msk.s32 $0xffff, v8;
	_ =	sdelay $0x5  }
0x44f: {  	v8, _, _ =	vpop (xrf0)  }
0x450: {  	(v2sf) =	vpush v8, $0xF;
	_ =	sdelay $0x1  }
0x451: {  	s21 =	simm.s32 $0x77E0  }
0x452: {  	v8 =	vld [tilespmem:s21+$0x0];
	_ =	sdelay $0x2  }
0x453: {  	s22 =	simm.s32 $0x77D0  }
0x454: {  	v9 =	vld [tilespmem:s22+$0x0]  }
0x455: {  	(xrf0) =	vadd.scan.msk.s32 $0xffff, v8;
	_ =	sdelay $0x3  }
0x456: {  	(xrf0) =	vadd.scan.msk.s32 $0xffff, v9;
	_ =	sdelay $0x1  }
0x457: {  	v9, _, _ =	vpop (xrf0)  }
0x458: {  	s14 =	spop (v2sf);
	(v2sf) =	vpush v9, $0xF  }
0x459: {  	s24 =	simm.s32 $0x77C0  }
0x45a: {  	v8 =	vld [tilespmem:s24+$0x0]  }
0x45b: {  	v9, _, _ =	vpop (xrf0)  }
0x45c: {  	(v2sf) =	vpush v9, $0xF;
	_ =	sdelay $0x1  }
0x45d: {  	s9 =	sadd.s32 s9, s11;
	s11 =	simm.s32 $0xFFFFFFFF  }
0x45e: {  	s19 =	simm.s32 $0xFF;
	s18 =	simm.s32 $0xFE;
	s17 =	simm.s32 $0xFD;
	(xrf0) =	vadd.scan.msk.s32 $0xffff, v8  }
0x45f: {  	s13 =	ssub.s32 $0x384, s9;
	s21 =	simm.s32 $0x77B0;
	s15 =	sadd.s32 $0x0, s14  }
0x460: {  	s16 =	simm.s32 $0xFC;
	p0 =	por $0x1, $0x1;
	v8 =	vld [tilespmem:s21+$0x0];
	p1 =	sge.s32 s15, s13  }
0x461: {  	s20 =	simm.s32 $0x0;
	s12 =	simm.s32 $0x0;
	p0 =	por !p0, !p1  }
0x462: {  	s22 =	simm.s32 $0xFA;
	s14 =	simm.s32 $0xFB;
	p0 =	por !p0, !p0  }
.LBB2_25:
0x463: {  	p1 =	seq.s32 s22, $0x0;
	s11 =	smov.u32 @p0 s19;
	s12 =	smov.u32 @p0 s20  }
0x464: {  	v9, _, _ =	vpop (xrf0);
	s19 =	smov.u32 s18;
	s18 =	smov.u32 s17;
	s17 =	smov.u32 s16  }
0x465: {  	s16 =	smov.u32 s14;
	s14 =	smov.u32 s22;
	s22 =	sadd.s32 $0xFFFFFFFF, s22;
	(xrf0) =	vadd.scan.msk.s32 $0xffff, v8;
	(v2sf) =	vpush v9, $0xF  }
.Ltmp14:
0x466: {  	s21 =	sadd.s32 $0xFFFFFFF0, s21;
	s24 =	spop (v2sf);
	(pc) =	sbr.rel @!p1 .LBB2_25-.Ltmp14, $4  }
0x467: {  	s20 =	smov.u32 s15;
	v8 =	vld [tilespmem:s21+$0x0];
	s15 =	sadd.s32 s15, s24  }
0x468: {  	p0 =	slt.s32 s11, $0x0;
	p2 =	sge.s32 s15, s13  }
0x469: {  	p0 =	por !p0, !p2  }
0x46a: {  	p0 =	por !p0, !p0  }
0x46b: {  	_ = 	snop  }
0x46c: {  	(xrf0) =	vadd.scan.msk.s32 $0xffff, v8;
	_ =	sdelay $0x1  }
0x46d: {  	v8, _, _ =	vpop (xrf0)  }
0x46e: {  	(v2sf) =	vpush v8, $0xF;
	_ =	sdelay $0x2  }
0x46f: {  	v8, _, _ =	vpop (xrf0)  }
0x470: {  	(v2sf) =	vpush v8, $0xF;
	_ =	sdelay $0x2  }
0x471: {  	s21 =	spop (v2sf)  }
0x472: {  	s11 =	smov.u32 @p0 s19;
	s19 =	sadd.s32 s15, s21  }
0x473: {  	p1 =	slt.s32 s11, $0x0;
	p2 =	sge.s32 s19, s13  }
0x474: {  	p1 =	por !p1, !p2  }
0x475: {  	p1 =	por !p1, !p1;
	s22 =	spop (v2sf)  }
0x476: {  	s11 =	smov.u32 @p1 s18;
	s18 =	sadd.s32 s19, s22  }
0x477: {  	p5 =	slt.s32 s11, $0x0;
	p3 =	sge.s32 s18, s13  }
0x478: {  	p2 =	por !p5, !p3  }
0x479: {  	p2 =	por !p2, !p2;
	s24 =	spop (v2sf)  }
0x47a: {  	s11 =	smov.u32 @p2 s17;
	s17 =	sadd.s32 s18, s24  }
0x47b: {  	p6 =	slt.s32 s11, $0x0;
	p4 =	sge.s32 s17, s13  }
0x47c: {  	p3 =	por !p6, !p4  }
0x47d: {  	p3 =	por !p3, !p3;
	s22 =	spop (v2sf)  }
0x47e: {  	s12 =	smov.u32 @p0 s20;
	s11 =	smov.u32 @p3 s16;
	s24 =	sadd.s32 s17, s22  }
0x47f: {  	s12 =	smov.u32 @p1 s15;
	p5 =	slt.s32 s11, $0x0;
	p6 =	sge.s32 s24, s13  }
0x480: {  	s12 =	smov.u32 @p2 s19;
	p0 =	por !p5, !p6  }
0x481: {  	s12 =	smov.u32 @p3 s18;
	s13 =	simm.s32 $0x40;
	p0 =	por !p0, !p0  }
0x482: {  	s11 =	smov.u32 @p0 s14;
	s12 =	smov.u32 @p0 s17;
	s14 =	simm.s32 $0x0  }
.LBB2_27:
0x483: {  	p0 =	seq.s32 s13, $0xFC0;
	[tilespmem:s14+$0x9000] =	vst v1;
	s14 =	smov.u32 s13;
	s13 =	sadd.s32 $0x40, s13  }
.Ltmp15:
0x484: {  	(pc) =	sbr.rel @!p0 .LBB2_27-.Ltmp15, $2  }
0x485: {  	_ =	sdelay $0x2  }
0x486: {  	s14 =	sshra.s32 s14, $0x2  }
0x487: {  	[tilespmem:s14+$0x9000] =	vst v1;
	s18 =	simm.s32 $0x0  }
0x488: {  	v9 =	vld [tilespmem:s18+$0x3400];
	_ =	sdelay $0x2  }
0x489: {  	s14 =	sor.u32 s10, s11  }
0x48a: {  	v8 =	vmov s14  }
0x48b: {  	vm1 =	vgt.s32 v9, v8;
	vm2 =	veq.s32 v9, v8  }
0x48c: {  	v10 =	vsel vm2, $0x1, v2;
	v11 =	vsel vm1, v9, v8  }
0x48d: {  	v11 =	vxor.u32 $0x80000000, v11;
	(xrf0) =	vadd.scan.msk.s32 $0xffff, v10  }
0x48e: {  	v12 =	vsel vm1, $0x1, v2;
	(xrf0) =	vmax.scan.msk.u32 $0xffff, v11  }
0x48f: {  	(xrf0) =	vadd.scan.msk.s32 $0xffff, v12;
	_ =	sdelay $0x3  }
0x490: {  	v11, _, _ =	vpop (xrf0)  }
0x491: {  	s9 =	sadd.s32 s9, s12;
	v13, _, _ =	vpop (xrf0);
	(v2sf) =	vpush v11, $0xF  }
0x492: {  	s19 =	sadd.s32 $0x0, s9;
	v10 =	vsub.s32 v11, v10;
	v11, _, _ =	vpop (xrf0);
	(v2sf) =	vpush v13, $0xF  }
0x493: {  	s17 =	simm.s32 $0x0;
	v10 =	vadd.s32 s19, v10;
	v12 =	vsub.s32 v11, v12;
	(v2sf) =	vpush v11, $0xF  }
0x494: {  	vm3 =	vlt.s32 v10, $0x384;
	v11 =	vadd.s32 s17, v12  }
0x495: {  	vm4 =	vlt.s32 v10, $0x3FF;
	vm2 =	vmand vm2, vm3  }
0x496: {  	v10 =	vnsel vm4, $0x3FF, v10;
	_ =	sdelay $0x1  }
0x497: {  	s17 =	rddreg [dreg:$0x15]  }
0x498: {  	v12 =	vor.u32 s17, v0;
	[tilespmem:v11+s29+$0x0] =	vst.idx.msk vm1, v9  }
0x499: {  	[tilespmem:v11+s30+$0x0] =	vst.idx.msk vm1, v12  }
0x49a: {  	s20 =	simm.s32 $0x10;
	[tilespmem:v10+s31+$0x0] =	vst.idx.msk vm2, v12  }
0x49b: {  	v9 =	vld [tilespmem:s20+$0x3400];
	_ =	sdelay $0x3  }
0x49c: {  	s21 =	spop (v2sf)  }
0x49d: {  	s16 =	simm.s32 $0x80;
	s10 =	smov.u32 s14;
	vm1 =	vgt.s32 v9, v8;
	vm2 =	veq.s32 v9, v8;
	s22 =	spop (v2sf)  }
0x49e: {  	s11 =	smov.u32 s17;
	v11 =	vsel vm2, $0x1, v2;
	v12 =	vsel vm1, v9, v8;
	s15 =	sxor.u32 $0x80000000, s22;
	s24 =	spop (v2sf)  }
0x49f: {  	s12 =	sadd.s32 $0x0, s21;
	v10 =	vsel vm1, $0x1, v2;
	v12 =	vxor.u32 $0x80000000, v12;
	(xrf0) =	vadd.scan.msk.s32 $0xffff, v11;
	p1 =	sgt.s32 s14, s15;
	s13 =	sadd.s32 $0x0, s24  }
.LBB2_29:
0x4a0: {  	s17 =	smov.u32 s10;
	s10 =	smov.u32 s15;
	s11 =	sadd.s32 $0x10, s11  }
0x4a1: {  	s15 =	smov.u32 s16;
	(xrf0) =	vmax.scan.msk.u32 $0xffff, v12;
	s10 =	smov.u32 @p1 s17;
	s17 =	sadd.s32 $0x40, s16  }
0x4a2: {  	p0 =	sne.s32 s16, $0xCFC0;
	(xrf0) =	vadd.scan.msk.s32 $0xffff, v10;
	_ =	sdelay $0x3  }
0x4a3: {  	v12, _, _ =	vpop (xrf0)  }
0x4a4: {  	s16 =	sadd.s32 s9, s12;
	v11 =	vsub.s32 v12, v11;
	v13, _, _ =	vpop (xrf0);
	(v2sf) =	vpush v12, $0xF  }
0x4a5: {  	v11 =	vadd.s32 s16, v11;
	v12, _, _ =	vpop (xrf0);
	(v2sf) =	vpush v13, $0xF  }
0x4a6: {  	v10 =	vsub.s32 v12, v10;
	vm3 =	vlt.s32 v11, $0x384;
	(v2sf) =	vpush v12, $0xF  }
0x4a7: {  	vm4 =	vlt.s32 v11, $0x3FF;
	v10 =	vadd.s32 s13, v10;
	vm2 =	vmand vm2, vm3  }
0x4a8: {  	v11 =	vnsel vm4, $0x3FF, v11;
	_ =	sdelay $0x3  }
0x4a9: {  	v12 =	vor.u32 s11, v0;
	[tilespmem:v10+s29+$0x0] =	vst.idx.msk vm1, v9  }
0x4aa: {  	[tilespmem:v10+s30+$0x0] =	vst.idx.msk vm1, v12  }
0x4ab: {  	s15 =	sshra.s32 s15, $0x2;
	[tilespmem:v11+s31+$0x0] =	vst.idx.msk vm2, v12  }
0x4ac: {  	v9 =	vld [tilespmem:s15+$0x3400];
	_ =	sdelay $0x2  }
.Ltmp16:
0x4ad: {  	(pc) =	sbr.rel @p0 .LBB2_29-.Ltmp16, $4  }
0x4ae: {  	s15 =	spop (v2sf)  }
0x4af: {  	vm1 =	vgt.s32 v9, v8;
	vm2 =	veq.s32 v9, v8;
	s12 =	sadd.s32 s12, s15;
	s15 =	spop (v2sf)  }
0x4b0: {  	v10 =	vsel vm1, $0x1, v2;
	v11 =	vsel vm2, $0x1, v2;
	v12 =	vsel vm1, v9, v8;
	s15 =	sxor.u32 $0x80000000, s15;
	s16 =	spop (v2sf)  }
0x4b1: {  	v12 =	vxor.u32 $0x80000000, v12;
	(xrf0) =	vadd.scan.msk.s32 $0xffff, v11;
	p1 =	sgt.s32 s10, s15;
	s13 =	sadd.s32 s13, s16;
	s16 =	smov.u32 s17  }
0x4b2: {  	(xrf0) =	vmax.scan.msk.u32 $0xffff, v12;
	_ =	sdelay $0x4  }
0x4b3: {  	v8, _, _ =	vpop (xrf0)  }
0x4b4: {  	v12, _, _ =	vpop (xrf0);
	(v2sf) =	vpush v8, $0xF  }
0x4b5: {  	(v2sf) =	vpush v12, $0xF;
	_ =	sdelay $0x3  }
0x4b6: {  	(xrf0) =	vadd.scan.msk.s32 $0xffff, v10;
	_ =	sdelay $0x5  }
0x4b7: {  	v61, _, _ =	vpop (xrf0)  }
0x4b8: {  	(v2sf) =	vpush v61, $0xF;
	_ =	sdelay $0x2  }
0x4b9: {  	s12 =	sadd.s32 s9, s12;
	v8 =	vsub.s32 v8, v11;
	s21 =	spop (v2sf)  }
0x4ba: {  	v8 =	vadd.s32 s12, v8;
	s12 =	spop (v2sf)  }
0x4bb: {  	s15 =	smov.u32 @p1 s10;
	s10 =	sxor.u32 $0x80000000, s12  }
0x4bc: {  	p0 =	sgt.s32 s15, s10  }
0x4bd: {  	v62 =	vsub.s32 v61, v10;
	s10 =	smov.u32 @p0 s15  }
0x4be: {  	s22 =	sadd.s32 $0x10, s11;
	s11 =	sshra.s32 s14, $0x1;
	vm3 =	vlt.s32 v8, $0x384;
	v10 =	vadd.s32 s13, v62;
	s10 =	sshra.s32 s10, $0x1  }
0x4bf: {  	vm4 =	vlt.s32 v8, $0x3FF;
	vm2 =	vmand vm2, vm3;
	s10 =	ssub.s32 s10, s11  }
0x4c0: {  	v8 =	vnsel vm4, $0x3FF, v8;
	p0 =	sgt.s32 s10, $0xFF  }
.Ltmp17:
0x4c1: {  	_ = 	snop;
	(pc) =	sbr.rel @!p0 .LBB2_32-.Ltmp17, $4  }
0x4c2: {  	_ = 	snop  }
0x4c3: {  	v63 =	vor.u32 s22, v0;
	[tilespmem:v10+s29+$0x0] =	vst.idx.msk vm1, v9  }
0x4c4: {  	[tilespmem:v10+s30+$0x0] =	vst.idx.msk vm1, v63  }
0x4c5: {  	[tilespmem:v8+s31+$0x0] =	vst.idx.msk vm2, v63;
	s12 =	simm.s32 $0x0;
	s24 =	spop (v2sf)  }
.LBB2_31:
0x4c6: {  	p0 =	sgt.u32 s10, $0x1FF  }
.Ltmp18:
0x4c7: {  	_ = 	snop;
	(pc) =	sbr.rel @p0 .LBB2_31-.Ltmp18, $3  }
0x4c8: {  	_ =	sdelay $0x1  }
0x4c9: {  	s13 =	sshrl.u32 s10, $0x1  }
0x4ca: {  	s12 =	sadd.s32 $0x1, s12;
	s10 =	smov.u32 s13  }
.LBB2_32:
0x4cb: {  	s13 =	simm.s32 $0x40;
	s10 =	simm.s32 $0x0  }
.LBB2_33:
0x4cc: {  	p0 =	sne.s32 s13, $0x3FC0;
	[tilespmem:s10+$0x6800] =	vst v2;
	s10 =	smov.u32 s13;
	s13 =	sadd.s32 $0x40, s13  }
.Ltmp19:
0x4cd: {  	(pc) =	sbr.rel @p0 .LBB2_33-.Ltmp19, $2  }
0x4ce: {  	_ =	sdelay $0x2  }
0x4cf: {  	s10 =	sshra.s32 s10, $0x2  }
0x4d0: {  	s13 =	sadd.s32 $0xF, s9  }
0x4d1: {  	s14 =	sand.u32 $0xF, s13  }
0x4d2: {  	s15 =	sshra.s32 s13, $0x1F;
	p0 =	slt.s32 s13, $0x1;
	p1 =	sne.s32 s14, $0x0  }
0x4d3: {  	s24 =	sshrl.u32 s15, $0x1C;
	p0 =	por !p0, !p1  }
0x4d4: {  	s14 =	simm.s32 $0x1;
	s13 =	sadd.s32 s24, s13;
	p0 =	por !p0, !p0  }
0x4d5: {  	s13 =	sshra.s32 s13, $0x4;
	s14 =	simm.s32 @!p0 $0x0  }
0x4d6: {  	s13 =	ssub.s32 s13, s14  }
0x4d7: {  	p0 =	sgt.s32 s13, $0x0  }
.Ltmp20:
0x4d8: {  	_ = 	snop;
	(pc) =	sbr.rel @!p0 .LBB2_35-.Ltmp20, $2  }
0x4d9: {  	_ =	sdelay $0x2  }
0x4da: {  	[tilespmem:s10+$0x6800] =	vst v2  }
0x4db: {  	p1 =	seq.s32 s13, $0x1  }
.Ltmp21:
0x4dc: {  	_ = 	snop;
	(pc) =	sbr.rel @p1 .LBB2_45-.Ltmp21, $3  }
0x4dd: {  	_ =	sdelay $0x1  }
0x4de: {  	s14 =	simm.s32 $0x7800;
	s10 =	simm.s32 $0x8000  }
0x4df: {  	v8 =	vmov s9;
	v9 =	vmov s11;
	v10 =	vmov s12;
	s11 =	simm.s32 $0x0;
	s12 =	sadd.s32 $0xFFFFFFFF, s13;
	p0 =	por $0x0, $0x0;
	v11 =	vld [tilespmem:s14+$0x0]  }
0x4e0: {  	_ =	sdelay $0x3  }
0x4e1: {  	v11 =	vshra.s32 v11, $0x1  }
0x4e2: {  	v11 =	vsub.s32 v11, v9  }
0x4e3: {  	v11 =	vshrl.u32 v11, v10  }
0x4e4: {  	vm1 =	vgt.s32 v11, $0x0  }
0x4e5: {  	v11 =	vnsel vm1, $0x0, v11  }
0x4e6: {  	v11 =	vmin.u32 v11, $0xFF  }
0x4e7: {  	v12 =	vshll.u32 v11, $0x4  }
0x4e8: {  	v12 =	vor.u32 v0, v12  }
0x4e9: {  	p1 =	seq.s32 s12, $0x1  }
.Ltmp22:
0x4ea: {  	v13 =	vor.u32 s11, v0;
	(pc) =	sbr.rel @p1 .LBB2_47-.Ltmp22, $4  }
0x4eb: {  	vm1 =	vlt.s32 v13, v8  }
0x4ec: {  	[tilespmem:s10+$0x0] =	vst v11;
	v11 =	vsel vm1, $0x1, v2  }
0x4ed: {  	s14 =	simm.s32 $0x7810;
	s15 =	sadd.s32 $0xFFFFFFFF, s12;
	[tilespmem:v12+s28+$0x0] =	vst.idx.add.s32.msk $0xffff, v11  }
0x4ee: {  	p0 =	por $0x1, $0x1;
	s12 =	simm.s32 $0x8000;
	s13 =	simm.s32 $0x0;
	v11 =	vld [tilespmem:s14+$0x0]  }
.LBB2_48:
0x4ef: {  	p1 =	seq.s32 s15, $0x1;
	_ =	sdelay $0x3  }
0x4f0: {  	v11 =	vshra.s32 v11, $0x1  }
0x4f1: {  	v11 =	vsub.s32 v11, v9  }
0x4f2: {  	v11 =	vshrl.u32 v11, v10  }
0x4f3: {  	vm1 =	vgt.s32 v11, $0x0  }
0x4f4: {  	v11 =	vnsel vm1, $0x0, v11  }
0x4f5: {  	s12 =	sadd.s32 $0x10, s12;
	v11 =	vmin.u32 v11, $0xFF  }
0x4f6: {  	[tilespmem:s12+$0x0] =	vst v11;
	v11 =	vshll.u32 v11, $0x4  }
0x4f7: {  	v11 =	vor.u32 v0, v11  }
0x4f8: {  	s13 =	sadd.s32 $0x10, s13  }
.Ltmp23:
0x4f9: {  	v12 =	vor.u32 s13, v0;
	(pc) =	sbr.rel @!p1 .LBB2_48-.Ltmp23, $4  }
0x4fa: {  	vm1 =	vlt.s32 v12, v8  }
0x4fb: {  	v12 =	vsel vm1, $0x1, v2  }
0x4fc: {  	s14 =	sadd.s32 $0x10, s14;
	[tilespmem:v11+s28+$0x0] =	vst.idx.add.s32.msk $0xffff, v12  }
0x4fd: {  	s15 =	sadd.s32 $0xFFFFFFFF, s15;
	v11 =	vld [tilespmem:s14+$0x0]  }
.LBB2_49:
0x4fe: {  	_ =	sdelay $0x3  }
0x4ff: {  	v11 =	vshra.s32 v11, $0x1  }
0x500: {  	v9 =	vsub.s32 v11, v9  }
0x501: {  	v9 =	vshrl.u32 v9, v10  }
0x502: {  	vm1 =	vgt.s32 v9, $0x0  }
0x503: {  	v9 =	vnsel vm1, $0x0, v9  }
0x504: {  	v9 =	vmin.u32 v9, $0xFF  }
0x505: {  	v62 =	vshll.u32 v9, $0x4  }
0x506: {  	s13 =	sadd.s32 @p0 $0x10, s13;
	v10 =	vor.u32 v0, v62  }
0x507: {  	s11 =	smov.u32 @p0 s13  }
0x508: {  	s12 =	sadd.s32 @p0 $0x10, s12;
	v63 =	vor.u32 s11, v0  }
0x509: {  	s10 =	smov.u32 @p0 s12;
	vm1 =	vlt.s32 v63, v8  }
0x50a: {  	v8 =	vsel vm1, $0x1, v2;
	[tilespmem:s10+$0x0] =	vst v9  }
0x50b: {  	[tilespmem:v10+s28+$0x0] =	vst.idx.add.s32.msk $0xffff, v8  }
.LBB2_35:
0x50c: {  	s11 =	simm.s32 $0x77F0  }
0x50d: {  	v8 =	vld [tilespmem:s11+$0x0];
	_ =	sdelay $0x4  }
0x50e: {  	(xrf0) =	vadd.scan.msk.s32 $0xffff, v8;
	_ =	sdelay $0x5  }
0x50f: {  	s19 =	simm.s32 $0x77E0;
	v8, _, _ =	vpop (xrf0)  }
0x510: {  	(v2sf) =	vpush v8, $0xF;
	v8 =	vld [tilespmem:s19+$0x0]  }
0x511: {  	s20 =	simm.s32 $0x77D0  }
0x512: {  	v9 =	vld [tilespmem:s20+$0x0];
	_ =	sdelay $0x2  }
0x513: {  	(xrf0) =	vadd.scan.msk.s32 $0xffff, v8;
	_ =	sdelay $0x1  }
0x514: {  	(xrf0) =	vadd.scan.msk.s32 $0xffff, v9;
	_ =	sdelay $0x3  }
0x515: {  	s21 =	simm.s32 $0x77C0;
	v9, _, _ =	vpop (xrf0)  }
0x516: {  	v10 =	vld [tilespmem:s21+$0x0];
	(v2sf) =	vpush v9, $0xF  }
0x517: {  	v9, _, _ =	vpop (xrf0)  }
0x518: {  	(v2sf) =	vpush v9, $0xF;
	_ =	sdelay $0x2  }
0x519: {  	s22 =	simm.s32 $0x77B0;
	(xrf0) =	vadd.scan.msk.s32 $0xffff, v10  }
0x51a: {  	v8 =	vld [tilespmem:s22+$0x0];
	_ =	sdelay $0x1  }
0x51b: {  	s10 =	simm.s32 $0x0;
	s24 =	simm.s32 $0xFF;
	s14 =	simm.s32 $0x3F8  }
0x51c: {  	s13 =	simm.s32 $0x3F4;
	[smem:s24] =	sst s10;
	s15 =	spop (v2sf)  }
0x51d: {  	s12 =	simm.s32 $0x3F0;
	s16 =	simm.s32 $0x3E8;
	[smem:$0x1FF] =	sst s15  }
0x51e: {  	s17 =	simm.s32 $0x77A0;
	s11 =	simm.s32 $0x3EC;
	(xrf0) =	vadd.scan.msk.s32 $0xffff, v8;
	v8, _, _ =	vpop (xrf0);
	[smem:$0x2FF] =	sst s2  }
.LBB2_36:
0x51f: {  	v9 =	vld [tilespmem:s17+$0x0];
	(v2sf) =	vpush v8, $0xF;
	s18 =	smov.u32 s16;
	p0 =	seq.s32 s16, $0x0  }
.Ltmp24:
0x520: {  	s16 =	sadd.s32 $0xFFFFFFFC, s16;
	(pc) =	sbr.rel @!p0 .LBB2_36-.Ltmp24, $4  }
0x521: {  	s19 =	sshra.s32 s14, $0x2;
	s10 =	sadd.s32 s10, s15;
	s14 =	smov.u32 s13  }
0x522: {  	s13 =	smov.u32 s12;
	[smem:s19] =	sst s10;
	s15 =	spop (v2sf)  }
0x523: {  	s12 =	smov.u32 s11;
	s11 =	smov.u32 s18;
	[smem:s19+$0x100] =	sst s15  }
0x524: {  	s17 =	sadd.s32 $0xFFFFFFF0, s17;
	(xrf0) =	vadd.scan.msk.s32 $0xffff, v9;
	v8, _, _ =	vpop (xrf0);
	[smem:s19+$0x200] =	sst s2  }
0x525: {  	_ =	sdelay $0x2  }
0x526: {  	(v2sf) =	vpush v8, $0xF;
	_ =	sdelay $0x1  }
0x527: {  	v8, _, _ =	vpop (xrf0)  }
0x528: {  	(v2sf) =	vpush v8, $0xF;
	_ =	sdelay $0x4  }
0x529: {  	s14 =	sshra.s32 s14, $0x2;
	s10 =	sadd.s32 s10, s15;
	[dreg:$0x17] =	wrdreg s6  }
0x52a: {  	s20 =	spop (v2sf);
	[smem:s14] =	sst s10  }
0x52b: {  	[smem:s14+$0x100] =	sst s20  }
0x52c: {  	s13 =	sshra.s32 s13, $0x2;
	s10 =	sadd.s32 s10, s20;
	[smem:s14+$0x200] =	sst s2  }
0x52d: {  	[smem:s13] =	sst s10;
	s21 =	spop (v2sf)  }
0x52e: {  	[smem:s13+$0x100] =	sst s21  }
0x52f: {  	s12 =	sshra.s32 s12, $0x2;
	s10 =	sadd.s32 s10, s21;
	[smem:s13+$0x200] =	sst s2  }
0x530: {  	p0 =	sgt.s32 s9, $0x0;
	[smem:s12] =	sst s10;
	s22 =	spop (v2sf)  }
.Ltmp25:
0x531: {  	[smem:s12+$0x100] =	sst s22;
	(pc) =	sbr.rel @!p0 .LBB2_56-.Ltmp25, $4  }
0x532: {  	s11 =	sshra.s32 s11, $0x2;
	s10 =	sadd.s32 s10, s22;
	[smem:s12+$0x200] =	sst s2  }
0x533: {  	[smem:s11] =	sst s10;
	s24 =	spop (v2sf)  }
0x534: {  	[smem:s11+$0x100] =	sst s24  }
0x535: {  	[smem:s11+$0x200] =	sst s2  }
0x536: {  	s10 =	simm.s32 $0x7C00  }
0x537: {  	s11 =	simm.s32 $0x7800;
	s12 =	simm.s32 $0x8000;
	s13 =	smov.u32 s9  }
.LBB2_39:
0x538: {  	v8 =	vld [tilespmem:s12+$0x0];
	_ =	sdelay $0x4  }
0x539: {  	(v2sf) =	vpush v8, $0x0;
	_ =	sdelay $0xe  }
0x53a: {  	s14 =	spop (v2sf)  }
0x53b: {  	s15 =	sld [smem:s14+$0x0]  }
0x53c: {  	s16 =	sld [smem:s14+$0x200];
	_ =	sdelay $0x2  }
0x53d: {  	s15 =	sadd.s32 s15, s16  }
0x53e: {  	v10 =	vld.msk [tilespmem:s11+$0x0 ss:$0x0], $0xffff;
	v9 =	vmov s15;
	_ =	sdelay $0x4  }
0x53f: {  	[tilespmem:v9+s1+$0x0] =	vst.idx.msk $0x1, v10  }
0x540: {  	v10 =	vld.msk [tilespmem:s10+$0x0 ss:$0x0], $0xffff  }
0x541: {  	p0 =	sne.s32 s13, $0x1  }
.Ltmp26:
0x542: {  	_ = 	snop;
	(pc) =	sbr.rel @p0 .LBB2_39-.Ltmp26, $4  }
0x543: {  	_ = 	snop  }
0x544: {  	v8 =	vbroadcast v8, $0x0  }
0x545: {  	s11 =	sadd.s32 $0x1, s11;
	s12 =	sadd.s32 $0x1, s12;
	s24 =	sadd.s32 $0x1, s16;
	[tilespmem:v9+s4+$0x0] =	vst.idx.msk $0x1, v10  }
0x546: {  	s13 =	sadd.s32 $0xFFFFFFFF, s13;
	[smem:s14+$0x200] =	sst s24;
	s10 =	sadd.s32 $0x1, s10;
	[tilespmem:v9+s5+$0x0] =	vst.idx.msk $0x1, v8  }
.Ltmp27:
0x547: {  	(pc) =	sbr.rel .LBB2_41-.Ltmp27, $2  }
0x548: {  	_ =	sdelay $0x2  }
0x549: {  	s10 =	simm.s32 $0x0  }
.LBB2_43:
0x54a: {  	v13 =	vimm.s32 $0x0  }
.LBB2_54:
0x54b: {  	v16 =	vor.u32 s14, v0  }
0x54c: {  	vm2 =	veq.s32 v14, v9;
	vm5 =	vgt.s32 v14, v9;
	vm3 =	vlt.s32 v16, v12  }
0x54d: {  	vm1 =	vge.s32 v16, v10;
	vm4 =	vlt.s32 v16, v11;
	vm2 =	vmand vm3, vm2  }
0x54e: {  	vm1 =	vmand vm1, vm4;
	vm2 =	vmor vm5, vm2  }
0x54f: {  	v9 =	vadd.s32 @p0 v15, v13;
	vm1 =	vmand vm1, vm2  }
0x550: {  	v8 =	vpsel p0, v9, v8;
	v10 =	vsel vm1, $0x1, v2  }
0x551: {  	v8 =	vadd.s32 v10, v8  }
.LBB2_55:
0x552: {  	(xrf0) =	vadd.scan.msk.s32 $0xffff, v8;
	_ =	sdelay $0x5  }
0x553: {  	v8, _, _ =	vpop (xrf0)  }
0x554: {  	(v2sf) =	vpush v8, $0xF;
	_ =	sdelay $0xe  }
0x555: {  	s12 =	spop (v2sf)  }
0x556: {  	v9 =	vld.msk [tilespmem:s10+$0x8800 ss:$0x0], $0xffff;
	s10 =	sadd.s32 $0x1, s10;
	s11 =	sadd.s32 s11, s12  }
0x557: {  	p0 =	sne.s32 s10, s9;
	v8 =	vmov s11  }
.Ltmp28:
0x558: {  	_ = 	snop;
	(pc) =	sbr.rel @!p0 .LBB2_56-.Ltmp28, $2  }
0x559: {  	_ =	sdelay $0x2  }
0x55a: {  	[tilespmem:v8+s31+$0x0] =	vst.idx.msk $0x1, v9  }
.LBB2_41:
0x55b: {  	v8 =	vld [tilespmem:s10+$0x8C00];
	_ =	sdelay $0x4  }
0x55c: {  	(v2sf) =	vpush v8, $0x0;
	_ =	sdelay $0xe  }
0x55d: {  	s12 =	spop (v2sf)  }
0x55e: {  	s11 =	sld [smem:s12+$0x0];
	_ =	sdelay $0x2  }
0x55f: {  	s13 =	sand.u32 $0xF, s11  }
0x560: {  	s14 =	sshra.s32 s11, $0x1F;
	p0 =	slt.s32 s11, $0x1;
	p1 =	sne.s32 s13, $0x0  }
0x561: {  	s12 =	sld [smem:s12+$0x100];
	s24 =	sshrl.u32 s14, $0x1C;
	p0 =	por !p0, !p1  }
0x562: {  	s14 =	simm.s32 $0x1;
	s13 =	sadd.s32 s24, s11;
	p0 =	por !p0, !p0  }
0x563: {  	s13 =	sshra.s32 s13, $0x4;
	s14 =	simm.s32 @!p0 $0x0  }
0x564: {  	s13 =	ssub.s32 s13, s14  }
0x565: {  	s12 =	sadd.s32 s11, s12;
	s14 =	sshll.u32 s13, $0x4  }
0x566: {  	p0 =	sge.s32 s14, s12  }
.Ltmp29:
0x567: {  	_ = 	snop;
	(pc) =	sbr.rel @p0 .LBB2_55-.Ltmp29, $2  }
0x568: {  	_ =	sdelay $0x2  }
0x569: {  	v8 =	vimm.s32 $0x0  }
0x56a: {  	s13 =	sshll.u32 s13, $0x6  }
0x56b: {  	s15 =	sshra.s32 s13, $0x2;
	s13 =	sadd.s32 $0x10, s14  }
0x56c: {  	p1 =	slt.s32 s13, s12  }
.Ltmp30:
0x56d: {  	v9 =	vld.msk [tilespmem:s10+$0x8400 ss:$0x0], $0xffff;
	s15 =	sadd.s32 $0x8400, s15;
	(pc) =	sbr.rel @!p1 .LBB2_43-.Ltmp30, $3  }
0x56e: {  	v14 =	vld [tilespmem:s15+$0x0];
	_ =	sdelay $0x1  }
0x56f: {  	v10 =	vmov s11  }
0x570: {  	v11 =	vmov s12;
	v12 =	vmov s10;
	v8 =	vimm.s32 $0x0;
	p0 =	por $0x0, $0x0  }
0x571: {  	v13 =	vor.u32 s14, v0;
	s14 =	sadd.s32 $0x10, s13  }
0x572: {  	p1 =	slt.s32 s14, s12  }
.Ltmp31:
0x573: {  	s15 =	sadd.s32 $0x10, s15;
	vm1 =	vge.s32 v13, v10;
	vm2 =	veq.s32 v14, v9;
	vm3 =	vlt.s32 v13, v12;
	(pc) =	sbr.rel @!p1 .LBB2_51-.Ltmp31, $4  }
0x574: {  	vm4 =	vlt.s32 v13, v11;
	vm5 =	vgt.s32 v14, v9;
	v14 =	vld [tilespmem:s15+$0x0];
	vm2 =	vmand vm3, vm2  }
0x575: {  	vm1 =	vmand vm1, vm4;
	vm2 =	vmor vm5, vm2  }
0x576: {  	vm1 =	vmand vm1, vm2  }
0x577: {  	p0 =	por $0x1, $0x1;
	v13 =	vimm.s32 $0x0;
	v15 =	vsel vm1, $0x1, v2  }
.LBB2_52:
0x578: {  	v16 =	vor.u32 s13, v0;
	s13 =	smov.u32 s14;
	s14 =	sadd.s32 $0x10, s14  }
0x579: {  	v13 =	vadd.s32 v15, v13;
	p1 =	slt.s32 s14, s12  }
.Ltmp32:
0x57a: {  	s15 =	sadd.s32 $0x10, s15;
	vm1 =	vge.s32 v16, v10;
	vm2 =	veq.s32 v14, v9;
	vm3 =	vlt.s32 v16, v12;
	(pc) =	sbr.rel @p1 .LBB2_52-.Ltmp32, $4  }
0x57b: {  	vm4 =	vlt.s32 v16, v11;
	vm5 =	vgt.s32 v14, v9;
	v14 =	vld [tilespmem:s15+$0x0];
	vm2 =	vmand vm3, vm2  }
0x57c: {  	vm1 =	vmand vm1, vm4;
	vm2 =	vmor vm5, vm2  }
0x57d: {  	vm1 =	vmand vm1, vm2  }
0x57e: {  	v15 =	vsel vm1, $0x1, v2  }
.Ltmp33:
0x57f: {  	(pc) =	sbr.rel .LBB2_54-.Ltmp33, $2  }
0x580: {  	_ =	sdelay $0x2  }
0x581: {  	s14 =	smov.u32 s13  }
.LBB2_51:
.Ltmp34:
0x582: {  	(pc) =	sbr.rel .LBB2_54-.Ltmp34, $2  }
0x583: {  	_ =	sdelay $0x2  }
0x584: {  	s14 =	smov.u32 s13;
	v13 =	vimm.s32 $0x0  }
.LBB2_45:
.Ltmp35:
0x585: {  	(pc) =	sbr.rel .LBB2_49-.Ltmp35, $2  }
0x586: {  	_ =	sdelay $0x2  }
0x587: {  	s12 =	simm.s32 $0x8000;
	s13 =	simm.s32 $0x0  }
.LBB2_47:
.Ltmp36:
0x588: {  	(pc) =	sbr.rel .LBB2_49-.Ltmp36, $2  }
0x589: {  	_ =	sdelay $0x2  }
0x58a: {  	s12 =	simm.s32 $0x8000;
	s13 =	simm.s32 $0x0  }
.LBB2_57:
0x58b: {  	_ =	sfence.sel $0x180000  }
0x58c: {  	[bflag:$0x0] =	sbarrier.arrive $0xFFFF  }
0x58d: {  	_ =	strace $0x90000047  }
0x58e: {  	s0 =	stileid.u32;
	[bflag:$0x2] =	sbarrier.arrive $0xFFFF  }
0x58f: {  	p0 =	sne.s32 s0, $0x0;
	s0 =	rddreg [dreg:$0x2]  }
0x590: {  	s0 =	sadd.s32 @!p0 $0x100000, s0  }
0x591: {  	[sflag:s0] =	ssyncadd.tile.s32 @!p0 $0x1;
	_ =	shalt  }
.Lfunc_end2:
_tile_overlayer_lowered:
.L_overlay_start_2:
0x592: {  	(tag) =	ssettag $0x2  }
0x593: {  	s0 =	rddreg [dreg:$0x0];
	s2 =	stileid.u32  }
0x594: {  	s1 =	rddreg [dreg:$0x1];
	p0 =	sne.s32 s2, $0x0  }
0x595: {  	s3 =	rddreg [dreg:$0x2];
	[bflag:$0x3] =	sbarrier.arrive $0xFFFF;
	s2 =	simm.s32 @!p0 $0x1C03  }
0x596: {  	[timem:s3], [sflag:s2] =	dma.local @!p0 [hbm:s0], s1  }
0x597: {  	s0 =	simm.s32 @!p0 $0x3  }
0x598: {  	_ =	swait.ge @!p0 [sflag:s0], s1  }
0x599: {  	s1 =	ssub.s32 @!p0 $0x0, s1;
	[sflag:s0] =	ssyncset.done @!p0 $0x0  }
0x59a: {  	[sflag:s0] =	ssyncadd.s32 @!p0 s1  }
0x59b: {  	[bflag:$0x3] =	sbarrier.arrive $0xFFFF  }
0x59c: {  	_ =	shalt  }

</sc_bundles>
